<compile_context>
chip_gen: v7x
topology: tpu7x:2x2x1
jax: 0.10.2.dev20260603
libtpu: 0.0.44.dev20260713+nightly
codegen_flags: <defaults>
</compile_context>

<pallas_src>
import jax
import jax.numpy as jnp
import numpy as np
from jax import lax
from jax.experimental import pallas as pl
from jax.experimental.pallas import tpu as pltpu
from jax.experimental.pallas import tpu_sc as plsc

_HEADS = 8
_LEVELS = 4
_POINTS = 4
_DIMS = 256
_D = _DIMS // _HEADS
_SHAPES_NP = np.array([[64, 64], [32, 32], [16, 16], [8, 8]], dtype=np.int64)
_STARTS_NP = np.array([0, 4096, 5120, 5376], dtype=np.int64)
_HW = 5440
_N = 4
_Q = 5440
_NQ = _N * _Q

_NC, _NS = 2, 16
_NW = _NC * _NS
_CQ = 2
_QPW = _NQ // _NW
_STEPS = _QPW // _CQ



def _proj_body(x_ref, w_ref, b_ref, o_ref):
    o_ref[...] = (
        jnp.dot(x_ref[...], w_ref[...], preferred_element_type=jnp.float32)
        + b_ref[...]
    )


def _proj(x, w, b):
    R, K = x.shape
    C = w.shape[1]
    blk = 1088
    return pl.pallas_call(
        _proj_body,
        grid=(R // blk,),
        in_specs=[
            pl.BlockSpec((blk, K), lambda i: (i, 0)),
            pl.BlockSpec((K, C), lambda i: (0, 0)),
            pl.BlockSpec((1, C), lambda i: (0, 0)),
        ],
        out_specs=pl.BlockSpec((blk, C), lambda i: (i, 0)),
        out_shape=jax.ShapeDtypeStruct((R, C), jnp.float32),
    )(x, w, b.reshape(1, C))


def _projb_body(x_ref, w_ref, b_ref, o_ref):
    o_ref[...] = (
        jnp.dot(x_ref[...], w_ref[...], preferred_element_type=jnp.float32)
        + b_ref[...]
    ).astype(jnp.bfloat16)


def _projb(x, w, b):
    R, K = x.shape
    C = w.shape[1]
    blk = 1088
    return pl.pallas_call(
        _projb_body,
        grid=(R // blk,),
        in_specs=[
            pl.BlockSpec((blk, K), lambda i: (i, 0)),
            pl.BlockSpec((K, C), lambda i: (0, 0)),
            pl.BlockSpec((1, C), lambda i: (0, 0)),
        ],
        out_specs=pl.BlockSpec((blk, C), lambda i: (i, 0)),
        out_shape=jax.ShapeDtypeStruct((R, C), jnp.bfloat16),
    )(x, w, b.reshape(1, C))


_PERM = np.empty(256, np.int64)
for _m in range(_HEADS):
    for _i in range(16):
        _PERM[_m * 32 + 2 * _i] = _m * 32 + _i
        _PERM[_m * 32 + 2 * _i + 1] = _m * 32 + 16 + _i



_BQ = 1088
_BLOCKS_PER_N = _Q // _BQ


def _f16_round(x):
    return x


def _idxw_body(q_ref, wox_ref, woy_ref, box_ref, boy_ref, wat_ref, bat_ref,
               seg_ref, px_ref, py_ref, wlf_ref, hlf_ref, iwl_ref, ihl_ref,
               wli_ref, hli_ref, cbase_ref, idx_ref, w_ref):
    qb = q_ref[...]
    offx = jnp.dot(qb, wox_ref[...], preferred_element_type=jnp.float32, precision=lax.Precision.HIGHEST) + box_ref[...]
    offy = jnp.dot(qb, woy_ref[...], preferred_element_type=jnp.float32, precision=lax.Precision.HIGHEST) + boy_ref[...]
    logits = jnp.dot(qb, wat_ref[...], preferred_element_type=jnp.float32, precision=lax.Precision.HIGHEST) + bat_ref[...]
    e = jnp.exp(logits)
    denom = jnp.dot(e, seg_ref[...], preferred_element_type=jnp.float32, precision=lax.Precision.HIGHEST)
    aw = e / denom

    wlf = wlf_ref[...]
    hlf = hlf_ref[...]
    locx = _f16_round(px_ref[...] + offx * iwl_ref[...])
    locy = _f16_round(py_ref[...] + offy * ihl_ref[...])
    x = locx * wlf - 0.5
    y = locy * hlf - 0.5
    x0f = jnp.floor(x)
    y0f = jnp.floor(y)
    fx = x - x0f
    fy = y - y0f
    x0 = x0f.astype(jnp.int32)
    y0 = y0f.astype(jnp.int32)
    wli = wli_ref[...]
    hli = hli_ref[...]

    nb = pl.program_id(0) // _BLOCKS_PER_N
    noff = nb * (_HW * 8)
    cbase = cbase_ref[...] + noff

    for c, (cxi, cyi) in enumerate(((0, 0), (1, 0), (0, 1), (1, 1))):
        xi = x0 + cxi
        yi = y0 + cyi
        valid = ((xi >= 0) & (xi < wli) & (yi >= 0) & (yi < hli)).astype(jnp.float32)
        xc = jnp.clip(xi, 0, wli - 1)
        yc = jnp.clip(yi, 0, hli - 1)
        row = (yc * wli + xc) * 8 + cbase
        wx = fx if cxi else (1.0 - fx)
        wy = fy if cyi else (1.0 - fy)
        idx_ref[:, c * 128:(c + 1) * 128] = row
        w_ref[:, c * 128:(c + 1) * 128] = wx * wy * valid * aw


def _idx_weights(q2, p, W_off, b_off, W_attn, b_attn):
    lane = np.arange(128)
    lane_l = (lane // 4) % 4
    lane_m = lane // 16
    wl = _SHAPES_NP[lane_l, 1].astype(np.float32)
    hl = _SHAPES_NP[lane_l, 0].astype(np.float32)
    wli = _SHAPES_NP[lane_l, 1].astype(np.int32)
    hli = _SHAPES_NP[lane_l, 0].astype(np.int32)
    cbase = (_STARTS_NP[lane_l] * 8 + lane_m).astype(np.int32)
    seg = (lane[:, None] // 16 == lane[None, :] // 16).astype(np.float32)

    px = jnp.tile(jnp.repeat(p[..., 0], _POINTS, axis=-1), (1, 1, _HEADS))
    py = jnp.tile(jnp.repeat(p[..., 1], _POINTS, axis=-1), (1, 1, _HEADS))
    px = px.reshape(_NQ, 128)
    py = py.reshape(_NQ, 128)

    c1 = lambda a: jnp.asarray(a).reshape(1, 128)
    row_spec = pl.BlockSpec((_BQ, 128), lambda i: (i, 0))
    const_spec = pl.BlockSpec((1, 128), lambda i: (0, 0))
    mat_spec = pl.BlockSpec((256, 128), lambda i: (0, 0))

    return pl.pallas_call(
        _idxw_body,
        grid=(_NQ // _BQ,),
        in_specs=[
            pl.BlockSpec((_BQ, 256), lambda i: (i, 0)),
            mat_spec, mat_spec, const_spec, const_spec,
            mat_spec, const_spec,
            pl.BlockSpec((128, 128), lambda i: (0, 0)),
            row_spec, row_spec,
            const_spec, const_spec, const_spec, const_spec,
            const_spec, const_spec, const_spec,
        ],
        out_specs=[
            pl.BlockSpec((_BQ, 512), lambda i: (i, 0)),
            pl.BlockSpec((_BQ, 512), lambda i: (i, 0)),
        ],
        out_shape=[
            jax.ShapeDtypeStruct((_NQ, 512), jnp.int32),
            jax.ShapeDtypeStruct((_NQ, 512), jnp.float32),
        ],
    )(
        q2,
        W_off[:, 0::2], W_off[:, 1::2],
        c1(b_off[0::2]), c1(b_off[1::2]),
        W_attn, c1(b_attn),
        jnp.asarray(seg),
        px, py,
        c1(wl), c1(hl), c1(1.0 / wl), c1(1.0 / hl),
        c1(wli), c1(hli), c1(cbase),
    )




def _sc_body(vflat, idxr, wflat, out, idx_v, w_v, rows_v, out_v, sem):
    wid = lax.axis_index("s") * _NC + lax.axis_index("c")

    def step(s, _):
        qbase = wid * _QPW + s * _CQ
        pltpu.sync_copy(idxr.at[pl.ds(qbase * 4, _CQ * 4)], idx_v)
        pltpu.sync_copy(wflat.at[pl.ds(qbase * 512, _CQ * 512)], w_v)
        descs = [
            pltpu.async_copy(
                vflat.at[idx_v.at[j]],
                rows_v.at[pl.ds(j * 128, 128)],
                sem,
            )
            for j in range(_CQ * 4)
        ]
        for dsc in descs:
            dsc.wait()

        def head(j, _):
            qq = j // 8
            m = j % 8
            off0 = qq * 512 + m * 16
            acc0 = jnp.zeros((16,), jnp.float32)
            acc1 = jnp.zeros((16,), jnp.float32)
            for g in range(4):
                for i in range(16):
                    k = off0 + g * 128 + i
                    wb = plsc.load_gather(w_v, [jnp.full((16,), k, jnp.int32)])
                    r0, r1 = plsc.unpack(rows_v[k], format=plsc.PackFormat.INTERLEAVED)
                    acc0 = acc0 + wb * r0
                    acc1 = acc1 + wb * r1
            o = qq * 256 + m * 32
            out_v[pl.ds(o, 16)] = acc0
            out_v[pl.ds(o + 16, 16)] = acc1
            return 0

        lax.fori_loop(0, _CQ * 8, head, 0)
        pltpu.sync_copy(out_v, out.at[pl.ds(qbase * 256, _CQ * 256)])
        return 0

    lax.fori_loop(0, _STEPS, step, 0)


def _sc_sample(vflat, idxr, wflat):
    mesh = plsc.VectorSubcoreMesh(
        core_axis_name="c", subcore_axis_name="s",
        num_cores=_NC, num_subcores=_NS,
    )
    return pl.kernel(
        _sc_body,
        out_type=jax.ShapeDtypeStruct((_NQ * 256,), jnp.float32),
        mesh=mesh,
        compiler_params=pltpu.CompilerParams(
            needs_layout_passes=False, use_tc_tiling_on_sc=False,
        ),
        scratch_types=[
            pltpu.VMEM((_CQ * 4, 128), jnp.int32),
            pltpu.VMEM((_CQ * 512,), jnp.float32),
            pltpu.VMEM((_CQ * 512, _D), jnp.bfloat16),
            pltpu.VMEM((_CQ * 256,), jnp.float32),
            pltpu.SemaphoreType.DMA,
        ],
    )(vflat, idxr, wflat)




def kernel(q, p, v, shapes, level_index, W_off, b_off, W_attn, b_attn,
           W_in, b_in, W_out, b_out):
    Nb, Qn, C = q.shape

    v_proj = _projb(v.reshape(Nb * _HW, C), W_in[:, _PERM], b_in[_PERM])
    vflat = v_proj.reshape(Nb * _HW * _HEADS, _D)

    q2 = q.reshape(_NQ, C)
    idx, w = _idx_weights(q2, p, W_off, b_off, W_attn, b_attn)

    mid = _sc_sample(vflat, idx.reshape(_NQ * 4, 128), w.reshape(_NQ * 512))
    return _proj(mid.reshape(_NQ, 256), W_out, b_out).reshape(Nb, Qn, C)

# --- scband reference (transcript-rebuilt; emitter-appended) ---
"""Pipeline reference for scband-multi-scale-flash-attn-80788334838526 (READ-ONLY COPY).

The authoritative reference and input builder live on the scoring server;
editing this copy changes nothing except your own understanding.
"""

import math
import jax, jax.numpy as jnp
import numpy as np

HEADS = 8
LEVELS = 4
POINTS = 4
DIMS = 256
N = 4
Q = 5440
SHAPES_NP = np.array([[64, 64], [32, 32], [16, 16], [8, 8]], dtype=np.int64)
LEVEL_START_NP = np.array([0, 4096, 5120, 5376], dtype=np.int64)
HW = int((SHAPES_NP[:, 0] * SHAPES_NP[:, 1]).sum())


def setup_inputs(seed: int = 0):
    key = jax.random.key(seed)
    ks = jax.random.split(key, 8)
    q = jax.random.normal(ks[0], (N, Q, DIMS), jnp.float32)
    p = jax.random.uniform(ks[1], (N, Q, LEVELS, 2), dtype=jnp.float32)
    v = jax.random.normal(ks[2], (N, HW, DIMS), jnp.float32)
    shapes = jnp.asarray(SHAPES_NP)
    level_index = jnp.asarray(LEVEL_START_NP)
    s = 1.0 / math.sqrt(DIMS)
    W_off = jax.random.normal(ks[3], (DIMS, HEADS * LEVELS * POINTS * 2), jnp.float32) * 0.01
    thetas = jnp.arange(HEADS, dtype=jnp.float32) * (2.0 * math.pi / HEADS)
    grid = jnp.stack([jnp.cos(thetas), jnp.sin(thetas)], -1)
    grid = grid / jnp.max(jnp.abs(grid), axis=-1, keepdims=True)
    grid = jnp.tile(grid.reshape(HEADS, 1, 1, 2), (1, LEVELS, POINTS, 1))
    grid = grid * (jnp.arange(POINTS, dtype=jnp.float32) + 1.0).reshape(1, 1, POINTS, 1)
    b_off = grid.reshape(-1)
    W_attn = jax.random.normal(ks[4], (DIMS, HEADS * LEVELS * POINTS), jnp.float32) * 0.01
    b_attn = jnp.zeros((HEADS * LEVELS * POINTS,), jnp.float32)
    W_in = jax.random.normal(ks[5], (DIMS, DIMS), jnp.float32) * s
    b_in = jnp.zeros((DIMS,), jnp.float32)
    W_out = jax.random.normal(ks[6], (DIMS, DIMS), jnp.float32) * s
    b_out = jnp.zeros((DIMS,), jnp.float32)
    return {'q': q, 'p': p, 'v': v, 'shapes': shapes, 'level_index': level_index,
            'W_off': W_off, 'b_off': b_off, 'W_attn': W_attn, 'b_attn': b_attn,
            'W_in': W_in, 'b_in': b_in, 'W_out': W_out, 'b_out': b_out}


def _sample_level(vt, Hl, Wl, x, y):
    # vt: [N, M, Hl*Wl, D]; x, y: [N, Q, M, P] pixel coords (align_corners=False)
    x0 = jnp.floor(x)
    y0 = jnp.floor(y)
    x0i = x0.astype(jnp.int32)
    y0i = y0.astype(jnp.int32)
    x1i = x0i + 1
    y1i = y0i + 1
    wx1 = x - x0
    wx0 = 1.0 - wx1
    wy1 = y - y0
    wy0 = 1.0 - wy1
    Nb, Qn, M, P = x.shape
    D = vt.shape[-1]
    out = jnp.zeros((Nb, M, Qn * P, D), vt.dtype)
    for xi, yi, w in ((x0i, y0i, wx0 * wy0), (x1i, y0i, wx1 * wy0), (x0i, y1i, wx0 * wy1), (x1i, y1i, wx1 * wy1)):
        valid = ((xi >= 0) & (xi < Wl) & (yi >= 0) & (yi < Hl)).astype(vt.dtype)
        lin = jnp.clip(yi, 0, Hl - 1) * Wl + jnp.clip(xi, 0, Wl - 1)
        lin_t = lin.transpose(0, 2, 1, 3).reshape(Nb, M, Qn * P)
        g = jnp.take_along_axis(vt, lin_t[..., None], axis=2)
        w_t = (w * valid).transpose(0, 2, 1, 3).reshape(Nb, M, Qn * P)
        out = out + g * w_t[..., None]
    return out.reshape(Nb, M, Qn, P, D)


def _forward(q, p, v, shapes, starts, W_off, b_off, W_attn, b_attn, W_in, b_in, W_out, b_out):
    Nb, Qn, C = q.shape
    M = HEADS
    D = C // M
    v = v @ W_in + b_in
    v = v.reshape(Nb, -1, M, D)
    off = (q @ W_off + b_off).reshape(Nb, Qn, M, LEVELS, POINTS, 2)
    attn = (q @ W_attn + b_attn).reshape(Nb, Qn, M, LEVELS * POINTS)
    attn = jax.nn.softmax(attn, axis=-1).reshape(Nb, Qn, M, LEVELS, POINTS)
    off_norm = jnp.stack([shapes[:, 1], shapes[:, 0]], -1).astype(q.dtype)
    loc = p[:, :, None, :, None, :] + off / off_norm[None, None, None, :, None, :]
    loc = loc.astype(jnp.float16).astype(q.dtype)  # mirrors .half() in torch
    out = jnp.zeros((Nb, M, Qn, D), q.dtype)
    for l in range(LEVELS):
        Hl = int(SHAPES_NP[l, 0])
        Wl = int(SHAPES_NP[l, 1])
        st = starts[l]
        vl = jax.lax.dynamic_slice_in_dim(v, st, Hl * Wl, axis=1)
        vt = vl.transpose(0, 2, 1, 3)
        x = loc[:, :, :, l, :, 0] * Wl - 0.5
        y = loc[:, :, :, l, :, 1] * Hl - 0.5
        samp = _sample_level(vt, Hl, Wl, x, y)
        aw = attn[:, :, :, l, :].transpose(0, 2, 1, 3)
        out = out + jnp.sum(samp * aw[..., None], axis=3)
    out = out.transpose(0, 2, 1, 3).reshape(Nb, Qn, M * D)
    return out @ W_out + b_out


def reference(q, p, v, shapes, level_index, W_off, b_off, W_attn, b_attn, W_in, b_in, W_out, b_out):
    return _forward(q, p, v, shapes, level_index, W_off, b_off, W_attn, b_attn, W_in, b_in, W_out, b_out)

if __name__ == "__main__":
    import jax
    _d = setup_inputs()
    print(jax.jit(kernel)(*tuple(_d.values())))

</pallas_src>

<mosaic_0001>
#map = affine_map<(d0, d1) -> (0, 0)>
#map1 = affine_map<(d0, d1) -> (0)>
module attributes {stable_mosaic.version = 14 : i64} {
  func.func @_sc_body(%arg0: i32, %arg1: i32, %arg2: memref<174080x32xbf16, #tpu.memory_space<hbm>>, %arg3: memref<87040x128xi32, #tpu.memory_space<hbm>>, %arg4: memref<11141120xf32, #tpu.memory_space<hbm>>, %arg5: memref<5570560xf32, #tpu.memory_space<hbm>>, %arg6: memref<8x128xi32, #tpu.memory_space<vmem>>, %arg7: memref<1024xf32, #tpu.memory_space<vmem>>, %arg8: memref<1024x32xbf16, #tpu.memory_space<vmem>>, %arg9: memref<512xf32, #tpu.memory_space<vmem>>, %arg10: memref<!tpu.dma_semaphore, #tpu.memory_space<semaphore_mem>>) attributes {dimension_semantics = [#tpu.dimension_semantics<core_parallel>, #tpu.dimension_semantics<subcore_parallel>], iteration_bounds = array<i64: 2, 16>, scalar_prefetch = 0 : i64, scratch_operands = 5 : i64, tpu.core_type = #tpu.core_type<sc_vector_subcore>, window_params = [{transform_indices = #map}, {transform_indices = #map}, {transform_indices = #map1}, {transform_indices = #map1}]} {
    %mul3A = arith.constant 2 : i32
    %mul3A_0 = arith.muli %arg1, %mul3A : i32
    %add3A = arith.addi %mul3A_0, %arg0 : i32
    %scan3A = arith.constant 0 : i32
    %scan3A_1 = arith.constant 0 : i32
    %scan3A_2 = arith.constant 340 : i32
    %scan3A_3 = arith.addi %scan3A_1, %scan3A_2 : i32
    %scan3A_4 = arith.constant 1 : i32
    %scan3A_5 = scf.for %scan3A_7 = %scan3A_1 to %scan3A_3 step %scan3A_4 iter_args(%scan3A_8 = %scan3A) -> (i32)  : i32 {
      %mul3A_9 = arith.constant 680 : i32
      %mul3A_10 = arith.muli %add3A, %mul3A_9 : i32
      %mul3A_11 = arith.constant 2 : i32
      %mul3A_12 = arith.muli %scan3A_7, %mul3A_11 : i32
      %add3A_13 = arith.addi %mul3A_10, %mul3A_12 : i32
      %mul3A_14 = arith.constant 4 : i32
      %mul3A_15 = arith.muli %add3A_13, %mul3A_14 : i32
      "tpu.region"() ({
        %run_scoped3A = tpu.sem_alloc : memref<!tpu.dma_semaphore, #tpu.memory_space<semaphore_mem>>
        %dma_start3A_186 = arith.constant 0 : i32
        %dma_start3A_187 = tpu.memref_slice %arg3[%mul3A_15, %dma_start3A_186] : memref<87040x128xi32, #tpu.memory_space<hbm>> -> memref<8x128xi32, #tpu.memory_space<hbm>>
        %dma_start3A_188 = arith.constant 0 : i32
        %dma_start3A_189 = tpu.memref_slice %arg3[%mul3A_15, %dma_start3A_188] : memref<87040x128xi32, #tpu.memory_space<hbm>> -> memref<8x128xi32, #tpu.memory_space<hbm>>
        tpu.enqueue_dma source(%dma_start3A_189 : memref<8x128xi32, #tpu.memory_space<hbm>>) target(%arg6 : memref<8x128xi32, #tpu.memory_space<vmem>>) target_semaphore(%run_scoped3A : memref<!tpu.dma_semaphore, #tpu.memory_space<semaphore_mem>>)
        %dma_wait3A_190 = arith.constant 0 : i32
        %dma_wait3A_191 = tpu.memref_slice %arg3[%mul3A_15, %dma_wait3A_190] : memref<87040x128xi32, #tpu.memory_space<hbm>> -> memref<8x128xi32, #tpu.memory_space<hbm>>
        %dma_wait3A_192 = arith.constant 0 : i32
        %dma_wait3A_193 = tpu.memref_slice %arg3[%mul3A_15, %dma_wait3A_192] : memref<87040x128xi32, #tpu.memory_space<hbm>> -> memref<8x128xi32, #tpu.memory_space<hbm>>
        tpu.wait_dma2 semaphore(%run_scoped3A : memref<!tpu.dma_semaphore, #tpu.memory_space<semaphore_mem>>) src(%dma_wait3A_193 : memref<8x128xi32, #tpu.memory_space<hbm>>) dst(%arg6 : memref<8x128xi32, #tpu.memory_space<vmem>>)
        tpu.yield
      }) : () -> ()
      %mul3A_16 = arith.constant 512 : i32
      %mul3A_17 = arith.muli %add3A_13, %mul3A_16 : i32
      "tpu.region"() ({
        %run_scoped3A = tpu.sem_alloc : memref<!tpu.dma_semaphore, #tpu.memory_space<semaphore_mem>>
        %dma_start3A_186 = tpu.memref_slice %arg4[%mul3A_17] : memref<11141120xf32, #tpu.memory_space<hbm>> -> memref<1024xf32, #tpu.memory_space<hbm>>
        %dma_start3A_187 = tpu.memref_slice %arg4[%mul3A_17] : memref<11141120xf32, #tpu.memory_space<hbm>> -> memref<1024xf32, #tpu.memory_space<hbm>>
        tpu.enqueue_dma source(%dma_start3A_187 : memref<1024xf32, #tpu.memory_space<hbm>>) target(%arg7 : memref<1024xf32, #tpu.memory_space<vmem>>) target_semaphore(%run_scoped3A : memref<!tpu.dma_semaphore, #tpu.memory_space<semaphore_mem>>)
        %dma_wait3A_188 = tpu.memref_slice %arg4[%mul3A_17] : memref<11141120xf32, #tpu.memory_space<hbm>> -> memref<1024xf32, #tpu.memory_space<hbm>>
        %dma_wait3A_189 = tpu.memref_slice %arg4[%mul3A_17] : memref<11141120xf32, #tpu.memory_space<hbm>> -> memref<1024xf32, #tpu.memory_space<hbm>>
        tpu.wait_dma2 semaphore(%run_scoped3A : memref<!tpu.dma_semaphore, #tpu.memory_space<semaphore_mem>>) src(%dma_wait3A_189 : memref<1024xf32, #tpu.memory_space<hbm>>) dst(%arg7 : memref<1024xf32, #tpu.memory_space<vmem>>)
        tpu.yield
      }) : () -> ()
      %dma_start3A = arith.constant 0 : i32
      %dma_start3A_18 = arith.constant 0 : i32
      %dma_start3A_19 = arith.constant 0 : i32
      %dma_start3A_20 = tpu.memref_slice %arg8[%dma_start3A_18, %dma_start3A_19] : memref<1024x32xbf16, #tpu.memory_space<vmem>> -> memref<128x32xbf16, #tpu.memory_space<vmem>>
      %dma_start3A_21 = arith.constant 0 : i32
      %dma_start3A_22 = tpu.memref_slice %arg6[%dma_start3A, %dma_start3A_21] : memref<8x128xi32, #tpu.memory_space<vmem>> -> memref<1x128xi32, #tpu.memory_space<vmem>>
      %dma_start3A_23 = tpu.memref_squeeze %dma_start3A_22 : memref<1x128xi32, #tpu.memory_space<vmem>> -> memref<128xi32, #tpu.memory_space<vmem>>
      %dma_start3A_24 = arith.constant 0 : i32
      %dma_start3A_25 = arith.constant 0 : i32
      %dma_start3A_26 = tpu.memref_slice %arg2[%dma_start3A_24, %dma_start3A_25] : memref<174080x32xbf16, #tpu.memory_space<hbm>> -> memref<174080x32xbf16, #tpu.memory_space<hbm>>
      tpu.enqueue_indirect_dma source(%dma_start3A_26 : memref<174080x32xbf16, #tpu.memory_space<hbm>>) target(%dma_start3A_20 : memref<128x32xbf16, #tpu.memory_space<vmem>>) offsets(%dma_start3A_23 : memref<128xi32, #tpu.memory_space<vmem>>) semaphore(%arg10 : memref<!tpu.dma_semaphore, #tpu.memory_space<semaphore_mem>>)
      %dma_start3A_27 = arith.constant 1 : i32
      %dma_start3A_28 = arith.constant 128 : i32
      %dma_start3A_29 = arith.constant 0 : i32
      %dma_start3A_30 = tpu.memref_slice %arg8[%dma_start3A_28, %dma_start3A_29] : memref<1024x32xbf16, #tpu.memory_space<vmem>> -> memref<128x32xbf16, #tpu.memory_space<vmem>>
      %dma_start3A_31 = arith.constant 0 : i32
      %dma_start3A_32 = tpu.memref_slice %arg6[%dma_start3A_27, %dma_start3A_31] : memref<8x128xi32, #tpu.memory_space<vmem>> -> memref<1x128xi32, #tpu.memory_space<vmem>>
      %dma_start3A_33 = tpu.memref_squeeze %dma_start3A_32 : memref<1x128xi32, #tpu.memory_space<vmem>> -> memref<128xi32, #tpu.memory_space<vmem>>
      %dma_start3A_34 = arith.constant 0 : i32
      %dma_start3A_35 = arith.constant 0 : i32
      %dma_start3A_36 = tpu.memref_slice %arg2[%dma_start3A_34, %dma_start3A_35] : memref<174080x32xbf16, #tpu.memory_space<hbm>> -> memref<174080x32xbf16, #tpu.memory_space<hbm>>
      tpu.enqueue_indirect_dma source(%dma_start3A_36 : memref<174080x32xbf16, #tpu.memory_space<hbm>>) target(%dma_start3A_30 : memref<128x32xbf16, #tpu.memory_space<vmem>>) offsets(%dma_start3A_33 : memref<128xi32, #tpu.memory_space<vmem>>) semaphore(%arg10 : memref<!tpu.dma_semaphore, #tpu.memory_space<semaphore_mem>>)
      %dma_start3A_37 = arith.constant 2 : i32
      %dma_start3A_38 = arith.constant 256 : i32
      %dma_start3A_39 = arith.constant 0 : i32
      %dma_start3A_40 = tpu.memref_slice %arg8[%dma_start3A_38, %dma_start3A_39] : memref<1024x32xbf16, #tpu.memory_space<vmem>> -> memref<128x32xbf16, #tpu.memory_space<vmem>>
      %dma_start3A_41 = arith.constant 0 : i32
      %dma_start3A_42 = tpu.memref_slice %arg6[%dma_start3A_37, %dma_start3A_41] : memref<8x128xi32, #tpu.memory_space<vmem>> -> memref<1x128xi32, #tpu.memory_space<vmem>>
      %dma_start3A_43 = tpu.memref_squeeze %dma_start3A_42 : memref<1x128xi32, #tpu.memory_space<vmem>> -> memref<128xi32, #tpu.memory_space<vmem>>
      %dma_start3A_44 = arith.constant 0 : i32
      %dma_start3A_45 = arith.constant 0 : i32
      %dma_start3A_46 = tpu.memref_slice %arg2[%dma_start3A_44, %dma_start3A_45] : memref<174080x32xbf16, #tpu.memory_space<hbm>> -> memref<174080x32xbf16, #tpu.memory_space<hbm>>
      tpu.enqueue_indirect_dma source(%dma_start3A_46 : memref<174080x32xbf16, #tpu.memory_space<hbm>>) target(%dma_start3A_40 : memref<128x32xbf16, #tpu.memory_space<vmem>>) offsets(%dma_start3A_43 : memref<128xi32, #tpu.memory_space<vmem>>) semaphore(%arg10 : memref<!tpu.dma_semaphore, #tpu.memory_space<semaphore_mem>>)
      %dma_start3A_47 = arith.constant 3 : i32
      %dma_start3A_48 = arith.constant 384 : i32
      %dma_start3A_49 = arith.constant 0 : i32
      %dma_start3A_50 = tpu.memref_slice %arg8[%dma_start3A_48, %dma_start3A_49] : memref<1024x32xbf16, #tpu.memory_space<vmem>> -> memref<128x32xbf16, #tpu.memory_space<vmem>>
      %dma_start3A_51 = arith.constant 0 : i32
      %dma_start3A_52 = tpu.memref_slice %arg6[%dma_start3A_47, %dma_start3A_51] : memref<8x128xi32, #tpu.memory_space<vmem>> -> memref<1x128xi32, #tpu.memory_space<vmem>>
      %dma_start3A_53 = tpu.memref_squeeze %dma_start3A_52 : memref<1x128xi32, #tpu.memory_space<vmem>> -> memref<128xi32, #tpu.memory_space<vmem>>
      %dma_start3A_54 = arith.constant 0 : i32
      %dma_start3A_55 = arith.constant 0 : i32
      %dma_start3A_56 = tpu.memref_slice %arg2[%dma_start3A_54, %dma_start3A_55] : memref<174080x32xbf16, #tpu.memory_space<hbm>> -> memref<174080x32xbf16, #tpu.memory_space<hbm>>
      tpu.enqueue_indirect_dma source(%dma_start3A_56 : memref<174080x32xbf16, #tpu.memory_space<hbm>>) target(%dma_start3A_50 : memref<128x32xbf16, #tpu.memory_space<vmem>>) offsets(%dma_start3A_53 : memref<128xi32, #tpu.memory_space<vmem>>) semaphore(%arg10 : memref<!tpu.dma_semaphore, #tpu.memory_space<semaphore_mem>>)
      %dma_start3A_57 = arith.constant 4 : i32
      %dma_start3A_58 = arith.constant 512 : i32
      %dma_start3A_59 = arith.constant 0 : i32
      %dma_start3A_60 = tpu.memref_slice %arg8[%dma_start3A_58, %dma_start3A_59] : memref<1024x32xbf16, #tpu.memory_space<vmem>> -> memref<128x32xbf16, #tpu.memory_space<vmem>>
      %dma_start3A_61 = arith.constant 0 : i32
      %dma_start3A_62 = tpu.memref_slice %arg6[%dma_start3A_57, %dma_start3A_61] : memref<8x128xi32, #tpu.memory_space<vmem>> -> memref<1x128xi32, #tpu.memory_space<vmem>>
      %dma_start3A_63 = tpu.memref_squeeze %dma_start3A_62 : memref<1x128xi32, #tpu.memory_space<vmem>> -> memref<128xi32, #tpu.memory_space<vmem>>
      %dma_start3A_64 = arith.constant 0 : i32
      %dma_start3A_65 = arith.constant 0 : i32
      %dma_start3A_66 = tpu.memref_slice %arg2[%dma_start3A_64, %dma_start3A_65] : memref<174080x32xbf16, #tpu.memory_space<hbm>> -> memref<174080x32xbf16, #tpu.memory_space<hbm>>
      tpu.enqueue_indirect_dma source(%dma_start3A_66 : memref<174080x32xbf16, #tpu.memory_space<hbm>>) target(%dma_start3A_60 : memref<128x32xbf16, #tpu.memory_space<vmem>>) offsets(%dma_start3A_63 : memref<128xi32, #tpu.memory_space<vmem>>) semaphore(%arg10 : memref<!tpu.dma_semaphore, #tpu.memory_space<semaphore_mem>>)
      %dma_start3A_67 = arith.constant 5 : i32
      %dma_start3A_68 = arith.constant 640 : i32
      %dma_start3A_69 = arith.constant 0 : i32
      %dma_start3A_70 = tpu.memref_slice %arg8[%dma_start3A_68, %dma_start3A_69] : memref<1024x32xbf16, #tpu.memory_space<vmem>> -> memref<128x32xbf16, #tpu.memory_space<vmem>>
      %dma_start3A_71 = arith.constant 0 : i32
      %dma_start3A_72 = tpu.memref_slice %arg6[%dma_start3A_67, %dma_start3A_71] : memref<8x128xi32, #tpu.memory_space<vmem>> -> memref<1x128xi32, #tpu.memory_space<vmem>>
      %dma_start3A_73 = tpu.memref_squeeze %dma_start3A_72 : memref<1x128xi32, #tpu.memory_space<vmem>> -> memref<128xi32, #tpu.memory_space<vmem>>
      %dma_start3A_74 = arith.constant 0 : i32
      %dma_start3A_75 = arith.constant 0 : i32
      %dma_start3A_76 = tpu.memref_slice %arg2[%dma_start3A_74, %dma_start3A_75] : memref<174080x32xbf16, #tpu.memory_space<hbm>> -> memref<174080x32xbf16, #tpu.memory_space<hbm>>
      tpu.enqueue_indirect_dma source(%dma_start3A_76 : memref<174080x32xbf16, #tpu.memory_space<hbm>>) target(%dma_start3A_70 : memref<128x32xbf16, #tpu.memory_space<vmem>>) offsets(%dma_start3A_73 : memref<128xi32, #tpu.memory_space<vmem>>) semaphore(%arg10 : memref<!tpu.dma_semaphore, #tpu.memory_space<semaphore_mem>>)
      %dma_start3A_77 = arith.constant 6 : i32
      %dma_start3A_78 = arith.constant 768 : i32
      %dma_start3A_79 = arith.constant 0 : i32
      %dma_start3A_80 = tpu.memref_slice %arg8[%dma_start3A_78, %dma_start3A_79] : memref<1024x32xbf16, #tpu.memory_space<vmem>> -> memref<128x32xbf16, #tpu.memory_space<vmem>>
      %dma_start3A_81 = arith.constant 0 : i32
      %dma_start3A_82 = tpu.memref_slice %arg6[%dma_start3A_77, %dma_start3A_81] : memref<8x128xi32, #tpu.memory_space<vmem>> -> memref<1x128xi32, #tpu.memory_space<vmem>>
      %dma_start3A_83 = tpu.memref_squeeze %dma_start3A_82 : memref<1x128xi32, #tpu.memory_space<vmem>> -> memref<128xi32, #tpu.memory_space<vmem>>
      %dma_start3A_84 = arith.constant 0 : i32
      %dma_start3A_85 = arith.constant 0 : i32
      %dma_start3A_86 = tpu.memref_slice %arg2[%dma_start3A_84, %dma_start3A_85] : memref<174080x32xbf16, #tpu.memory_space<hbm>> -> memref<174080x32xbf16, #tpu.memory_space<hbm>>
      tpu.enqueue_indirect_dma source(%dma_start3A_86 : memref<174080x32xbf16, #tpu.memory_space<hbm>>) target(%dma_start3A_80 : memref<128x32xbf16, #tpu.memory_space<vmem>>) offsets(%dma_start3A_83 : memref<128xi32, #tpu.memory_space<vmem>>) semaphore(%arg10 : memref<!tpu.dma_semaphore, #tpu.memory_space<semaphore_mem>>)
      %dma_start3A_87 = arith.constant 7 : i32
      %dma_start3A_88 = arith.constant 896 : i32
      %dma_start3A_89 = arith.constant 0 : i32
      %dma_start3A_90 = tpu.memref_slice %arg8[%dma_start3A_88, %dma_start3A_89] : memref<1024x32xbf16, #tpu.memory_space<vmem>> -> memref<128x32xbf16, #tpu.memory_space<vmem>>
      %dma_start3A_91 = arith.constant 0 : i32
      %dma_start3A_92 = tpu.memref_slice %arg6[%dma_start3A_87, %dma_start3A_91] : memref<8x128xi32, #tpu.memory_space<vmem>> -> memref<1x128xi32, #tpu.memory_space<vmem>>
      %dma_start3A_93 = tpu.memref_squeeze %dma_start3A_92 : memref<1x128xi32, #tpu.memory_space<vmem>> -> memref<128xi32, #tpu.memory_space<vmem>>
      %dma_start3A_94 = arith.constant 0 : i32
      %dma_start3A_95 = arith.constant 0 : i32
      %dma_start3A_96 = tpu.memref_slice %arg2[%dma_start3A_94, %dma_start3A_95] : memref<174080x32xbf16, #tpu.memory_space<hbm>> -> memref<174080x32xbf16, #tpu.memory_space<hbm>>
      tpu.enqueue_indirect_dma source(%dma_start3A_96 : memref<174080x32xbf16, #tpu.memory_space<hbm>>) target(%dma_start3A_90 : memref<128x32xbf16, #tpu.memory_space<vmem>>) offsets(%dma_start3A_93 : memref<128xi32, #tpu.memory_space<vmem>>) semaphore(%arg10 : memref<!tpu.dma_semaphore, #tpu.memory_space<semaphore_mem>>)
      %dma_wait3A = arith.constant 0 : i32
      %dma_wait3A_97 = arith.constant 0 : i32
      %dma_wait3A_98 = arith.constant 0 : i32
      %dma_wait3A_99 = tpu.memref_slice %arg8[%dma_wait3A_97, %dma_wait3A_98] : memref<1024x32xbf16, #tpu.memory_space<vmem>> -> memref<128x32xbf16, #tpu.memory_space<vmem>>
      %dma_wait3A_100 = arith.constant 0 : i32
      %dma_wait3A_101 = tpu.memref_slice %arg6[%dma_wait3A, %dma_wait3A_100] : memref<8x128xi32, #tpu.memory_space<vmem>> -> memref<1x128xi32, #tpu.memory_space<vmem>>
      %dma_wait3A_102 = tpu.memref_squeeze %dma_wait3A_101 : memref<1x128xi32, #tpu.memory_space<vmem>> -> memref<128xi32, #tpu.memory_space<vmem>>
      %dma_wait3A_103 = arith.constant 0 : i32
      %dma_wait3A_104 = arith.constant 0 : i32
      %dma_wait3A_105 = tpu.memref_slice %arg2[%dma_wait3A_103, %dma_wait3A_104] : memref<174080x32xbf16, #tpu.memory_space<hbm>> -> memref<174080x32xbf16, #tpu.memory_space<hbm>>
      tpu.wait_indirect_dma semaphore(%arg10 : memref<!tpu.dma_semaphore, #tpu.memory_space<semaphore_mem>>) src(%dma_wait3A_105 : memref<174080x32xbf16, #tpu.memory_space<hbm>>) dst(%dma_wait3A_99 : memref<128x32xbf16, #tpu.memory_space<vmem>>)
      %dma_wait3A_106 = arith.constant 1 : i32
      %dma_wait3A_107 = arith.constant 128 : i32
      %dma_wait3A_108 = arith.constant 0 : i32
      %dma_wait3A_109 = tpu.memref_slice %arg8[%dma_wait3A_107, %dma_wait3A_108] : memref<1024x32xbf16, #tpu.memory_space<vmem>> -> memref<128x32xbf16, #tpu.memory_space<vmem>>
      %dma_wait3A_110 = arith.constant 0 : i32
      %dma_wait3A_111 = tpu.memref_slice %arg6[%dma_wait3A_106, %dma_wait3A_110] : memref<8x128xi32, #tpu.memory_space<vmem>> -> memref<1x128xi32, #tpu.memory_space<vmem>>
      %dma_wait3A_112 = tpu.memref_squeeze %dma_wait3A_111 : memref<1x128xi32, #tpu.memory_space<vmem>> -> memref<128xi32, #tpu.memory_space<vmem>>
      %dma_wait3A_113 = arith.constant 0 : i32
      %dma_wait3A_114 = arith.constant 0 : i32
      %dma_wait3A_115 = tpu.memref_slice %arg2[%dma_wait3A_113, %dma_wait3A_114] : memref<174080x32xbf16, #tpu.memory_space<hbm>> -> memref<174080x32xbf16, #tpu.memory_space<hbm>>
      tpu.wait_indirect_dma semaphore(%arg10 : memref<!tpu.dma_semaphore, #tpu.memory_space<semaphore_mem>>) src(%dma_wait3A_115 : memref<174080x32xbf16, #tpu.memory_space<hbm>>) dst(%dma_wait3A_109 : memref<128x32xbf16, #tpu.memory_space<vmem>>)
      %dma_wait3A_116 = arith.constant 2 : i32
      %dma_wait3A_117 = arith.constant 256 : i32
      %dma_wait3A_118 = arith.constant 0 : i32
      %dma_wait3A_119 = tpu.memref_slice %arg8[%dma_wait3A_117, %dma_wait3A_118] : memref<1024x32xbf16, #tpu.memory_space<vmem>> -> memref<128x32xbf16, #tpu.memory_space<vmem>>
      %dma_wait3A_120 = arith.constant 0 : i32
      %dma_wait3A_121 = tpu.memref_slice %arg6[%dma_wait3A_116, %dma_wait3A_120] : memref<8x128xi32, #tpu.memory_space<vmem>> -> memref<1x128xi32, #tpu.memory_space<vmem>>
      %dma_wait3A_122 = tpu.memref_squeeze %dma_wait3A_121 : memref<1x128xi32, #tpu.memory_space<vmem>> -> memref<128xi32, #tpu.memory_space<vmem>>
      %dma_wait3A_123 = arith.constant 0 : i32
      %dma_wait3A_124 = arith.constant 0 : i32
      %dma_wait3A_125 = tpu.memref_slice %arg2[%dma_wait3A_123, %dma_wait3A_124] : memref<174080x32xbf16, #tpu.memory_space<hbm>> -> memref<174080x32xbf16, #tpu.memory_space<hbm>>
      tpu.wait_indirect_dma semaphore(%arg10 : memref<!tpu.dma_semaphore, #tpu.memory_space<semaphore_mem>>) src(%dma_wait3A_125 : memref<174080x32xbf16, #tpu.memory_space<hbm>>) dst(%dma_wait3A_119 : memref<128x32xbf16, #tpu.memory_space<vmem>>)
      %dma_wait3A_126 = arith.constant 3 : i32
      %dma_wait3A_127 = arith.constant 384 : i32
      %dma_wait3A_128 = arith.constant 0 : i32
      %dma_wait3A_129 = tpu.memref_slice %arg8[%dma_wait3A_127, %dma_wait3A_128] : memref<1024x32xbf16, #tpu.memory_space<vmem>> -> memref<128x32xbf16, #tpu.memory_space<vmem>>
      %dma_wait3A_130 = arith.constant 0 : i32
      %dma_wait3A_131 = tpu.memref_slice %arg6[%dma_wait3A_126, %dma_wait3A_130] : memref<8x128xi32, #tpu.memory_space<vmem>> -> memref<1x128xi32, #tpu.memory_space<vmem>>
      %dma_wait3A_132 = tpu.memref_squeeze %dma_wait3A_131 : memref<1x128xi32, #tpu.memory_space<vmem>> -> memref<128xi32, #tpu.memory_space<vmem>>
      %dma_wait3A_133 = arith.constant 0 : i32
      %dma_wait3A_134 = arith.constant 0 : i32
      %dma_wait3A_135 = tpu.memref_slice %arg2[%dma_wait3A_133, %dma_wait3A_134] : memref<174080x32xbf16, #tpu.memory_space<hbm>> -> memref<174080x32xbf16, #tpu.memory_space<hbm>>
      tpu.wait_indirect_dma semaphore(%arg10 : memref<!tpu.dma_semaphore, #tpu.memory_space<semaphore_mem>>) src(%dma_wait3A_135 : memref<174080x32xbf16, #tpu.memory_space<hbm>>) dst(%dma_wait3A_129 : memref<128x32xbf16, #tpu.memory_space<vmem>>)
      %dma_wait3A_136 = arith.constant 4 : i32
      %dma_wait3A_137 = arith.constant 512 : i32
      %dma_wait3A_138 = arith.constant 0 : i32
      %dma_wait3A_139 = tpu.memref_slice %arg8[%dma_wait3A_137, %dma_wait3A_138] : memref<1024x32xbf16, #tpu.memory_space<vmem>> -> memref<128x32xbf16, #tpu.memory_space<vmem>>
      %dma_wait3A_140 = arith.constant 0 : i32
      %dma_wait3A_141 = tpu.memref_slice %arg6[%dma_wait3A_136, %dma_wait3A_140] : memref<8x128xi32, #tpu.memory_space<vmem>> -> memref<1x128xi32, #tpu.memory_space<vmem>>
      %dma_wait3A_142 = tpu.memref_squeeze %dma_wait3A_141 : memref<1x128xi32, #tpu.memory_space<vmem>> -> memref<128xi32, #tpu.memory_space<vmem>>
      %dma_wait3A_143 = arith.constant 0 : i32
      %dma_wait3A_144 = arith.constant 0 : i32
      %dma_wait3A_145 = tpu.memref_slice %arg2[%dma_wait3A_143, %dma_wait3A_144] : memref<174080x32xbf16, #tpu.memory_space<hbm>> -> memref<174080x32xbf16, #tpu.memory_space<hbm>>
      tpu.wait_indirect_dma semaphore(%arg10 : memref<!tpu.dma_semaphore, #tpu.memory_space<semaphore_mem>>) src(%dma_wait3A_145 : memref<174080x32xbf16, #tpu.memory_space<hbm>>) dst(%dma_wait3A_139 : memref<128x32xbf16, #tpu.memory_space<vmem>>)
      %dma_wait3A_146 = arith.constant 5 : i32
      %dma_wait3A_147 = arith.constant 640 : i32
      %dma_wait3A_148 = arith.constant 0 : i32
      %dma_wait3A_149 = tpu.memref_slice %arg8[%dma_wait3A_147, %dma_wait3A_148] : memref<1024x32xbf16, #tpu.memory_space<vmem>> -> memref<128x32xbf16, #tpu.memory_space<vmem>>
      %dma_wait3A_150 = arith.constant 0 : i32
      %dma_wait3A_151 = tpu.memref_slice %arg6[%dma_wait3A_146, %dma_wait3A_150] : memref<8x128xi32, #tpu.memory_space<vmem>> -> memref<1x128xi32, #tpu.memory_space<vmem>>
      %dma_wait3A_152 = tpu.memref_squeeze %dma_wait3A_151 : memref<1x128xi32, #tpu.memory_space<vmem>> -> memref<128xi32, #tpu.memory_space<vmem>>
      %dma_wait3A_153 = arith.constant 0 : i32
      %dma_wait3A_154 = arith.constant 0 : i32
      %dma_wait3A_155 = tpu.memref_slice %arg2[%dma_wait3A_153, %dma_wait3A_154] : memref<174080x32xbf16, #tpu.memory_space<hbm>> -> memref<174080x32xbf16, #tpu.memory_space<hbm>>
      tpu.wait_indirect_dma semaphore(%arg10 : memref<!tpu.dma_semaphore, #tpu.memory_space<semaphore_mem>>) src(%dma_wait3A_155 : memref<174080x32xbf16, #tpu.memory_space<hbm>>) dst(%dma_wait3A_149 : memref<128x32xbf16, #tpu.memory_space<vmem>>)
      %dma_wait3A_156 = arith.constant 6 : i32
      %dma_wait3A_157 = arith.constant 768 : i32
      %dma_wait3A_158 = arith.constant 0 : i32
      %dma_wait3A_159 = tpu.memref_slice %arg8[%dma_wait3A_157, %dma_wait3A_158] : memref<1024x32xbf16, #tpu.memory_space<vmem>> -> memref<128x32xbf16, #tpu.memory_space<vmem>>
      %dma_wait3A_160 = arith.constant 0 : i32
      %dma_wait3A_161 = tpu.memref_slice %arg6[%dma_wait3A_156, %dma_wait3A_160] : memref<8x128xi32, #tpu.memory_space<vmem>> -> memref<1x128xi32, #tpu.memory_space<vmem>>
      %dma_wait3A_162 = tpu.memref_squeeze %dma_wait3A_161 : memref<1x128xi32, #tpu.memory_space<vmem>> -> memref<128xi32, #tpu.memory_space<vmem>>
      %dma_wait3A_163 = arith.constant 0 : i32
      %dma_wait3A_164 = arith.constant 0 : i32
      %dma_wait3A_165 = tpu.memref_slice %arg2[%dma_wait3A_163, %dma_wait3A_164] : memref<174080x32xbf16, #tpu.memory_space<hbm>> -> memref<174080x32xbf16, #tpu.memory_space<hbm>>
      tpu.wait_indirect_dma semaphore(%arg10 : memref<!tpu.dma_semaphore, #tpu.memory_space<semaphore_mem>>) src(%dma_wait3A_165 : memref<174080x32xbf16, #tpu.memory_space<hbm>>) dst(%dma_wait3A_159 : memref<128x32xbf16, #tpu.memory_space<vmem>>)
      %dma_wait3A_166 = arith.constant 7 : i32
      %dma_wait3A_167 = arith.constant 896 : i32
      %dma_wait3A_168 = arith.constant 0 : i32
      %dma_wait3A_169 = tpu.memref_slice %arg8[%dma_wait3A_167, %dma_wait3A_168] : memref<1024x32xbf16, #tpu.memory_space<vmem>> -> memref<128x32xbf16, #tpu.memory_space<vmem>>
      %dma_wait3A_170 = arith.constant 0 : i32
      %dma_wait3A_171 = tpu.memref_slice %arg6[%dma_wait3A_166, %dma_wait3A_170] : memref<8x128xi32, #tpu.memory_space<vmem>> -> memref<1x128xi32, #tpu.memory_space<vmem>>
      %dma_wait3A_172 = tpu.memref_squeeze %dma_wait3A_171 : memref<1x128xi32, #tpu.memory_space<vmem>> -> memref<128xi32, #tpu.memory_space<vmem>>
      %dma_wait3A_173 = arith.constant 0 : i32
      %dma_wait3A_174 = arith.constant 0 : i32
      %dma_wait3A_175 = tpu.memref_slice %arg2[%dma_wait3A_173, %dma_wait3A_174] : memref<174080x32xbf16, #tpu.memory_space<hbm>> -> memref<174080x32xbf16, #tpu.memory_space<hbm>>
      tpu.wait_indirect_dma semaphore(%arg10 : memref<!tpu.dma_semaphore, #tpu.memory_space<semaphore_mem>>) src(%dma_wait3A_175 : memref<174080x32xbf16, #tpu.memory_space<hbm>>) dst(%dma_wait3A_169 : memref<128x32xbf16, #tpu.memory_space<vmem>>)
      %scan3A_176 = arith.constant 0 : i32
      %scan3A_177 = arith.constant 0 : i32
      %scan3A_178 = arith.constant 16 : i32
      %scan3A_179 = arith.addi %scan3A_177, %scan3A_178 : i32
      %scan3A_180 = arith.constant 1 : i32
      %scan3A_181 = scf.for %scan3A_186 = %scan3A_177 to %scan3A_179 step %scan3A_180 iter_args(%scan3A_187 = %scan3A_176) -> (i32)  : i32 {
        %jit3A = arith.constant 8 : i32
        %div3A = arith.divsi %scan3A_186, %jit3A : i32
        %sign3A = arith.constant 0 : i32
        %sign3A_188 = arith.cmpi sgt, %scan3A_186, %sign3A : i32
        %sign3A_189 = arith.extui %sign3A_188 : i1 to i32
        %sign3A_190 = arith.constant 0 : i32
        %sign3A_191 = arith.cmpi slt, %scan3A_186, %sign3A_190 : i32
        %sign3A_192 = arith.extui %sign3A_191 : i1 to i32
        %sign3A_193 = arith.subi %sign3A_189, %sign3A_192 : i32
        %sign3A_194 = arith.constant 0 : i32
        %sign3A_195 = arith.cmpi sgt, %jit3A, %sign3A_194 : i32
        %sign3A_196 = arith.extui %sign3A_195 : i1 to i32
        %sign3A_197 = arith.constant 0 : i32
        %sign3A_198 = arith.cmpi slt, %jit3A, %sign3A_197 : i32
        %sign3A_199 = arith.extui %sign3A_198 : i1 to i32
        %sign3A_200 = arith.subi %sign3A_196, %sign3A_199 : i32
        %ne3A = arith.cmpi ne, %sign3A_193, %sign3A_200 : i32
        %rem3A = arith.remsi %scan3A_186, %jit3A : i32
        %ne3A_201 = arith.constant 0 : i32
        %ne3A_202 = arith.cmpi ne, %rem3A, %ne3A_201 : i32
        %and3A = arith.andi %ne3A, %ne3A_202 : i1
        %sub3A = arith.constant 1 : i32
        %sub3A_203 = arith.subi %div3A, %sub3A : i32
        %select_n3A = arith.select %and3A, %sub3A_203, %div3A : i32
        %jit3A_204 = arith.constant 8 : i32
        %eq3A = arith.constant 0 : i32
        %eq3A_205 = arith.cmpi eq, %jit3A_204, %eq3A : i32
        %jit3A_206 = arith.constant 1 : i32
        %select_n3A_207 = arith.select %eq3A_205, %jit3A_206, %jit3A_204 : i32
        %rem3A_208 = arith.remsi %scan3A_186, %select_n3A_207 : i32
        %ne3A_209 = arith.constant 0 : i32
        %ne3A_210 = arith.cmpi ne, %rem3A_208, %ne3A_209 : i32
        %lt3A = arith.constant 0 : i32
        %lt3A_211 = arith.cmpi slt, %rem3A_208, %lt3A : i32
        %lt3A_212 = arith.constant 0 : i32
        %lt3A_213 = arith.cmpi slt, %select_n3A_207, %lt3A_212 : i32
        %ne3A_214 = arith.xori %lt3A_211, %lt3A_213 : i1
        %and3A_215 = arith.andi %ne3A_214, %ne3A_210 : i1
        %add3A_216 = arith.addi %rem3A_208, %select_n3A_207 : i32
        %select_n3A_217 = arith.select %and3A_215, %add3A_216, %rem3A_208 : i32
        %mul3A_218 = arith.constant 512 : i32
        %mul3A_219 = arith.muli %select_n3A, %mul3A_218 : i32
        %mul3A_220 = arith.constant 16 : i32
        %mul3A_221 = arith.muli %select_n3A_217, %mul3A_220 : i32
        %add3A_222 = arith.addi %mul3A_219, %mul3A_221 : i32
        %broadcast_in_dim3A = arith.constant 0.000000e+00 : f32
        %broadcast_in_dim3A_223 = vector.broadcast %broadcast_in_dim3A : f32 to vector<16xf32>
        %broadcast_in_dim3A_224 = arith.constant 0.000000e+00 : f32
        %broadcast_in_dim3A_225 = vector.broadcast %broadcast_in_dim3A_224 : f32 to vector<16xf32>
        %add3A_226 = arith.constant 0 : i32
        %add3A_227 = arith.addi %add3A_222, %add3A_226 : i32
        %add3A_228 = arith.constant 0 : i32
        %add3A_229 = arith.addi %add3A_227, %add3A_228 : i32
        %broadcast_in_dim3A_230 = vector.broadcast %add3A_229 : i32 to vector<16xi32>
        %gather3A = tpu.vector_load_idx %arg7[%broadcast_in_dim3A_230] : memref<1024xf32, #tpu.memory_space<vmem>>[vector<16xi32>], vector<16xf32>,
        %get3A = arith.index_cast %add3A_229 : i32 to index
        %get3A_231 = arith.constant 0 : index
        %get3A_232 = tpu.vector_load %arg8[%get3A, %get3A_231] {strides = array<i32>} : memref<1024x32xbf16, #tpu.memory_space<vmem>>, vector<32xbf16>,
        %unpack3A = tpu.unpack_subelements %get3A_232, 0 {pack_format = #tpu.pack_format<interleaved>} : vector<32xbf16> -> vector<16xf32>
        %unpack3A_233 = tpu.unpack_subelements %get3A_232, 1 {pack_format = #tpu.pack_format<interleaved>} : vector<32xbf16> -> vector<16xf32>
        %mul3A_234 = arith.mulf %gather3A, %unpack3A : vector<16xf32>
        %add3A_235 = arith.addf %broadcast_in_dim3A_223, %mul3A_234 : vector<16xf32>
        %mul3A_236 = arith.mulf %gather3A, %unpack3A_233 : vector<16xf32>
        %add3A_237 = arith.addf %broadcast_in_dim3A_225, %mul3A_236 : vector<16xf32>
        %add3A_238 = arith.constant 0 : i32
        %add3A_239 = arith.addi %add3A_222, %add3A_238 : i32
        %add3A_240 = arith.constant 1 : i32
        %add3A_241 = arith.addi %add3A_239, %add3A_240 : i32
        %broadcast_in_dim3A_242 = vector.broadcast %add3A_241 : i32 to vector<16xi32>
        %gather3A_243 = tpu.vector_load_idx %arg7[%broadcast_in_dim3A_242] : memref<1024xf32, #tpu.memory_space<vmem>>[vector<16xi32>], vector<16xf32>,
        %get3A_244 = arith.index_cast %add3A_241 : i32 to index
        %get3A_245 = arith.constant 0 : index
        %get3A_246 = tpu.vector_load %arg8[%get3A_244, %get3A_245] {strides = array<i32>} : memref<1024x32xbf16, #tpu.memory_space<vmem>>, vector<32xbf16>,
        %unpack3A_247 = tpu.unpack_subelements %get3A_246, 0 {pack_format = #tpu.pack_format<interleaved>} : vector<32xbf16> -> vector<16xf32>
        %unpack3A_248 = tpu.unpack_subelements %get3A_246, 1 {pack_format = #tpu.pack_format<interleaved>} : vector<32xbf16> -> vector<16xf32>
        %mul3A_249 = arith.mulf %gather3A_243, %unpack3A_247 : vector<16xf32>
        %add3A_250 = arith.addf %add3A_235, %mul3A_249 : vector<16xf32>
        %mul3A_251 = arith.mulf %gather3A_243, %unpack3A_248 : vector<16xf32>
        %add3A_252 = arith.addf %add3A_237, %mul3A_251 : vector<16xf32>
        %add3A_253 = arith.constant 0 : i32
        %add3A_254 = arith.addi %add3A_222, %add3A_253 : i32
        %add3A_255 = arith.constant 2 : i32
        %add3A_256 = arith.addi %add3A_254, %add3A_255 : i32
        %broadcast_in_dim3A_257 = vector.broadcast %add3A_256 : i32 to vector<16xi32>
        %gather3A_258 = tpu.vector_load_idx %arg7[%broadcast_in_dim3A_257] : memref<1024xf32, #tpu.memory_space<vmem>>[vector<16xi32>], vector<16xf32>,
        %get3A_259 = arith.index_cast %add3A_256 : i32 to index
        %get3A_260 = arith.constant 0 : index
        %get3A_261 = tpu.vector_load %arg8[%get3A_259, %get3A_260] {strides = array<i32>} : memref<1024x32xbf16, #tpu.memory_space<vmem>>, vector<32xbf16>,
        %unpack3A_262 = tpu.unpack_subelements %get3A_261, 0 {pack_format = #tpu.pack_format<interleaved>} : vector<32xbf16> -> vector<16xf32>
        %unpack3A_263 = tpu.unpack_subelements %get3A_261, 1 {pack_format = #tpu.pack_format<interleaved>} : vector<32xbf16> -> vector<16xf32>
        %mul3A_264 = arith.mulf %gather3A_258, %unpack3A_262 : vector<16xf32>
        %add3A_265 = arith.addf %add3A_250, %mul3A_264 : vector<16xf32>
        %mul3A_266 = arith.mulf %gather3A_258, %unpack3A_263 : vector<16xf32>
        %add3A_267 = arith.addf %add3A_252, %mul3A_266 : vector<16xf32>
        %add3A_268 = arith.constant 0 : i32
        %add3A_269 = arith.addi %add3A_222, %add3A_268 : i32
        %add3A_270 = arith.constant 3 : i32
        %add3A_271 = arith.addi %add3A_269, %add3A_270 : i32
        %broadcast_in_dim3A_272 = vector.broadcast %add3A_271 : i32 to vector<16xi32>
        %gather3A_273 = tpu.vector_load_idx %arg7[%broadcast_in_dim3A_272] : memref<1024xf32, #tpu.memory_space<vmem>>[vector<16xi32>], vector<16xf32>,
        %get3A_274 = arith.index_cast %add3A_271 : i32 to index
        %get3A_275 = arith.constant 0 : index
        %get3A_276 = tpu.vector_load %arg8[%get3A_274, %get3A_275] {strides = array<i32>} : memref<1024x32xbf16, #tpu.memory_space<vmem>>, vector<32xbf16>,
        %unpack3A_277 = tpu.unpack_subelements %get3A_276, 0 {pack_format = #tpu.pack_format<interleaved>} : vector<32xbf16> -> vector<16xf32>
        %unpack3A_278 = tpu.unpack_subelements %get3A_276, 1 {pack_format = #tpu.pack_format<interleaved>} : vector<32xbf16> -> vector<16xf32>
        %mul3A_279 = arith.mulf %gather3A_273, %unpack3A_277 : vector<16xf32>
        %add3A_280 = arith.addf %add3A_265, %mul3A_279 : vector<16xf32>
        %mul3A_281 = arith.mulf %gather3A_273, %unpack3A_278 : vector<16xf32>
        %add3A_282 = arith.addf %add3A_267, %mul3A_281 : vector<16xf32>
        %add3A_283 = arith.constant 0 : i32
        %add3A_284 = arith.addi %add3A_222, %add3A_283 : i32
        %add3A_285 = arith.constant 4 : i32
        %add3A_286 = arith.addi %add3A_284, %add3A_285 : i32
        %broadcast_in_dim3A_287 = vector.broadcast %add3A_286 : i32 to vector<16xi32>
        %gather3A_288 = tpu.vector_load_idx %arg7[%broadcast_in_dim3A_287] : memref<1024xf32, #tpu.memory_space<vmem>>[vector<16xi32>], vector<16xf32>,
        %get3A_289 = arith.index_cast %add3A_286 : i32 to index
        %get3A_290 = arith.constant 0 : index
        %get3A_291 = tpu.vector_load %arg8[%get3A_289, %get3A_290] {strides = array<i32>} : memref<1024x32xbf16, #tpu.memory_space<vmem>>, vector<32xbf16>,
        %unpack3A_292 = tpu.unpack_subelements %get3A_291, 0 {pack_format = #tpu.pack_format<interleaved>} : vector<32xbf16> -> vector<16xf32>
        %unpack3A_293 = tpu.unpack_subelements %get3A_291, 1 {pack_format = #tpu.pack_format<interleaved>} : vector<32xbf16> -> vector<16xf32>
        %mul3A_294 = arith.mulf %gather3A_288, %unpack3A_292 : vector<16xf32>
        %add3A_295 = arith.addf %add3A_280, %mul3A_294 : vector<16xf32>
        %mul3A_296 = arith.mulf %gather3A_288, %unpack3A_293 : vector<16xf32>
        %add3A_297 = arith.addf %add3A_282, %mul3A_296 : vector<16xf32>
        %add3A_298 = arith.constant 0 : i32
        %add3A_299 = arith.addi %add3A_222, %add3A_298 : i32
        %add3A_300 = arith.constant 5 : i32
        %add3A_301 = arith.addi %add3A_299, %add3A_300 : i32
        %broadcast_in_dim3A_302 = vector.broadcast %add3A_301 : i32 to vector<16xi32>
        %gather3A_303 = tpu.vector_load_idx %arg7[%broadcast_in_dim3A_302] : memref<1024xf32, #tpu.memory_space<vmem>>[vector<16xi32>], vector<16xf32>,
        %get3A_304 = arith.index_cast %add3A_301 : i32 to index
        %get3A_305 = arith.constant 0 : index
        %get3A_306 = tpu.vector_load %arg8[%get3A_304, %get3A_305] {strides = array<i32>} : memref<1024x32xbf16, #tpu.memory_space<vmem>>, vector<32xbf16>,
        %unpack3A_307 = tpu.unpack_subelements %get3A_306, 0 {pack_format = #tpu.pack_format<interleaved>} : vector<32xbf16> -> vector<16xf32>
        %unpack3A_308 = tpu.unpack_subelements %get3A_306, 1 {pack_format = #tpu.pack_format<interleaved>} : vector<32xbf16> -> vector<16xf32>
        %mul3A_309 = arith.mulf %gather3A_303, %unpack3A_307 : vector<16xf32>
        %add3A_310 = arith.addf %add3A_295, %mul3A_309 : vector<16xf32>
        %mul3A_311 = arith.mulf %gather3A_303, %unpack3A_308 : vector<16xf32>
        %add3A_312 = arith.addf %add3A_297, %mul3A_311 : vector<16xf32>
        %add3A_313 = arith.constant 0 : i32
        %add3A_314 = arith.addi %add3A_222, %add3A_313 : i32
        %add3A_315 = arith.constant 6 : i32
        %add3A_316 = arith.addi %add3A_314, %add3A_315 : i32
        %broadcast_in_dim3A_317 = vector.broadcast %add3A_316 : i32 to vector<16xi32>
        %gather3A_318 = tpu.vector_load_idx %arg7[%broadcast_in_dim3A_317] : memref<1024xf32, #tpu.memory_space<vmem>>[vector<16xi32>], vector<16xf32>,
        %get3A_319 = arith.index_cast %add3A_316 : i32 to index
        %get3A_320 = arith.constant 0 : index
        %get3A_321 = tpu.vector_load %arg8[%get3A_319, %get3A_320] {strides = array<i32>} : memref<1024x32xbf16, #tpu.memory_space<vmem>>, vector<32xbf16>,
        %unpack3A_322 = tpu.unpack_subelements %get3A_321, 0 {pack_format = #tpu.pack_format<interleaved>} : vector<32xbf16> -> vector<16xf32>
        %unpack3A_323 = tpu.unpack_subelements %get3A_321, 1 {pack_format = #tpu.pack_format<interleaved>} : vector<32xbf16> -> vector<16xf32>
        %mul3A_324 = arith.mulf %gather3A_318, %unpack3A_322 : vector<16xf32>
        %add3A_325 = arith.addf %add3A_310, %mul3A_324 : vector<16xf32>
        %mul3A_326 = arith.mulf %gather3A_318, %unpack3A_323 : vector<16xf32>
        %add3A_327 = arith.addf %add3A_312, %mul3A_326 : vector<16xf32>
        %add3A_328 = arith.constant 0 : i32
        %add3A_329 = arith.addi %add3A_222, %add3A_328 : i32
        %add3A_330 = arith.constant 7 : i32
        %add3A_331 = arith.addi %add3A_329, %add3A_330 : i32
        %broadcast_in_dim3A_332 = vector.broadcast %add3A_331 : i32 to vector<16xi32>
        %gather3A_333 = tpu.vector_load_idx %arg7[%broadcast_in_dim3A_332] : memref<1024xf32, #tpu.memory_space<vmem>>[vector<16xi32>], vector<16xf32>,
        %get3A_334 = arith.index_cast %add3A_331 : i32 to index
        %get3A_335 = arith.constant 0 : index
        %get3A_336 = tpu.vector_load %arg8[%get3A_334, %get3A_335] {strides = array<i32>} : memref<1024x32xbf16, #tpu.memory_space<vmem>>, vector<32xbf16>,
        %unpack3A_337 = tpu.unpack_subelements %get3A_336, 0 {pack_format = #tpu.pack_format<interleaved>} : vector<32xbf16> -> vector<16xf32>
        %unpack3A_338 = tpu.unpack_subelements %get3A_336, 1 {pack_format = #tpu.pack_format<interleaved>} : vector<32xbf16> -> vector<16xf32>
        %mul3A_339 = arith.mulf %gather3A_333, %unpack3A_337 : vector<16xf32>
        %add3A_340 = arith.addf %add3A_325, %mul3A_339 : vector<16xf32>
        %mul3A_341 = arith.mulf %gather3A_333, %unpack3A_338 : vector<16xf32>
        %add3A_342 = arith.addf %add3A_327, %mul3A_341 : vector<16xf32>
        %add3A_343 = arith.constant 0 : i32
        %add3A_344 = arith.addi %add3A_222, %add3A_343 : i32
        %add3A_345 = arith.constant 8 : i32
        %add3A_346 = arith.addi %add3A_344, %add3A_345 : i32
        %broadcast_in_dim3A_347 = vector.broadcast %add3A_346 : i32 to vector<16xi32>
        %gather3A_348 = tpu.vector_load_idx %arg7[%broadcast_in_dim3A_347] : memref<1024xf32, #tpu.memory_space<vmem>>[vector<16xi32>], vector<16xf32>,
        %get3A_349 = arith.index_cast %add3A_346 : i32 to index
        %get3A_350 = arith.constant 0 : index
        %get3A_351 = tpu.vector_load %arg8[%get3A_349, %get3A_350] {strides = array<i32>} : memref<1024x32xbf16, #tpu.memory_space<vmem>>, vector<32xbf16>,
        %unpack3A_352 = tpu.unpack_subelements %get3A_351, 0 {pack_format = #tpu.pack_format<interleaved>} : vector<32xbf16> -> vector<16xf32>
        %unpack3A_353 = tpu.unpack_subelements %get3A_351, 1 {pack_format = #tpu.pack_format<interleaved>} : vector<32xbf16> -> vector<16xf32>
        %mul3A_354 = arith.mulf %gather3A_348, %unpack3A_352 : vector<16xf32>
        %add3A_355 = arith.addf %add3A_340, %mul3A_354 : vector<16xf32>
        %mul3A_356 = arith.mulf %gather3A_348, %unpack3A_353 : vector<16xf32>
        %add3A_357 = arith.addf %add3A_342, %mul3A_356 : vector<16xf32>
        %add3A_358 = arith.constant 0 : i32
        %add3A_359 = arith.addi %add3A_222, %add3A_358 : i32
        %add3A_360 = arith.constant 9 : i32
        %add3A_361 = arith.addi %add3A_359, %add3A_360 : i32
        %broadcast_in_dim3A_362 = vector.broadcast %add3A_361 : i32 to vector<16xi32>
        %gather3A_363 = tpu.vector_load_idx %arg7[%broadcast_in_dim3A_362] : memref<1024xf32, #tpu.memory_space<vmem>>[vector<16xi32>], vector<16xf32>,
        %get3A_364 = arith.index_cast %add3A_361 : i32 to index
        %get3A_365 = arith.constant 0 : index
        %get3A_366 = tpu.vector_load %arg8[%get3A_364, %get3A_365] {strides = array<i32>} : memref<1024x32xbf16, #tpu.memory_space<vmem>>, vector<32xbf16>,
        %unpack3A_367 = tpu.unpack_subelements %get3A_366, 0 {pack_format = #tpu.pack_format<interleaved>} : vector<32xbf16> -> vector<16xf32>
        %unpack3A_368 = tpu.unpack_subelements %get3A_366, 1 {pack_format = #tpu.pack_format<interleaved>} : vector<32xbf16> -> vector<16xf32>
        %mul3A_369 = arith.mulf %gather3A_363, %unpack3A_367 : vector<16xf32>
        %add3A_370 = arith.addf %add3A_355, %mul3A_369 : vector<16xf32>
        %mul3A_371 = arith.mulf %gather3A_363, %unpack3A_368 : vector<16xf32>
        %add3A_372 = arith.addf %add3A_357, %mul3A_371 : vector<16xf32>
        %add3A_373 = arith.constant 0 : i32
        %add3A_374 = arith.addi %add3A_222, %add3A_373 : i32
        %add3A_375 = arith.constant 10 : i32
        %add3A_376 = arith.addi %add3A_374, %add3A_375 : i32
        %broadcast_in_dim3A_377 = vector.broadcast %add3A_376 : i32 to vector<16xi32>
        %gather3A_378 = tpu.vector_load_idx %arg7[%broadcast_in_dim3A_377] : memref<1024xf32, #tpu.memory_space<vmem>>[vector<16xi32>], vector<16xf32>,
        %get3A_379 = arith.index_cast %add3A_376 : i32 to index
        %get3A_380 = arith.constant 0 : index
        %get3A_381 = tpu.vector_load %arg8[%get3A_379, %get3A_380] {strides = array<i32>} : memref<1024x32xbf16, #tpu.memory_space<vmem>>, vector<32xbf16>,
        %unpack3A_382 = tpu.unpack_subelements %get3A_381, 0 {pack_format = #tpu.pack_format<interleaved>} : vector<32xbf16> -> vector<16xf32>
        %unpack3A_383 = tpu.unpack_subelements %get3A_381, 1 {pack_format = #tpu.pack_format<interleaved>} : vector<32xbf16> -> vector<16xf32>
        %mul3A_384 = arith.mulf %gather3A_378, %unpack3A_382 : vector<16xf32>
        %add3A_385 = arith.addf %add3A_370, %mul3A_384 : vector<16xf32>
        %mul3A_386 = arith.mulf %gather3A_378, %unpack3A_383 : vector<16xf32>
        %add3A_387 = arith.addf %add3A_372, %mul3A_386 : vector<16xf32>
        %add3A_388 = arith.constant 0 : i32
        %add3A_389 = arith.addi %add3A_222, %add3A_388 : i32
        %add3A_390 = arith.constant 11 : i32
        %add3A_391 = arith.addi %add3A_389, %add3A_390 : i32
        %broadcast_in_dim3A_392 = vector.broadcast %add3A_391 : i32 to vector<16xi32>
        %gather3A_393 = tpu.vector_load_idx %arg7[%broadcast_in_dim3A_392] : memref<1024xf32, #tpu.memory_space<vmem>>[vector<16xi32>], vector<16xf32>,
        %get3A_394 = arith.index_cast %add3A_391 : i32 to index
        %get3A_395 = arith.constant 0 : index
        %get3A_396 = tpu.vector_load %arg8[%get3A_394, %get3A_395] {strides = array<i32>} : memref<1024x32xbf16, #tpu.memory_space<vmem>>, vector<32xbf16>,
        %unpack3A_397 = tpu.unpack_subelements %get3A_396, 0 {pack_format = #tpu.pack_format<interleaved>} : vector<32xbf16> -> vector<16xf32>
        %unpack3A_398 = tpu.unpack_subelements %get3A_396, 1 {pack_format = #tpu.pack_format<interleaved>} : vector<32xbf16> -> vector<16xf32>
        %mul3A_399 = arith.mulf %gather3A_393, %unpack3A_397 : vector<16xf32>
        %add3A_400 = arith.addf %add3A_385, %mul3A_399 : vector<16xf32>
        %mul3A_401 = arith.mulf %gather3A_393, %unpack3A_398 : vector<16xf32>
        %add3A_402 = arith.addf %add3A_387, %mul3A_401 : vector<16xf32>
        %add3A_403 = arith.constant 0 : i32
        %add3A_404 = arith.addi %add3A_222, %add3A_403 : i32
        %add3A_405 = arith.constant 12 : i32
        %add3A_406 = arith.addi %add3A_404, %add3A_405 : i32
        %broadcast_in_dim3A_407 = vector.broadcast %add3A_406 : i32 to vector<16xi32>
        %gather3A_408 = tpu.vector_load_idx %arg7[%broadcast_in_dim3A_407] : memref<1024xf32, #tpu.memory_space<vmem>>[vector<16xi32>], vector<16xf32>,
        %get3A_409 = arith.index_cast %add3A_406 : i32 to index
        %get3A_410 = arith.constant 0 : index
        %get3A_411 = tpu.vector_load %arg8[%get3A_409, %get3A_410] {strides = array<i32>} : memref<1024x32xbf16, #tpu.memory_space<vmem>>, vector<32xbf16>,
        %unpack3A_412 = tpu.unpack_subelements %get3A_411, 0 {pack_format = #tpu.pack_format<interleaved>} : vector<32xbf16> -> vector<16xf32>
        %unpack3A_413 = tpu.unpack_subelements %get3A_411, 1 {pack_format = #tpu.pack_format<interleaved>} : vector<32xbf16> -> vector<16xf32>
        %mul3A_414 = arith.mulf %gather3A_408, %unpack3A_412 : vector<16xf32>
        %add3A_415 = arith.addf %add3A_400, %mul3A_414 : vector<16xf32>
        %mul3A_416 = arith.mulf %gather3A_408, %unpack3A_413 : vector<16xf32>
        %add3A_417 = arith.addf %add3A_402, %mul3A_416 : vector<16xf32>
        %add3A_418 = arith.constant 0 : i32
        %add3A_419 = arith.addi %add3A_222, %add3A_418 : i32
        %add3A_420 = arith.constant 13 : i32
        %add3A_421 = arith.addi %add3A_419, %add3A_420 : i32
        %broadcast_in_dim3A_422 = vector.broadcast %add3A_421 : i32 to vector<16xi32>
        %gather3A_423 = tpu.vector_load_idx %arg7[%broadcast_in_dim3A_422] : memref<1024xf32, #tpu.memory_space<vmem>>[vector<16xi32>], vector<16xf32>,
        %get3A_424 = arith.index_cast %add3A_421 : i32 to index
        %get3A_425 = arith.constant 0 : index
        %get3A_426 = tpu.vector_load %arg8[%get3A_424, %get3A_425] {strides = array<i32>} : memref<1024x32xbf16, #tpu.memory_space<vmem>>, vector<32xbf16>,
        %unpack3A_427 = tpu.unpack_subelements %get3A_426, 0 {pack_format = #tpu.pack_format<interleaved>} : vector<32xbf16> -> vector<16xf32>
        %unpack3A_428 = tpu.unpack_subelements %get3A_426, 1 {pack_format = #tpu.pack_format<interleaved>} : vector<32xbf16> -> vector<16xf32>
        %mul3A_429 = arith.mulf %gather3A_423, %unpack3A_427 : vector<16xf32>
        %add3A_430 = arith.addf %add3A_415, %mul3A_429 : vector<16xf32>
        %mul3A_431 = arith.mulf %gather3A_423, %unpack3A_428 : vector<16xf32>
        %add3A_432 = arith.addf %add3A_417, %mul3A_431 : vector<16xf32>
        %add3A_433 = arith.constant 0 : i32
        %add3A_434 = arith.addi %add3A_222, %add3A_433 : i32
        %add3A_435 = arith.constant 14 : i32
        %add3A_436 = arith.addi %add3A_434, %add3A_435 : i32
        %broadcast_in_dim3A_437 = vector.broadcast %add3A_436 : i32 to vector<16xi32>
        %gather3A_438 = tpu.vector_load_idx %arg7[%broadcast_in_dim3A_437] : memref<1024xf32, #tpu.memory_space<vmem>>[vector<16xi32>], vector<16xf32>,
        %get3A_439 = arith.index_cast %add3A_436 : i32 to index
        %get3A_440 = arith.constant 0 : index
        %get3A_441 = tpu.vector_load %arg8[%get3A_439, %get3A_440] {strides = array<i32>} : memref<1024x32xbf16, #tpu.memory_space<vmem>>, vector<32xbf16>,
        %unpack3A_442 = tpu.unpack_subelements %get3A_441, 0 {pack_format = #tpu.pack_format<interleaved>} : vector<32xbf16> -> vector<16xf32>
        %unpack3A_443 = tpu.unpack_subelements %get3A_441, 1 {pack_format = #tpu.pack_format<interleaved>} : vector<32xbf16> -> vector<16xf32>
        %mul3A_444 = arith.mulf %gather3A_438, %unpack3A_442 : vector<16xf32>
        %add3A_445 = arith.addf %add3A_430, %mul3A_444 : vector<16xf32>
        %mul3A_446 = arith.mulf %gather3A_438, %unpack3A_443 : vector<16xf32>
        %add3A_447 = arith.addf %add3A_432, %mul3A_446 : vector<16xf32>
        %add3A_448 = arith.constant 0 : i32
        %add3A_449 = arith.addi %add3A_222, %add3A_448 : i32
        %add3A_450 = arith.constant 15 : i32
        %add3A_451 = arith.addi %add3A_449, %add3A_450 : i32
        %broadcast_in_dim3A_452 = vector.broadcast %add3A_451 : i32 to vector<16xi32>
        %gather3A_453 = tpu.vector_load_idx %arg7[%broadcast_in_dim3A_452] : memref<1024xf32, #tpu.memory_space<vmem>>[vector<16xi32>], vector<16xf32>,
        %get3A_454 = arith.index_cast %add3A_451 : i32 to index
        %get3A_455 = arith.constant 0 : index
        %get3A_456 = tpu.vector_load %arg8[%get3A_454, %get3A_455] {strides = array<i32>} : memref<1024x32xbf16, #tpu.memory_space<vmem>>, vector<32xbf16>,
        %unpack3A_457 = tpu.unpack_subelements %get3A_456, 0 {pack_format = #tpu.pack_format<interleaved>} : vector<32xbf16> -> vector<16xf32>
        %unpack3A_458 = tpu.unpack_subelements %get3A_456, 1 {pack_format = #tpu.pack_format<interleaved>} : vector<32xbf16> -> vector<16xf32>
        %mul3A_459 = arith.mulf %gather3A_453, %unpack3A_457 : vector<16xf32>
        %add3A_460 = arith.addf %add3A_445, %mul3A_459 : vector<16xf32>
        %mul3A_461 = arith.mulf %gather3A_453, %unpack3A_458 : vector<16xf32>
        %add3A_462 = arith.addf %add3A_447, %mul3A_461 : vector<16xf32>
        %add3A_463 = arith.constant 128 : i32
        %add3A_464 = arith.addi %add3A_222, %add3A_463 : i32
        %add3A_465 = arith.constant 0 : i32
        %add3A_466 = arith.addi %add3A_464, %add3A_465 : i32
        %broadcast_in_dim3A_467 = vector.broadcast %add3A_466 : i32 to vector<16xi32>
        %gather3A_468 = tpu.vector_load_idx %arg7[%broadcast_in_dim3A_467] : memref<1024xf32, #tpu.memory_space<vmem>>[vector<16xi32>], vector<16xf32>,
        %get3A_469 = arith.index_cast %add3A_466 : i32 to index
        %get3A_470 = arith.constant 0 : index
        %get3A_471 = tpu.vector_load %arg8[%get3A_469, %get3A_470] {strides = array<i32>} : memref<1024x32xbf16, #tpu.memory_space<vmem>>, vector<32xbf16>,
        %unpack3A_472 = tpu.unpack_subelements %get3A_471, 0 {pack_format = #tpu.pack_format<interleaved>} : vector<32xbf16> -> vector<16xf32>
        %unpack3A_473 = tpu.unpack_subelements %get3A_471, 1 {pack_format = #tpu.pack_format<interleaved>} : vector<32xbf16> -> vector<16xf32>
        %mul3A_474 = arith.mulf %gather3A_468, %unpack3A_472 : vector<16xf32>
        %add3A_475 = arith.addf %add3A_460, %mul3A_474 : vector<16xf32>
        %mul3A_476 = arith.mulf %gather3A_468, %unpack3A_473 : vector<16xf32>
        %add3A_477 = arith.addf %add3A_462, %mul3A_476 : vector<16xf32>
        %add3A_478 = arith.constant 128 : i32
        %add3A_479 = arith.addi %add3A_222, %add3A_478 : i32
        %add3A_480 = arith.constant 1 : i32
        %add3A_481 = arith.addi %add3A_479, %add3A_480 : i32
        %broadcast_in_dim3A_482 = vector.broadcast %add3A_481 : i32 to vector<16xi32>
        %gather3A_483 = tpu.vector_load_idx %arg7[%broadcast_in_dim3A_482] : memref<1024xf32, #tpu.memory_space<vmem>>[vector<16xi32>], vector<16xf32>,
        %get3A_484 = arith.index_cast %add3A_481 : i32 to index
        %get3A_485 = arith.constant 0 : index
        %get3A_486 = tpu.vector_load %arg8[%get3A_484, %get3A_485] {strides = array<i32>} : memref<1024x32xbf16, #tpu.memory_space<vmem>>, vector<32xbf16>,
        %unpack3A_487 = tpu.unpack_subelements %get3A_486, 0 {pack_format = #tpu.pack_format<interleaved>} : vector<32xbf16> -> vector<16xf32>
        %unpack3A_488 = tpu.unpack_subelements %get3A_486, 1 {pack_format = #tpu.pack_format<interleaved>} : vector<32xbf16> -> vector<16xf32>
        %mul3A_489 = arith.mulf %gather3A_483, %unpack3A_487 : vector<16xf32>
        %add3A_490 = arith.addf %add3A_475, %mul3A_489 : vector<16xf32>
        %mul3A_491 = arith.mulf %gather3A_483, %unpack3A_488 : vector<16xf32>
        %add3A_492 = arith.addf %add3A_477, %mul3A_491 : vector<16xf32>
        %add3A_493 = arith.constant 128 : i32
        %add3A_494 = arith.addi %add3A_222, %add3A_493 : i32
        %add3A_495 = arith.constant 2 : i32
        %add3A_496 = arith.addi %add3A_494, %add3A_495 : i32
        %broadcast_in_dim3A_497 = vector.broadcast %add3A_496 : i32 to vector<16xi32>
        %gather3A_498 = tpu.vector_load_idx %arg7[%broadcast_in_dim3A_497] : memref<1024xf32, #tpu.memory_space<vmem>>[vector<16xi32>], vector<16xf32>,
        %get3A_499 = arith.index_cast %add3A_496 : i32 to index
        %get3A_500 = arith.constant 0 : index
        %get3A_501 = tpu.vector_load %arg8[%get3A_499, %get3A_500] {strides = array<i32>} : memref<1024x32xbf16, #tpu.memory_space<vmem>>, vector<32xbf16>,
        %unpack3A_502 = tpu.unpack_subelements %get3A_501, 0 {pack_format = #tpu.pack_format<interleaved>} : vector<32xbf16> -> vector<16xf32>
        %unpack3A_503 = tpu.unpack_subelements %get3A_501, 1 {pack_format = #tpu.pack_format<interleaved>} : vector<32xbf16> -> vector<16xf32>
        %mul3A_504 = arith.mulf %gather3A_498, %unpack3A_502 : vector<16xf32>
        %add3A_505 = arith.addf %add3A_490, %mul3A_504 : vector<16xf32>
        %mul3A_506 = arith.mulf %gather3A_498, %unpack3A_503 : vector<16xf32>
        %add3A_507 = arith.addf %add3A_492, %mul3A_506 : vector<16xf32>
        %add3A_508 = arith.constant 128 : i32
        %add3A_509 = arith.addi %add3A_222, %add3A_508 : i32
        %add3A_510 = arith.constant 3 : i32
        %add3A_511 = arith.addi %add3A_509, %add3A_510 : i32
        %broadcast_in_dim3A_512 = vector.broadcast %add3A_511 : i32 to vector<16xi32>
        %gather3A_513 = tpu.vector_load_idx %arg7[%broadcast_in_dim3A_512] : memref<1024xf32, #tpu.memory_space<vmem>>[vector<16xi32>], vector<16xf32>,
        %get3A_514 = arith.index_cast %add3A_511 : i32 to index
        %get3A_515 = arith.constant 0 : index
        %get3A_516 = tpu.vector_load %arg8[%get3A_514, %get3A_515] {strides = array<i32>} : memref<1024x32xbf16, #tpu.memory_space<vmem>>, vector<32xbf16>,
        %unpack3A_517 = tpu.unpack_subelements %get3A_516, 0 {pack_format = #tpu.pack_format<interleaved>} : vector<32xbf16> -> vector<16xf32>
        %unpack3A_518 = tpu.unpack_subelements %get3A_516, 1 {pack_format = #tpu.pack_format<interleaved>} : vector<32xbf16> -> vector<16xf32>
        %mul3A_519 = arith.mulf %gather3A_513, %unpack3A_517 : vector<16xf32>
        %add3A_520 = arith.addf %add3A_505, %mul3A_519 : vector<16xf32>
        %mul3A_521 = arith.mulf %gather3A_513, %unpack3A_518 : vector<16xf32>
        %add3A_522 = arith.addf %add3A_507, %mul3A_521 : vector<16xf32>
        %add3A_523 = arith.constant 128 : i32
        %add3A_524 = arith.addi %add3A_222, %add3A_523 : i32
        %add3A_525 = arith.constant 4 : i32
        %add3A_526 = arith.addi %add3A_524, %add3A_525 : i32
        %broadcast_in_dim3A_527 = vector.broadcast %add3A_526 : i32 to vector<16xi32>
        %gather3A_528 = tpu.vector_load_idx %arg7[%broadcast_in_dim3A_527] : memref<1024xf32, #tpu.memory_space<vmem>>[vector<16xi32>], vector<16xf32>,
        %get3A_529 = arith.index_cast %add3A_526 : i32 to index
        %get3A_530 = arith.constant 0 : index
        %get3A_531 = tpu.vector_load %arg8[%get3A_529, %get3A_530] {strides = array<i32>} : memref<1024x32xbf16, #tpu.memory_space<vmem>>, vector<32xbf16>,
        %unpack3A_532 = tpu.unpack_subelements %get3A_531, 0 {pack_format = #tpu.pack_format<interleaved>} : vector<32xbf16> -> vector<16xf32>
        %unpack3A_533 = tpu.unpack_subelements %get3A_531, 1 {pack_format = #tpu.pack_format<interleaved>} : vector<32xbf16> -> vector<16xf32>
        %mul3A_534 = arith.mulf %gather3A_528, %unpack3A_532 : vector<16xf32>
        %add3A_535 = arith.addf %add3A_520, %mul3A_534 : vector<16xf32>
        %mul3A_536 = arith.mulf %gather3A_528, %unpack3A_533 : vector<16xf32>
        %add3A_537 = arith.addf %add3A_522, %mul3A_536 : vector<16xf32>
        %add3A_538 = arith.constant 128 : i32
        %add3A_539 = arith.addi %add3A_222, %add3A_538 : i32
        %add3A_540 = arith.constant 5 : i32
        %add3A_541 = arith.addi %add3A_539, %add3A_540 : i32
        %broadcast_in_dim3A_542 = vector.broadcast %add3A_541 : i32 to vector<16xi32>
        %gather3A_543 = tpu.vector_load_idx %arg7[%broadcast_in_dim3A_542] : memref<1024xf32, #tpu.memory_space<vmem>>[vector<16xi32>], vector<16xf32>,
        %get3A_544 = arith.index_cast %add3A_541 : i32 to index
        %get3A_545 = arith.constant 0 : index
        %get3A_546 = tpu.vector_load %arg8[%get3A_544, %get3A_545] {strides = array<i32>} : memref<1024x32xbf16, #tpu.memory_space<vmem>>, vector<32xbf16>,
        %unpack3A_547 = tpu.unpack_subelements %get3A_546, 0 {pack_format = #tpu.pack_format<interleaved>} : vector<32xbf16> -> vector<16xf32>
        %unpack3A_548 = tpu.unpack_subelements %get3A_546, 1 {pack_format = #tpu.pack_format<interleaved>} : vector<32xbf16> -> vector<16xf32>
        %mul3A_549 = arith.mulf %gather3A_543, %unpack3A_547 : vector<16xf32>
        %add3A_550 = arith.addf %add3A_535, %mul3A_549 : vector<16xf32>
        %mul3A_551 = arith.mulf %gather3A_543, %unpack3A_548 : vector<16xf32>
        %add3A_552 = arith.addf %add3A_537, %mul3A_551 : vector<16xf32>
        %add3A_553 = arith.constant 128 : i32
        %add3A_554 = arith.addi %add3A_222, %add3A_553 : i32
        %add3A_555 = arith.constant 6 : i32
        %add3A_556 = arith.addi %add3A_554, %add3A_555 : i32
        %broadcast_in_dim3A_557 = vector.broadcast %add3A_556 : i32 to vector<16xi32>
        %gather3A_558 = tpu.vector_load_idx %arg7[%broadcast_in_dim3A_557] : memref<1024xf32, #tpu.memory_space<vmem>>[vector<16xi32>], vector<16xf32>,
        %get3A_559 = arith.index_cast %add3A_556 : i32 to index
        %get3A_560 = arith.constant 0 : index
        %get3A_561 = tpu.vector_load %arg8[%get3A_559, %get3A_560] {strides = array<i32>} : memref<1024x32xbf16, #tpu.memory_space<vmem>>, vector<32xbf16>,
        %unpack3A_562 = tpu.unpack_subelements %get3A_561, 0 {pack_format = #tpu.pack_format<interleaved>} : vector<32xbf16> -> vector<16xf32>
        %unpack3A_563 = tpu.unpack_subelements %get3A_561, 1 {pack_format = #tpu.pack_format<interleaved>} : vector<32xbf16> -> vector<16xf32>
        %mul3A_564 = arith.mulf %gather3A_558, %unpack3A_562 : vector<16xf32>
        %add3A_565 = arith.addf %add3A_550, %mul3A_564 : vector<16xf32>
        %mul3A_566 = arith.mulf %gather3A_558, %unpack3A_563 : vector<16xf32>
        %add3A_567 = arith.addf %add3A_552, %mul3A_566 : vector<16xf32>
        %add3A_568 = arith.constant 128 : i32
        %add3A_569 = arith.addi %add3A_222, %add3A_568 : i32
        %add3A_570 = arith.constant 7 : i32
        %add3A_571 = arith.addi %add3A_569, %add3A_570 : i32
        %broadcast_in_dim3A_572 = vector.broadcast %add3A_571 : i32 to vector<16xi32>
        %gather3A_573 = tpu.vector_load_idx %arg7[%broadcast_in_dim3A_572] : memref<1024xf32, #tpu.memory_space<vmem>>[vector<16xi32>], vector<16xf32>,
        %get3A_574 = arith.index_cast %add3A_571 : i32 to index
        %get3A_575 = arith.constant 0 : index
        %get3A_576 = tpu.vector_load %arg8[%get3A_574, %get3A_575] {strides = array<i32>} : memref<1024x32xbf16, #tpu.memory_space<vmem>>, vector<32xbf16>,
        %unpack3A_577 = tpu.unpack_subelements %get3A_576, 0 {pack_format = #tpu.pack_format<interleaved>} : vector<32xbf16> -> vector<16xf32>
        %unpack3A_578 = tpu.unpack_subelements %get3A_576, 1 {pack_format = #tpu.pack_format<interleaved>} : vector<32xbf16> -> vector<16xf32>
        %mul3A_579 = arith.mulf %gather3A_573, %unpack3A_577 : vector<16xf32>
        %add3A_580 = arith.addf %add3A_565, %mul3A_579 : vector<16xf32>
        %mul3A_581 = arith.mulf %gather3A_573, %unpack3A_578 : vector<16xf32>
        %add3A_582 = arith.addf %add3A_567, %mul3A_581 : vector<16xf32>
        %add3A_583 = arith.constant 128 : i32
        %add3A_584 = arith.addi %add3A_222, %add3A_583 : i32
        %add3A_585 = arith.constant 8 : i32
        %add3A_586 = arith.addi %add3A_584, %add3A_585 : i32
        %broadcast_in_dim3A_587 = vector.broadcast %add3A_586 : i32 to vector<16xi32>
        %gather3A_588 = tpu.vector_load_idx %arg7[%broadcast_in_dim3A_587] : memref<1024xf32, #tpu.memory_space<vmem>>[vector<16xi32>], vector<16xf32>,
        %get3A_589 = arith.index_cast %add3A_586 : i32 to index
        %get3A_590 = arith.constant 0 : index
        %get3A_591 = tpu.vector_load %arg8[%get3A_589, %get3A_590] {strides = array<i32>} : memref<1024x32xbf16, #tpu.memory_space<vmem>>, vector<32xbf16>,
        %unpack3A_592 = tpu.unpack_subelements %get3A_591, 0 {pack_format = #tpu.pack_format<interleaved>} : vector<32xbf16> -> vector<16xf32>
        %unpack3A_593 = tpu.unpack_subelements %get3A_591, 1 {pack_format = #tpu.pack_format<interleaved>} : vector<32xbf16> -> vector<16xf32>
        %mul3A_594 = arith.mulf %gather3A_588, %unpack3A_592 : vector<16xf32>
        %add3A_595 = arith.addf %add3A_580, %mul3A_594 : vector<16xf32>
        %mul3A_596 = arith.mulf %gather3A_588, %unpack3A_593 : vector<16xf32>
        %add3A_597 = arith.addf %add3A_582, %mul3A_596 : vector<16xf32>
        %add3A_598 = arith.constant 128 : i32
        %add3A_599 = arith.addi %add3A_222, %add3A_598 : i32
        %add3A_600 = arith.constant 9 : i32
        %add3A_601 = arith.addi %add3A_599, %add3A_600 : i32
        %broadcast_in_dim3A_602 = vector.broadcast %add3A_601 : i32 to vector<16xi32>
        %gather3A_603 = tpu.vector_load_idx %arg7[%broadcast_in_dim3A_602] : memref<1024xf32, #tpu.memory_space<vmem>>[vector<16xi32>], vector<16xf32>,
        %get3A_604 = arith.index_cast %add3A_601 : i32 to index
        %get3A_605 = arith.constant 0 : index
        %get3A_606 = tpu.vector_load %arg8[%get3A_604, %get3A_605] {strides = array<i32>} : memref<1024x32xbf16, #tpu.memory_space<vmem>>, vector<32xbf16>,
        %unpack3A_607 = tpu.unpack_subelements %get3A_606, 0 {pack_format = #tpu.pack_format<interleaved>} : vector<32xbf16> -> vector<16xf32>
        %unpack3A_608 = tpu.unpack_subelements %get3A_606, 1 {pack_format = #tpu.pack_format<interleaved>} : vector<32xbf16> -> vector<16xf32>
        %mul3A_609 = arith.mulf %gather3A_603, %unpack3A_607 : vector<16xf32>
        %add3A_610 = arith.addf %add3A_595, %mul3A_609 : vector<16xf32>
        %mul3A_611 = arith.mulf %gather3A_603, %unpack3A_608 : vector<16xf32>
        %add3A_612 = arith.addf %add3A_597, %mul3A_611 : vector<16xf32>
        %add3A_613 = arith.constant 128 : i32
        %add3A_614 = arith.addi %add3A_222, %add3A_613 : i32
        %add3A_615 = arith.constant 10 : i32
        %add3A_616 = arith.addi %add3A_614, %add3A_615 : i32
        %broadcast_in_dim3A_617 = vector.broadcast %add3A_616 : i32 to vector<16xi32>
        %gather3A_618 = tpu.vector_load_idx %arg7[%broadcast_in_dim3A_617] : memref<1024xf32, #tpu.memory_space<vmem>>[vector<16xi32>], vector<16xf32>,
        %get3A_619 = arith.index_cast %add3A_616 : i32 to index
        %get3A_620 = arith.constant 0 : index
        %get3A_621 = tpu.vector_load %arg8[%get3A_619, %get3A_620] {strides = array<i32>} : memref<1024x32xbf16, #tpu.memory_space<vmem>>, vector<32xbf16>,
        %unpack3A_622 = tpu.unpack_subelements %get3A_621, 0 {pack_format = #tpu.pack_format<interleaved>} : vector<32xbf16> -> vector<16xf32>
        %unpack3A_623 = tpu.unpack_subelements %get3A_621, 1 {pack_format = #tpu.pack_format<interleaved>} : vector<32xbf16> -> vector<16xf32>
        %mul3A_624 = arith.mulf %gather3A_618, %unpack3A_622 : vector<16xf32>
        %add3A_625 = arith.addf %add3A_610, %mul3A_624 : vector<16xf32>
        %mul3A_626 = arith.mulf %gather3A_618, %unpack3A_623 : vector<16xf32>
        %add3A_627 = arith.addf %add3A_612, %mul3A_626 : vector<16xf32>
        %add3A_628 = arith.constant 128 : i32
        %add3A_629 = arith.addi %add3A_222, %add3A_628 : i32
        %add3A_630 = arith.constant 11 : i32
        %add3A_631 = arith.addi %add3A_629, %add3A_630 : i32
        %broadcast_in_dim3A_632 = vector.broadcast %add3A_631 : i32 to vector<16xi32>
        %gather3A_633 = tpu.vector_load_idx %arg7[%broadcast_in_dim3A_632] : memref<1024xf32, #tpu.memory_space<vmem>>[vector<16xi32>], vector<16xf32>,
        %get3A_634 = arith.index_cast %add3A_631 : i32 to index
        %get3A_635 = arith.constant 0 : index
        %get3A_636 = tpu.vector_load %arg8[%get3A_634, %get3A_635] {strides = array<i32>} : memref<1024x32xbf16, #tpu.memory_space<vmem>>, vector<32xbf16>,
        %unpack3A_637 = tpu.unpack_subelements %get3A_636, 0 {pack_format = #tpu.pack_format<interleaved>} : vector<32xbf16> -> vector<16xf32>
        %unpack3A_638 = tpu.unpack_subelements %get3A_636, 1 {pack_format = #tpu.pack_format<interleaved>} : vector<32xbf16> -> vector<16xf32>
        %mul3A_639 = arith.mulf %gather3A_633, %unpack3A_637 : vector<16xf32>
        %add3A_640 = arith.addf %add3A_625, %mul3A_639 : vector<16xf32>
        %mul3A_641 = arith.mulf %gather3A_633, %unpack3A_638 : vector<16xf32>
        %add3A_642 = arith.addf %add3A_627, %mul3A_641 : vector<16xf32>
        %add3A_643 = arith.constant 128 : i32
        %add3A_644 = arith.addi %add3A_222, %add3A_643 : i32
        %add3A_645 = arith.constant 12 : i32
        %add3A_646 = arith.addi %add3A_644, %add3A_645 : i32
        %broadcast_in_dim3A_647 = vector.broadcast %add3A_646 : i32 to vector<16xi32>
        %gather3A_648 = tpu.vector_load_idx %arg7[%broadcast_in_dim3A_647] : memref<1024xf32, #tpu.memory_space<vmem>>[vector<16xi32>], vector<16xf32>,
        %get3A_649 = arith.index_cast %add3A_646 : i32 to index
        %get3A_650 = arith.constant 0 : index
        %get3A_651 = tpu.vector_load %arg8[%get3A_649, %get3A_650] {strides = array<i32>} : memref<1024x32xbf16, #tpu.memory_space<vmem>>, vector<32xbf16>,
        %unpack3A_652 = tpu.unpack_subelements %get3A_651, 0 {pack_format = #tpu.pack_format<interleaved>} : vector<32xbf16> -> vector<16xf32>
        %unpack3A_653 = tpu.unpack_subelements %get3A_651, 1 {pack_format = #tpu.pack_format<interleaved>} : vector<32xbf16> -> vector<16xf32>
        %mul3A_654 = arith.mulf %gather3A_648, %unpack3A_652 : vector<16xf32>
        %add3A_655 = arith.addf %add3A_640, %mul3A_654 : vector<16xf32>
        %mul3A_656 = arith.mulf %gather3A_648, %unpack3A_653 : vector<16xf32>
        %add3A_657 = arith.addf %add3A_642, %mul3A_656 : vector<16xf32>
        %add3A_658 = arith.constant 128 : i32
        %add3A_659 = arith.addi %add3A_222, %add3A_658 : i32
        %add3A_660 = arith.constant 13 : i32
        %add3A_661 = arith.addi %add3A_659, %add3A_660 : i32
        %broadcast_in_dim3A_662 = vector.broadcast %add3A_661 : i32 to vector<16xi32>
        %gather3A_663 = tpu.vector_load_idx %arg7[%broadcast_in_dim3A_662] : memref<1024xf32, #tpu.memory_space<vmem>>[vector<16xi32>], vector<16xf32>,
        %get3A_664 = arith.index_cast %add3A_661 : i32 to index
        %get3A_665 = arith.constant 0 : index
        %get3A_666 = tpu.vector_load %arg8[%get3A_664, %get3A_665] {strides = array<i32>} : memref<1024x32xbf16, #tpu.memory_space<vmem>>, vector<32xbf16>,
        %unpack3A_667 = tpu.unpack_subelements %get3A_666, 0 {pack_format = #tpu.pack_format<interleaved>} : vector<32xbf16> -> vector<16xf32>
        %unpack3A_668 = tpu.unpack_subelements %get3A_666, 1 {pack_format = #tpu.pack_format<interleaved>} : vector<32xbf16> -> vector<16xf32>
        %mul3A_669 = arith.mulf %gather3A_663, %unpack3A_667 : vector<16xf32>
        %add3A_670 = arith.addf %add3A_655, %mul3A_669 : vector<16xf32>
        %mul3A_671 = arith.mulf %gather3A_663, %unpack3A_668 : vector<16xf32>
        %add3A_672 = arith.addf %add3A_657, %mul3A_671 : vector<16xf32>
        %add3A_673 = arith.constant 128 : i32
        %add3A_674 = arith.addi %add3A_222, %add3A_673 : i32
        %add3A_675 = arith.constant 14 : i32
        %add3A_676 = arith.addi %add3A_674, %add3A_675 : i32
        %broadcast_in_dim3A_677 = vector.broadcast %add3A_676 : i32 to vector<16xi32>
        %gather3A_678 = tpu.vector_load_idx %arg7[%broadcast_in_dim3A_677] : memref<1024xf32, #tpu.memory_space<vmem>>[vector<16xi32>], vector<16xf32>,
        %get3A_679 = arith.index_cast %add3A_676 : i32 to index
        %get3A_680 = arith.constant 0 : index
        %get3A_681 = tpu.vector_load %arg8[%get3A_679, %get3A_680] {strides = array<i32>} : memref<1024x32xbf16, #tpu.memory_space<vmem>>, vector<32xbf16>,
        %unpack3A_682 = tpu.unpack_subelements %get3A_681, 0 {pack_format = #tpu.pack_format<interleaved>} : vector<32xbf16> -> vector<16xf32>
        %unpack3A_683 = tpu.unpack_subelements %get3A_681, 1 {pack_format = #tpu.pack_format<interleaved>} : vector<32xbf16> -> vector<16xf32>
        %mul3A_684 = arith.mulf %gather3A_678, %unpack3A_682 : vector<16xf32>
        %add3A_685 = arith.addf %add3A_670, %mul3A_684 : vector<16xf32>
        %mul3A_686 = arith.mulf %gather3A_678, %unpack3A_683 : vector<16xf32>
        %add3A_687 = arith.addf %add3A_672, %mul3A_686 : vector<16xf32>
        %add3A_688 = arith.constant 128 : i32
        %add3A_689 = arith.addi %add3A_222, %add3A_688 : i32
        %add3A_690 = arith.constant 15 : i32
        %add3A_691 = arith.addi %add3A_689, %add3A_690 : i32
        %broadcast_in_dim3A_692 = vector.broadcast %add3A_691 : i32 to vector<16xi32>
        %gather3A_693 = tpu.vector_load_idx %arg7[%broadcast_in_dim3A_692] : memref<1024xf32, #tpu.memory_space<vmem>>[vector<16xi32>], vector<16xf32>,
        %get3A_694 = arith.index_cast %add3A_691 : i32 to index
        %get3A_695 = arith.constant 0 : index
        %get3A_696 = tpu.vector_load %arg8[%get3A_694, %get3A_695] {strides = array<i32>} : memref<1024x32xbf16, #tpu.memory_space<vmem>>, vector<32xbf16>,
        %unpack3A_697 = tpu.unpack_subelements %get3A_696, 0 {pack_format = #tpu.pack_format<interleaved>} : vector<32xbf16> -> vector<16xf32>
        %unpack3A_698 = tpu.unpack_subelements %get3A_696, 1 {pack_format = #tpu.pack_format<interleaved>} : vector<32xbf16> -> vector<16xf32>
        %mul3A_699 = arith.mulf %gather3A_693, %unpack3A_697 : vector<16xf32>
        %add3A_700 = arith.addf %add3A_685, %mul3A_699 : vector<16xf32>
        %mul3A_701 = arith.mulf %gather3A_693, %unpack3A_698 : vector<16xf32>
        %add3A_702 = arith.addf %add3A_687, %mul3A_701 : vector<16xf32>
        %add3A_703 = arith.constant 256 : i32
        %add3A_704 = arith.addi %add3A_222, %add3A_703 : i32
        %add3A_705 = arith.constant 0 : i32
        %add3A_706 = arith.addi %add3A_704, %add3A_705 : i32
        %broadcast_in_dim3A_707 = vector.broadcast %add3A_706 : i32 to vector<16xi32>
        %gather3A_708 = tpu.vector_load_idx %arg7[%broadcast_in_dim3A_707] : memref<1024xf32, #tpu.memory_space<vmem>>[vector<16xi32>], vector<16xf32>,
        %get3A_709 = arith.index_cast %add3A_706 : i32 to index
        %get3A_710 = arith.constant 0 : index
        %get3A_711 = tpu.vector_load %arg8[%get3A_709, %get3A_710] {strides = array<i32>} : memref<1024x32xbf16, #tpu.memory_space<vmem>>, vector<32xbf16>,
        %unpack3A_712 = tpu.unpack_subelements %get3A_711, 0 {pack_format = #tpu.pack_format<interleaved>} : vector<32xbf16> -> vector<16xf32>
        %unpack3A_713 = tpu.unpack_subelements %get3A_711, 1 {pack_format = #tpu.pack_format<interleaved>} : vector<32xbf16> -> vector<16xf32>
        %mul3A_714 = arith.mulf %gather3A_708, %unpack3A_712 : vector<16xf32>
        %add3A_715 = arith.addf %add3A_700, %mul3A_714 : vector<16xf32>
        %mul3A_716 = arith.mulf %gather3A_708, %unpack3A_713 : vector<16xf32>
        %add3A_717 = arith.addf %add3A_702, %mul3A_716 : vector<16xf32>
        %add3A_718 = arith.constant 256 : i32
        %add3A_719 = arith.addi %add3A_222, %add3A_718 : i32
        %add3A_720 = arith.constant 1 : i32
        %add3A_721 = arith.addi %add3A_719, %add3A_720 : i32
        %broadcast_in_dim3A_722 = vector.broadcast %add3A_721 : i32 to vector<16xi32>
        %gather3A_723 = tpu.vector_load_idx %arg7[%broadcast_in_dim3A_722] : memref<1024xf32, #tpu.memory_space<vmem>>[vector<16xi32>], vector<16xf32>,
        %get3A_724 = arith.index_cast %add3A_721 : i32 to index
        %get3A_725 = arith.constant 0 : index
        %get3A_726 = tpu.vector_load %arg8[%get3A_724, %get3A_725] {strides = array<i32>} : memref<1024x32xbf16, #tpu.memory_space<vmem>>, vector<32xbf16>,
        %unpack3A_727 = tpu.unpack_subelements %get3A_726, 0 {pack_format = #tpu.pack_format<interleaved>} : vector<32xbf16> -> vector<16xf32>
        %unpack3A_728 = tpu.unpack_subelements %get3A_726, 1 {pack_format = #tpu.pack_format<interleaved>} : vector<32xbf16> -> vector<16xf32>
        %mul3A_729 = arith.mulf %gather3A_723, %unpack3A_727 : vector<16xf32>
        %add3A_730 = arith.addf %add3A_715, %mul3A_729 : vector<16xf32>
        %mul3A_731 = arith.mulf %gather3A_723, %unpack3A_728 : vector<16xf32>
        %add3A_732 = arith.addf %add3A_717, %mul3A_731 : vector<16xf32>
        %add3A_733 = arith.constant 256 : i32
        %add3A_734 = arith.addi %add3A_222, %add3A_733 : i32
        %add3A_735 = arith.constant 2 : i32
        %add3A_736 = arith.addi %add3A_734, %add3A_735 : i32
        %broadcast_in_dim3A_737 = vector.broadcast %add3A_736 : i32 to vector<16xi32>
        %gather3A_738 = tpu.vector_load_idx %arg7[%broadcast_in_dim3A_737] : memref<1024xf32, #tpu.memory_space<vmem>>[vector<16xi32>], vector<16xf32>,
        %get3A_739 = arith.index_cast %add3A_736 : i32 to index
        %get3A_740 = arith.constant 0 : index
        %get3A_741 = tpu.vector_load %arg8[%get3A_739, %get3A_740] {strides = array<i32>} : memref<1024x32xbf16, #tpu.memory_space<vmem>>, vector<32xbf16>,
        %unpack3A_742 = tpu.unpack_subelements %get3A_741, 0 {pack_format = #tpu.pack_format<interleaved>} : vector<32xbf16> -> vector<16xf32>
        %unpack3A_743 = tpu.unpack_subelements %get3A_741, 1 {pack_format = #tpu.pack_format<interleaved>} : vector<32xbf16> -> vector<16xf32>
        %mul3A_744 = arith.mulf %gather3A_738, %unpack3A_742 : vector<16xf32>
        %add3A_745 = arith.addf %add3A_730, %mul3A_744 : vector<16xf32>
        %mul3A_746 = arith.mulf %gather3A_738, %unpack3A_743 : vector<16xf32>
        %add3A_747 = arith.addf %add3A_732, %mul3A_746 : vector<16xf32>
        %add3A_748 = arith.constant 256 : i32
        %add3A_749 = arith.addi %add3A_222, %add3A_748 : i32
        %add3A_750 = arith.constant 3 : i32
        %add3A_751 = arith.addi %add3A_749, %add3A_750 : i32
        %broadcast_in_dim3A_752 = vector.broadcast %add3A_751 : i32 to vector<16xi32>
        %gather3A_753 = tpu.vector_load_idx %arg7[%broadcast_in_dim3A_752] : memref<1024xf32, #tpu.memory_space<vmem>>[vector<16xi32>], vector<16xf32>,
        %get3A_754 = arith.index_cast %add3A_751 : i32 to index
        %get3A_755 = arith.constant 0 : index
        %get3A_756 = tpu.vector_load %arg8[%get3A_754, %get3A_755] {strides = array<i32>} : memref<1024x32xbf16, #tpu.memory_space<vmem>>, vector<32xbf16>,
        %unpack3A_757 = tpu.unpack_subelements %get3A_756, 0 {pack_format = #tpu.pack_format<interleaved>} : vector<32xbf16> -> vector<16xf32>
        %unpack3A_758 = tpu.unpack_subelements %get3A_756, 1 {pack_format = #tpu.pack_format<interleaved>} : vector<32xbf16> -> vector<16xf32>
        %mul3A_759 = arith.mulf %gather3A_753, %unpack3A_757 : vector<16xf32>
        %add3A_760 = arith.addf %add3A_745, %mul3A_759 : vector<16xf32>
        %mul3A_761 = arith.mulf %gather3A_753, %unpack3A_758 : vector<16xf32>
        %add3A_762 = arith.addf %add3A_747, %mul3A_761 : vector<16xf32>
        %add3A_763 = arith.constant 256 : i32
        %add3A_764 = arith.addi %add3A_222, %add3A_763 : i32
        %add3A_765 = arith.constant 4 : i32
        %add3A_766 = arith.addi %add3A_764, %add3A_765 : i32
        %broadcast_in_dim3A_767 = vector.broadcast %add3A_766 : i32 to vector<16xi32>
        %gather3A_768 = tpu.vector_load_idx %arg7[%broadcast_in_dim3A_767] : memref<1024xf32, #tpu.memory_space<vmem>>[vector<16xi32>], vector<16xf32>,
        %get3A_769 = arith.index_cast %add3A_766 : i32 to index
        %get3A_770 = arith.constant 0 : index
        %get3A_771 = tpu.vector_load %arg8[%get3A_769, %get3A_770] {strides = array<i32>} : memref<1024x32xbf16, #tpu.memory_space<vmem>>, vector<32xbf16>,
        %unpack3A_772 = tpu.unpack_subelements %get3A_771, 0 {pack_format = #tpu.pack_format<interleaved>} : vector<32xbf16> -> vector<16xf32>
        %unpack3A_773 = tpu.unpack_subelements %get3A_771, 1 {pack_format = #tpu.pack_format<interleaved>} : vector<32xbf16> -> vector<16xf32>
        %mul3A_774 = arith.mulf %gather3A_768, %unpack3A_772 : vector<16xf32>
        %add3A_775 = arith.addf %add3A_760, %mul3A_774 : vector<16xf32>
        %mul3A_776 = arith.mulf %gather3A_768, %unpack3A_773 : vector<16xf32>
        %add3A_777 = arith.addf %add3A_762, %mul3A_776 : vector<16xf32>
        %add3A_778 = arith.constant 256 : i32
        %add3A_779 = arith.addi %add3A_222, %add3A_778 : i32
        %add3A_780 = arith.constant 5 : i32
        %add3A_781 = arith.addi %add3A_779, %add3A_780 : i32
        %broadcast_in_dim3A_782 = vector.broadcast %add3A_781 : i32 to vector<16xi32>
        %gather3A_783 = tpu.vector_load_idx %arg7[%broadcast_in_dim3A_782] : memref<1024xf32, #tpu.memory_space<vmem>>[vector<16xi32>], vector<16xf32>,
        %get3A_784 = arith.index_cast %add3A_781 : i32 to index
        %get3A_785 = arith.constant 0 : index
        %get3A_786 = tpu.vector_load %arg8[%get3A_784, %get3A_785] {strides = array<i32>} : memref<1024x32xbf16, #tpu.memory_space<vmem>>, vector<32xbf16>,
        %unpack3A_787 = tpu.unpack_subelements %get3A_786, 0 {pack_format = #tpu.pack_format<interleaved>} : vector<32xbf16> -> vector<16xf32>
        %unpack3A_788 = tpu.unpack_subelements %get3A_786, 1 {pack_format = #tpu.pack_format<interleaved>} : vector<32xbf16> -> vector<16xf32>
        %mul3A_789 = arith.mulf %gather3A_783, %unpack3A_787 : vector<16xf32>
        %add3A_790 = arith.addf %add3A_775, %mul3A_789 : vector<16xf32>
        %mul3A_791 = arith.mulf %gather3A_783, %unpack3A_788 : vector<16xf32>
        %add3A_792 = arith.addf %add3A_777, %mul3A_791 : vector<16xf32>
        %add3A_793 = arith.constant 256 : i32
        %add3A_794 = arith.addi %add3A_222, %add3A_793 : i32
        %add3A_795 = arith.constant 6 : i32
        %add3A_796 = arith.addi %add3A_794, %add3A_795 : i32
        %broadcast_in_dim3A_797 = vector.broadcast %add3A_796 : i32 to vector<16xi32>
        %gather3A_798 = tpu.vector_load_idx %arg7[%broadcast_in_dim3A_797] : memref<1024xf32, #tpu.memory_space<vmem>>[vector<16xi32>], vector<16xf32>,
        %get3A_799 = arith.index_cast %add3A_796 : i32 to index
        %get3A_800 = arith.constant 0 : index
        %get3A_801 = tpu.vector_load %arg8[%get3A_799, %get3A_800] {strides = array<i32>} : memref<1024x32xbf16, #tpu.memory_space<vmem>>, vector<32xbf16>,
        %unpack3A_802 = tpu.unpack_subelements %get3A_801, 0 {pack_format = #tpu.pack_format<interleaved>} : vector<32xbf16> -> vector<16xf32>
        %unpack3A_803 = tpu.unpack_subelements %get3A_801, 1 {pack_format = #tpu.pack_format<interleaved>} : vector<32xbf16> -> vector<16xf32>
        %mul3A_804 = arith.mulf %gather3A_798, %unpack3A_802 : vector<16xf32>
        %add3A_805 = arith.addf %add3A_790, %mul3A_804 : vector<16xf32>
        %mul3A_806 = arith.mulf %gather3A_798, %unpack3A_803 : vector<16xf32>
        %add3A_807 = arith.addf %add3A_792, %mul3A_806 : vector<16xf32>
        %add3A_808 = arith.constant 256 : i32
        %add3A_809 = arith.addi %add3A_222, %add3A_808 : i32
        %add3A_810 = arith.constant 7 : i32
        %add3A_811 = arith.addi %add3A_809, %add3A_810 : i32
        %broadcast_in_dim3A_812 = vector.broadcast %add3A_811 : i32 to vector<16xi32>
        %gather3A_813 = tpu.vector_load_idx %arg7[%broadcast_in_dim3A_812] : memref<1024xf32, #tpu.memory_space<vmem>>[vector<16xi32>], vector<16xf32>,
        %get3A_814 = arith.index_cast %add3A_811 : i32 to index
        %get3A_815 = arith.constant 0 : index
        %get3A_816 = tpu.vector_load %arg8[%get3A_814, %get3A_815] {strides = array<i32>} : memref<1024x32xbf16, #tpu.memory_space<vmem>>, vector<32xbf16>,
        %unpack3A_817 = tpu.unpack_subelements %get3A_816, 0 {pack_format = #tpu.pack_format<interleaved>} : vector<32xbf16> -> vector<16xf32>
        %unpack3A_818 = tpu.unpack_subelements %get3A_816, 1 {pack_format = #tpu.pack_format<interleaved>} : vector<32xbf16> -> vector<16xf32>
        %mul3A_819 = arith.mulf %gather3A_813, %unpack3A_817 : vector<16xf32>
        %add3A_820 = arith.addf %add3A_805, %mul3A_819 : vector<16xf32>
        %mul3A_821 = arith.mulf %gather3A_813, %unpack3A_818 : vector<16xf32>
        %add3A_822 = arith.addf %add3A_807, %mul3A_821 : vector<16xf32>
        %add3A_823 = arith.constant 256 : i32
        %add3A_824 = arith.addi %add3A_222, %add3A_823 : i32
        %add3A_825 = arith.constant 8 : i32
        %add3A_826 = arith.addi %add3A_824, %add3A_825 : i32
        %broadcast_in_dim3A_827 = vector.broadcast %add3A_826 : i32 to vector<16xi32>
        %gather3A_828 = tpu.vector_load_idx %arg7[%broadcast_in_dim3A_827] : memref<1024xf32, #tpu.memory_space<vmem>>[vector<16xi32>], vector<16xf32>,
        %get3A_829 = arith.index_cast %add3A_826 : i32 to index
        %get3A_830 = arith.constant 0 : index
        %get3A_831 = tpu.vector_load %arg8[%get3A_829, %get3A_830] {strides = array<i32>} : memref<1024x32xbf16, #tpu.memory_space<vmem>>, vector<32xbf16>,
        %unpack3A_832 = tpu.unpack_subelements %get3A_831, 0 {pack_format = #tpu.pack_format<interleaved>} : vector<32xbf16> -> vector<16xf32>
        %unpack3A_833 = tpu.unpack_subelements %get3A_831, 1 {pack_format = #tpu.pack_format<interleaved>} : vector<32xbf16> -> vector<16xf32>
        %mul3A_834 = arith.mulf %gather3A_828, %unpack3A_832 : vector<16xf32>
        %add3A_835 = arith.addf %add3A_820, %mul3A_834 : vector<16xf32>
        %mul3A_836 = arith.mulf %gather3A_828, %unpack3A_833 : vector<16xf32>
        %add3A_837 = arith.addf %add3A_822, %mul3A_836 : vector<16xf32>
        %add3A_838 = arith.constant 256 : i32
        %add3A_839 = arith.addi %add3A_222, %add3A_838 : i32
        %add3A_840 = arith.constant 9 : i32
        %add3A_841 = arith.addi %add3A_839, %add3A_840 : i32
        %broadcast_in_dim3A_842 = vector.broadcast %add3A_841 : i32 to vector<16xi32>
        %gather3A_843 = tpu.vector_load_idx %arg7[%broadcast_in_dim3A_842] : memref<1024xf32, #tpu.memory_space<vmem>>[vector<16xi32>], vector<16xf32>,
        %get3A_844 = arith.index_cast %add3A_841 : i32 to index
        %get3A_845 = arith.constant 0 : index
        %get3A_846 = tpu.vector_load %arg8[%get3A_844, %get3A_845] {strides = array<i32>} : memref<1024x32xbf16, #tpu.memory_space<vmem>>, vector<32xbf16>,
        %unpack3A_847 = tpu.unpack_subelements %get3A_846, 0 {pack_format = #tpu.pack_format<interleaved>} : vector<32xbf16> -> vector<16xf32>
        %unpack3A_848 = tpu.unpack_subelements %get3A_846, 1 {pack_format = #tpu.pack_format<interleaved>} : vector<32xbf16> -> vector<16xf32>
        %mul3A_849 = arith.mulf %gather3A_843, %unpack3A_847 : vector<16xf32>
        %add3A_850 = arith.addf %add3A_835, %mul3A_849 : vector<16xf32>
        %mul3A_851 = arith.mulf %gather3A_843, %unpack3A_848 : vector<16xf32>
        %add3A_852 = arith.addf %add3A_837, %mul3A_851 : vector<16xf32>
        %add3A_853 = arith.constant 256 : i32
        %add3A_854 = arith.addi %add3A_222, %add3A_853 : i32
        %add3A_855 = arith.constant 10 : i32
        %add3A_856 = arith.addi %add3A_854, %add3A_855 : i32
        %broadcast_in_dim3A_857 = vector.broadcast %add3A_856 : i32 to vector<16xi32>
        %gather3A_858 = tpu.vector_load_idx %arg7[%broadcast_in_dim3A_857] : memref<1024xf32, #tpu.memory_space<vmem>>[vector<16xi32>], vector<16xf32>,
        %get3A_859 = arith.index_cast %add3A_856 : i32 to index
        %get3A_860 = arith.constant 0 : index
        %get3A_861 = tpu.vector_load %arg8[%get3A_859, %get3A_860] {strides = array<i32>} : memref<1024x32xbf16, #tpu.memory_space<vmem>>, vector<32xbf16>,
        %unpack3A_862 = tpu.unpack_subelements %get3A_861, 0 {pack_format = #tpu.pack_format<interleaved>} : vector<32xbf16> -> vector<16xf32>
        %unpack3A_863 = tpu.unpack_subelements %get3A_861, 1 {pack_format = #tpu.pack_format<interleaved>} : vector<32xbf16> -> vector<16xf32>
        %mul3A_864 = arith.mulf %gather3A_858, %unpack3A_862 : vector<16xf32>
        %add3A_865 = arith.addf %add3A_850, %mul3A_864 : vector<16xf32>
        %mul3A_866 = arith.mulf %gather3A_858, %unpack3A_863 : vector<16xf32>
        %add3A_867 = arith.addf %add3A_852, %mul3A_866 : vector<16xf32>
        %add3A_868 = arith.constant 256 : i32
        %add3A_869 = arith.addi %add3A_222, %add3A_868 : i32
        %add3A_870 = arith.constant 11 : i32
        %add3A_871 = arith.addi %add3A_869, %add3A_870 : i32
        %broadcast_in_dim3A_872 = vector.broadcast %add3A_871 : i32 to vector<16xi32>
        %gather3A_873 = tpu.vector_load_idx %arg7[%broadcast_in_dim3A_872] : memref<1024xf32, #tpu.memory_space<vmem>>[vector<16xi32>], vector<16xf32>,
        %get3A_874 = arith.index_cast %add3A_871 : i32 to index
        %get3A_875 = arith.constant 0 : index
        %get3A_876 = tpu.vector_load %arg8[%get3A_874, %get3A_875] {strides = array<i32>} : memref<1024x32xbf16, #tpu.memory_space<vmem>>, vector<32xbf16>,
        %unpack3A_877 = tpu.unpack_subelements %get3A_876, 0 {pack_format = #tpu.pack_format<interleaved>} : vector<32xbf16> -> vector<16xf32>
        %unpack3A_878 = tpu.unpack_subelements %get3A_876, 1 {pack_format = #tpu.pack_format<interleaved>} : vector<32xbf16> -> vector<16xf32>
        %mul3A_879 = arith.mulf %gather3A_873, %unpack3A_877 : vector<16xf32>
        %add3A_880 = arith.addf %add3A_865, %mul3A_879 : vector<16xf32>
        %mul3A_881 = arith.mulf %gather3A_873, %unpack3A_878 : vector<16xf32>
        %add3A_882 = arith.addf %add3A_867, %mul3A_881 : vector<16xf32>
        %add3A_883 = arith.constant 256 : i32
        %add3A_884 = arith.addi %add3A_222, %add3A_883 : i32
        %add3A_885 = arith.constant 12 : i32
        %add3A_886 = arith.addi %add3A_884, %add3A_885 : i32
        %broadcast_in_dim3A_887 = vector.broadcast %add3A_886 : i32 to vector<16xi32>
        %gather3A_888 = tpu.vector_load_idx %arg7[%broadcast_in_dim3A_887] : memref<1024xf32, #tpu.memory_space<vmem>>[vector<16xi32>], vector<16xf32>,
        %get3A_889 = arith.index_cast %add3A_886 : i32 to index
        %get3A_890 = arith.constant 0 : index
        %get3A_891 = tpu.vector_load %arg8[%get3A_889, %get3A_890] {strides = array<i32>} : memref<1024x32xbf16, #tpu.memory_space<vmem>>, vector<32xbf16>,
        %unpack3A_892 = tpu.unpack_subelements %get3A_891, 0 {pack_format = #tpu.pack_format<interleaved>} : vector<32xbf16> -> vector<16xf32>
        %unpack3A_893 = tpu.unpack_subelements %get3A_891, 1 {pack_format = #tpu.pack_format<interleaved>} : vector<32xbf16> -> vector<16xf32>
        %mul3A_894 = arith.mulf %gather3A_888, %unpack3A_892 : vector<16xf32>
        %add3A_895 = arith.addf %add3A_880, %mul3A_894 : vector<16xf32>
        %mul3A_896 = arith.mulf %gather3A_888, %unpack3A_893 : vector<16xf32>
        %add3A_897 = arith.addf %add3A_882, %mul3A_896 : vector<16xf32>
        %add3A_898 = arith.constant 256 : i32
        %add3A_899 = arith.addi %add3A_222, %add3A_898 : i32
        %add3A_900 = arith.constant 13 : i32
        %add3A_901 = arith.addi %add3A_899, %add3A_900 : i32
        %broadcast_in_dim3A_902 = vector.broadcast %add3A_901 : i32 to vector<16xi32>
        %gather3A_903 = tpu.vector_load_idx %arg7[%broadcast_in_dim3A_902] : memref<1024xf32, #tpu.memory_space<vmem>>[vector<16xi32>], vector<16xf32>,
        %get3A_904 = arith.index_cast %add3A_901 : i32 to index
        %get3A_905 = arith.constant 0 : index
        %get3A_906 = tpu.vector_load %arg8[%get3A_904, %get3A_905] {strides = array<i32>} : memref<1024x32xbf16, #tpu.memory_space<vmem>>, vector<32xbf16>,
        %unpack3A_907 = tpu.unpack_subelements %get3A_906, 0 {pack_format = #tpu.pack_format<interleaved>} : vector<32xbf16> -> vector<16xf32>
        %unpack3A_908 = tpu.unpack_subelements %get3A_906, 1 {pack_format = #tpu.pack_format<interleaved>} : vector<32xbf16> -> vector<16xf32>
        %mul3A_909 = arith.mulf %gather3A_903, %unpack3A_907 : vector<16xf32>
        %add3A_910 = arith.addf %add3A_895, %mul3A_909 : vector<16xf32>
        %mul3A_911 = arith.mulf %gather3A_903, %unpack3A_908 : vector<16xf32>
        %add3A_912 = arith.addf %add3A_897, %mul3A_911 : vector<16xf32>
        %add3A_913 = arith.constant 256 : i32
        %add3A_914 = arith.addi %add3A_222, %add3A_913 : i32
        %add3A_915 = arith.constant 14 : i32
        %add3A_916 = arith.addi %add3A_914, %add3A_915 : i32
        %broadcast_in_dim3A_917 = vector.broadcast %add3A_916 : i32 to vector<16xi32>
        %gather3A_918 = tpu.vector_load_idx %arg7[%broadcast_in_dim3A_917] : memref<1024xf32, #tpu.memory_space<vmem>>[vector<16xi32>], vector<16xf32>,
        %get3A_919 = arith.index_cast %add3A_916 : i32 to index
        %get3A_920 = arith.constant 0 : index
        %get3A_921 = tpu.vector_load %arg8[%get3A_919, %get3A_920] {strides = array<i32>} : memref<1024x32xbf16, #tpu.memory_space<vmem>>, vector<32xbf16>,
        %unpack3A_922 = tpu.unpack_subelements %get3A_921, 0 {pack_format = #tpu.pack_format<interleaved>} : vector<32xbf16> -> vector<16xf32>
        %unpack3A_923 = tpu.unpack_subelements %get3A_921, 1 {pack_format = #tpu.pack_format<interleaved>} : vector<32xbf16> -> vector<16xf32>
        %mul3A_924 = arith.mulf %gather3A_918, %unpack3A_922 : vector<16xf32>
        %add3A_925 = arith.addf %add3A_910, %mul3A_924 : vector<16xf32>
        %mul3A_926 = arith.mulf %gather3A_918, %unpack3A_923 : vector<16xf32>
        %add3A_927 = arith.addf %add3A_912, %mul3A_926 : vector<16xf32>
        %add3A_928 = arith.constant 256 : i32
        %add3A_929 = arith.addi %add3A_222, %add3A_928 : i32
        %add3A_930 = arith.constant 15 : i32
        %add3A_931 = arith.addi %add3A_929, %add3A_930 : i32
        %broadcast_in_dim3A_932 = vector.broadcast %add3A_931 : i32 to vector<16xi32>
        %gather3A_933 = tpu.vector_load_idx %arg7[%broadcast_in_dim3A_932] : memref<1024xf32, #tpu.memory_space<vmem>>[vector<16xi32>], vector<16xf32>,
        %get3A_934 = arith.index_cast %add3A_931 : i32 to index
        %get3A_935 = arith.constant 0 : index
        %get3A_936 = tpu.vector_load %arg8[%get3A_934, %get3A_935] {strides = array<i32>} : memref<1024x32xbf16, #tpu.memory_space<vmem>>, vector<32xbf16>,
        %unpack3A_937 = tpu.unpack_subelements %get3A_936, 0 {pack_format = #tpu.pack_format<interleaved>} : vector<32xbf16> -> vector<16xf32>
        %unpack3A_938 = tpu.unpack_subelements %get3A_936, 1 {pack_format = #tpu.pack_format<interleaved>} : vector<32xbf16> -> vector<16xf32>
        %mul3A_939 = arith.mulf %gather3A_933, %unpack3A_937 : vector<16xf32>
        %add3A_940 = arith.addf %add3A_925, %mul3A_939 : vector<16xf32>
        %mul3A_941 = arith.mulf %gather3A_933, %unpack3A_938 : vector<16xf32>
        %add3A_942 = arith.addf %add3A_927, %mul3A_941 : vector<16xf32>
        %add3A_943 = arith.constant 384 : i32
        %add3A_944 = arith.addi %add3A_222, %add3A_943 : i32
        %add3A_945 = arith.constant 0 : i32
        %add3A_946 = arith.addi %add3A_944, %add3A_945 : i32
        %broadcast_in_dim3A_947 = vector.broadcast %add3A_946 : i32 to vector<16xi32>
        %gather3A_948 = tpu.vector_load_idx %arg7[%broadcast_in_dim3A_947] : memref<1024xf32, #tpu.memory_space<vmem>>[vector<16xi32>], vector<16xf32>,
        %get3A_949 = arith.index_cast %add3A_946 : i32 to index
        %get3A_950 = arith.constant 0 : index
        %get3A_951 = tpu.vector_load %arg8[%get3A_949, %get3A_950] {strides = array<i32>} : memref<1024x32xbf16, #tpu.memory_space<vmem>>, vector<32xbf16>,
        %unpack3A_952 = tpu.unpack_subelements %get3A_951, 0 {pack_format = #tpu.pack_format<interleaved>} : vector<32xbf16> -> vector<16xf32>
        %unpack3A_953 = tpu.unpack_subelements %get3A_951, 1 {pack_format = #tpu.pack_format<interleaved>} : vector<32xbf16> -> vector<16xf32>
        %mul3A_954 = arith.mulf %gather3A_948, %unpack3A_952 : vector<16xf32>
        %add3A_955 = arith.addf %add3A_940, %mul3A_954 : vector<16xf32>
        %mul3A_956 = arith.mulf %gather3A_948, %unpack3A_953 : vector<16xf32>
        %add3A_957 = arith.addf %add3A_942, %mul3A_956 : vector<16xf32>
        %add3A_958 = arith.constant 384 : i32
        %add3A_959 = arith.addi %add3A_222, %add3A_958 : i32
        %add3A_960 = arith.constant 1 : i32
        %add3A_961 = arith.addi %add3A_959, %add3A_960 : i32
        %broadcast_in_dim3A_962 = vector.broadcast %add3A_961 : i32 to vector<16xi32>
        %gather3A_963 = tpu.vector_load_idx %arg7[%broadcast_in_dim3A_962] : memref<1024xf32, #tpu.memory_space<vmem>>[vector<16xi32>], vector<16xf32>,
        %get3A_964 = arith.index_cast %add3A_961 : i32 to index
        %get3A_965 = arith.constant 0 : index
        %get3A_966 = tpu.vector_load %arg8[%get3A_964, %get3A_965] {strides = array<i32>} : memref<1024x32xbf16, #tpu.memory_space<vmem>>, vector<32xbf16>,
        %unpack3A_967 = tpu.unpack_subelements %get3A_966, 0 {pack_format = #tpu.pack_format<interleaved>} : vector<32xbf16> -> vector<16xf32>
        %unpack3A_968 = tpu.unpack_subelements %get3A_966, 1 {pack_format = #tpu.pack_format<interleaved>} : vector<32xbf16> -> vector<16xf32>
        %mul3A_969 = arith.mulf %gather3A_963, %unpack3A_967 : vector<16xf32>
        %add3A_970 = arith.addf %add3A_955, %mul3A_969 : vector<16xf32>
        %mul3A_971 = arith.mulf %gather3A_963, %unpack3A_968 : vector<16xf32>
        %add3A_972 = arith.addf %add3A_957, %mul3A_971 : vector<16xf32>
        %add3A_973 = arith.constant 384 : i32
        %add3A_974 = arith.addi %add3A_222, %add3A_973 : i32
        %add3A_975 = arith.constant 2 : i32
        %add3A_976 = arith.addi %add3A_974, %add3A_975 : i32
        %broadcast_in_dim3A_977 = vector.broadcast %add3A_976 : i32 to vector<16xi32>
        %gather3A_978 = tpu.vector_load_idx %arg7[%broadcast_in_dim3A_977] : memref<1024xf32, #tpu.memory_space<vmem>>[vector<16xi32>], vector<16xf32>,
        %get3A_979 = arith.index_cast %add3A_976 : i32 to index
        %get3A_980 = arith.constant 0 : index
        %get3A_981 = tpu.vector_load %arg8[%get3A_979, %get3A_980] {strides = array<i32>} : memref<1024x32xbf16, #tpu.memory_space<vmem>>, vector<32xbf16>,
        %unpack3A_982 = tpu.unpack_subelements %get3A_981, 0 {pack_format = #tpu.pack_format<interleaved>} : vector<32xbf16> -> vector<16xf32>
        %unpack3A_983 = tpu.unpack_subelements %get3A_981, 1 {pack_format = #tpu.pack_format<interleaved>} : vector<32xbf16> -> vector<16xf32>
        %mul3A_984 = arith.mulf %gather3A_978, %unpack3A_982 : vector<16xf32>
        %add3A_985 = arith.addf %add3A_970, %mul3A_984 : vector<16xf32>
        %mul3A_986 = arith.mulf %gather3A_978, %unpack3A_983 : vector<16xf32>
        %add3A_987 = arith.addf %add3A_972, %mul3A_986 : vector<16xf32>
        %add3A_988 = arith.constant 384 : i32
        %add3A_989 = arith.addi %add3A_222, %add3A_988 : i32
        %add3A_990 = arith.constant 3 : i32
        %add3A_991 = arith.addi %add3A_989, %add3A_990 : i32
        %broadcast_in_dim3A_992 = vector.broadcast %add3A_991 : i32 to vector<16xi32>
        %gather3A_993 = tpu.vector_load_idx %arg7[%broadcast_in_dim3A_992] : memref<1024xf32, #tpu.memory_space<vmem>>[vector<16xi32>], vector<16xf32>,
        %get3A_994 = arith.index_cast %add3A_991 : i32 to index
        %get3A_995 = arith.constant 0 : index
        %get3A_996 = tpu.vector_load %arg8[%get3A_994, %get3A_995] {strides = array<i32>} : memref<1024x32xbf16, #tpu.memory_space<vmem>>, vector<32xbf16>,
        %unpack3A_997 = tpu.unpack_subelements %get3A_996, 0 {pack_format = #tpu.pack_format<interleaved>} : vector<32xbf16> -> vector<16xf32>
        %unpack3A_998 = tpu.unpack_subelements %get3A_996, 1 {pack_format = #tpu.pack_format<interleaved>} : vector<32xbf16> -> vector<16xf32>
        %mul3A_999 = arith.mulf %gather3A_993, %unpack3A_997 : vector<16xf32>
        %add3A_1000 = arith.addf %add3A_985, %mul3A_999 : vector<16xf32>
        %mul3A_1001 = arith.mulf %gather3A_993, %unpack3A_998 : vector<16xf32>
        %add3A_1002 = arith.addf %add3A_987, %mul3A_1001 : vector<16xf32>
        %add3A_1003 = arith.constant 384 : i32
        %add3A_1004 = arith.addi %add3A_222, %add3A_1003 : i32
        %add3A_1005 = arith.constant 4 : i32
        %add3A_1006 = arith.addi %add3A_1004, %add3A_1005 : i32
        %broadcast_in_dim3A_1007 = vector.broadcast %add3A_1006 : i32 to vector<16xi32>
        %gather3A_1008 = tpu.vector_load_idx %arg7[%broadcast_in_dim3A_1007] : memref<1024xf32, #tpu.memory_space<vmem>>[vector<16xi32>], vector<16xf32>,
        %get3A_1009 = arith.index_cast %add3A_1006 : i32 to index
        %get3A_1010 = arith.constant 0 : index
        %get3A_1011 = tpu.vector_load %arg8[%get3A_1009, %get3A_1010] {strides = array<i32>} : memref<1024x32xbf16, #tpu.memory_space<vmem>>, vector<32xbf16>,
        %unpack3A_1012 = tpu.unpack_subelements %get3A_1011, 0 {pack_format = #tpu.pack_format<interleaved>} : vector<32xbf16> -> vector<16xf32>
        %unpack3A_1013 = tpu.unpack_subelements %get3A_1011, 1 {pack_format = #tpu.pack_format<interleaved>} : vector<32xbf16> -> vector<16xf32>
        %mul3A_1014 = arith.mulf %gather3A_1008, %unpack3A_1012 : vector<16xf32>
        %add3A_1015 = arith.addf %add3A_1000, %mul3A_1014 : vector<16xf32>
        %mul3A_1016 = arith.mulf %gather3A_1008, %unpack3A_1013 : vector<16xf32>
        %add3A_1017 = arith.addf %add3A_1002, %mul3A_1016 : vector<16xf32>
        %add3A_1018 = arith.constant 384 : i32
        %add3A_1019 = arith.addi %add3A_222, %add3A_1018 : i32
        %add3A_1020 = arith.constant 5 : i32
        %add3A_1021 = arith.addi %add3A_1019, %add3A_1020 : i32
        %broadcast_in_dim3A_1022 = vector.broadcast %add3A_1021 : i32 to vector<16xi32>
        %gather3A_1023 = tpu.vector_load_idx %arg7[%broadcast_in_dim3A_1022] : memref<1024xf32, #tpu.memory_space<vmem>>[vector<16xi32>], vector<16xf32>,
        %get3A_1024 = arith.index_cast %add3A_1021 : i32 to index
        %get3A_1025 = arith.constant 0 : index
        %get3A_1026 = tpu.vector_load %arg8[%get3A_1024, %get3A_1025] {strides = array<i32>} : memref<1024x32xbf16, #tpu.memory_space<vmem>>, vector<32xbf16>,
        %unpack3A_1027 = tpu.unpack_subelements %get3A_1026, 0 {pack_format = #tpu.pack_format<interleaved>} : vector<32xbf16> -> vector<16xf32>
        %unpack3A_1028 = tpu.unpack_subelements %get3A_1026, 1 {pack_format = #tpu.pack_format<interleaved>} : vector<32xbf16> -> vector<16xf32>
        %mul3A_1029 = arith.mulf %gather3A_1023, %unpack3A_1027 : vector<16xf32>
        %add3A_1030 = arith.addf %add3A_1015, %mul3A_1029 : vector<16xf32>
        %mul3A_1031 = arith.mulf %gather3A_1023, %unpack3A_1028 : vector<16xf32>
        %add3A_1032 = arith.addf %add3A_1017, %mul3A_1031 : vector<16xf32>
        %add3A_1033 = arith.constant 384 : i32
        %add3A_1034 = arith.addi %add3A_222, %add3A_1033 : i32
        %add3A_1035 = arith.constant 6 : i32
        %add3A_1036 = arith.addi %add3A_1034, %add3A_1035 : i32
        %broadcast_in_dim3A_1037 = vector.broadcast %add3A_1036 : i32 to vector<16xi32>
        %gather3A_1038 = tpu.vector_load_idx %arg7[%broadcast_in_dim3A_1037] : memref<1024xf32, #tpu.memory_space<vmem>>[vector<16xi32>], vector<16xf32>,
        %get3A_1039 = arith.index_cast %add3A_1036 : i32 to index
        %get3A_1040 = arith.constant 0 : index
        %get3A_1041 = tpu.vector_load %arg8[%get3A_1039, %get3A_1040] {strides = array<i32>} : memref<1024x32xbf16, #tpu.memory_space<vmem>>, vector<32xbf16>,
        %unpack3A_1042 = tpu.unpack_subelements %get3A_1041, 0 {pack_format = #tpu.pack_format<interleaved>} : vector<32xbf16> -> vector<16xf32>
        %unpack3A_1043 = tpu.unpack_subelements %get3A_1041, 1 {pack_format = #tpu.pack_format<interleaved>} : vector<32xbf16> -> vector<16xf32>
        %mul3A_1044 = arith.mulf %gather3A_1038, %unpack3A_1042 : vector<16xf32>
        %add3A_1045 = arith.addf %add3A_1030, %mul3A_1044 : vector<16xf32>
        %mul3A_1046 = arith.mulf %gather3A_1038, %unpack3A_1043 : vector<16xf32>
        %add3A_1047 = arith.addf %add3A_1032, %mul3A_1046 : vector<16xf32>
        %add3A_1048 = arith.constant 384 : i32
        %add3A_1049 = arith.addi %add3A_222, %add3A_1048 : i32
        %add3A_1050 = arith.constant 7 : i32
        %add3A_1051 = arith.addi %add3A_1049, %add3A_1050 : i32
        %broadcast_in_dim3A_1052 = vector.broadcast %add3A_1051 : i32 to vector<16xi32>
        %gather3A_1053 = tpu.vector_load_idx %arg7[%broadcast_in_dim3A_1052] : memref<1024xf32, #tpu.memory_space<vmem>>[vector<16xi32>], vector<16xf32>,
        %get3A_1054 = arith.index_cast %add3A_1051 : i32 to index
        %get3A_1055 = arith.constant 0 : index
        %get3A_1056 = tpu.vector_load %arg8[%get3A_1054, %get3A_1055] {strides = array<i32>} : memref<1024x32xbf16, #tpu.memory_space<vmem>>, vector<32xbf16>,
        %unpack3A_1057 = tpu.unpack_subelements %get3A_1056, 0 {pack_format = #tpu.pack_format<interleaved>} : vector<32xbf16> -> vector<16xf32>
        %unpack3A_1058 = tpu.unpack_subelements %get3A_1056, 1 {pack_format = #tpu.pack_format<interleaved>} : vector<32xbf16> -> vector<16xf32>
        %mul3A_1059 = arith.mulf %gather3A_1053, %unpack3A_1057 : vector<16xf32>
        %add3A_1060 = arith.addf %add3A_1045, %mul3A_1059 : vector<16xf32>
        %mul3A_1061 = arith.mulf %gather3A_1053, %unpack3A_1058 : vector<16xf32>
        %add3A_1062 = arith.addf %add3A_1047, %mul3A_1061 : vector<16xf32>
        %add3A_1063 = arith.constant 384 : i32
        %add3A_1064 = arith.addi %add3A_222, %add3A_1063 : i32
        %add3A_1065 = arith.constant 8 : i32
        %add3A_1066 = arith.addi %add3A_1064, %add3A_1065 : i32
        %broadcast_in_dim3A_1067 = vector.broadcast %add3A_1066 : i32 to vector<16xi32>
        %gather3A_1068 = tpu.vector_load_idx %arg7[%broadcast_in_dim3A_1067] : memref<1024xf32, #tpu.memory_space<vmem>>[vector<16xi32>], vector<16xf32>,
        %get3A_1069 = arith.index_cast %add3A_1066 : i32 to index
        %get3A_1070 = arith.constant 0 : index
        %get3A_1071 = tpu.vector_load %arg8[%get3A_1069, %get3A_1070] {strides = array<i32>} : memref<1024x32xbf16, #tpu.memory_space<vmem>>, vector<32xbf16>,
        %unpack3A_1072 = tpu.unpack_subelements %get3A_1071, 0 {pack_format = #tpu.pack_format<interleaved>} : vector<32xbf16> -> vector<16xf32>
        %unpack3A_1073 = tpu.unpack_subelements %get3A_1071, 1 {pack_format = #tpu.pack_format<interleaved>} : vector<32xbf16> -> vector<16xf32>
        %mul3A_1074 = arith.mulf %gather3A_1068, %unpack3A_1072 : vector<16xf32>
        %add3A_1075 = arith.addf %add3A_1060, %mul3A_1074 : vector<16xf32>
        %mul3A_1076 = arith.mulf %gather3A_1068, %unpack3A_1073 : vector<16xf32>
        %add3A_1077 = arith.addf %add3A_1062, %mul3A_1076 : vector<16xf32>
        %add3A_1078 = arith.constant 384 : i32
        %add3A_1079 = arith.addi %add3A_222, %add3A_1078 : i32
        %add3A_1080 = arith.constant 9 : i32
        %add3A_1081 = arith.addi %add3A_1079, %add3A_1080 : i32
        %broadcast_in_dim3A_1082 = vector.broadcast %add3A_1081 : i32 to vector<16xi32>
        %gather3A_1083 = tpu.vector_load_idx %arg7[%broadcast_in_dim3A_1082] : memref<1024xf32, #tpu.memory_space<vmem>>[vector<16xi32>], vector<16xf32>,
        %get3A_1084 = arith.index_cast %add3A_1081 : i32 to index
        %get3A_1085 = arith.constant 0 : index
        %get3A_1086 = tpu.vector_load %arg8[%get3A_1084, %get3A_1085] {strides = array<i32>} : memref<1024x32xbf16, #tpu.memory_space<vmem>>, vector<32xbf16>,
        %unpack3A_1087 = tpu.unpack_subelements %get3A_1086, 0 {pack_format = #tpu.pack_format<interleaved>} : vector<32xbf16> -> vector<16xf32>
        %unpack3A_1088 = tpu.unpack_subelements %get3A_1086, 1 {pack_format = #tpu.pack_format<interleaved>} : vector<32xbf16> -> vector<16xf32>
        %mul3A_1089 = arith.mulf %gather3A_1083, %unpack3A_1087 : vector<16xf32>
        %add3A_1090 = arith.addf %add3A_1075, %mul3A_1089 : vector<16xf32>
        %mul3A_1091 = arith.mulf %gather3A_1083, %unpack3A_1088 : vector<16xf32>
        %add3A_1092 = arith.addf %add3A_1077, %mul3A_1091 : vector<16xf32>
        %add3A_1093 = arith.constant 384 : i32
        %add3A_1094 = arith.addi %add3A_222, %add3A_1093 : i32
        %add3A_1095 = arith.constant 10 : i32
        %add3A_1096 = arith.addi %add3A_1094, %add3A_1095 : i32
        %broadcast_in_dim3A_1097 = vector.broadcast %add3A_1096 : i32 to vector<16xi32>
        %gather3A_1098 = tpu.vector_load_idx %arg7[%broadcast_in_dim3A_1097] : memref<1024xf32, #tpu.memory_space<vmem>>[vector<16xi32>], vector<16xf32>,
        %get3A_1099 = arith.index_cast %add3A_1096 : i32 to index
        %get3A_1100 = arith.constant 0 : index
        %get3A_1101 = tpu.vector_load %arg8[%get3A_1099, %get3A_1100] {strides = array<i32>} : memref<1024x32xbf16, #tpu.memory_space<vmem>>, vector<32xbf16>,
        %unpack3A_1102 = tpu.unpack_subelements %get3A_1101, 0 {pack_format = #tpu.pack_format<interleaved>} : vector<32xbf16> -> vector<16xf32>
        %unpack3A_1103 = tpu.unpack_subelements %get3A_1101, 1 {pack_format = #tpu.pack_format<interleaved>} : vector<32xbf16> -> vector<16xf32>
        %mul3A_1104 = arith.mulf %gather3A_1098, %unpack3A_1102 : vector<16xf32>
        %add3A_1105 = arith.addf %add3A_1090, %mul3A_1104 : vector<16xf32>
        %mul3A_1106 = arith.mulf %gather3A_1098, %unpack3A_1103 : vector<16xf32>
        %add3A_1107 = arith.addf %add3A_1092, %mul3A_1106 : vector<16xf32>
        %add3A_1108 = arith.constant 384 : i32
        %add3A_1109 = arith.addi %add3A_222, %add3A_1108 : i32
        %add3A_1110 = arith.constant 11 : i32
        %add3A_1111 = arith.addi %add3A_1109, %add3A_1110 : i32
        %broadcast_in_dim3A_1112 = vector.broadcast %add3A_1111 : i32 to vector<16xi32>
        %gather3A_1113 = tpu.vector_load_idx %arg7[%broadcast_in_dim3A_1112] : memref<1024xf32, #tpu.memory_space<vmem>>[vector<16xi32>], vector<16xf32>,
        %get3A_1114 = arith.index_cast %add3A_1111 : i32 to index
        %get3A_1115 = arith.constant 0 : index
        %get3A_1116 = tpu.vector_load %arg8[%get3A_1114, %get3A_1115] {strides = array<i32>} : memref<1024x32xbf16, #tpu.memory_space<vmem>>, vector<32xbf16>,
        %unpack3A_1117 = tpu.unpack_subelements %get3A_1116, 0 {pack_format = #tpu.pack_format<interleaved>} : vector<32xbf16> -> vector<16xf32>
        %unpack3A_1118 = tpu.unpack_subelements %get3A_1116, 1 {pack_format = #tpu.pack_format<interleaved>} : vector<32xbf16> -> vector<16xf32>
        %mul3A_1119 = arith.mulf %gather3A_1113, %unpack3A_1117 : vector<16xf32>
        %add3A_1120 = arith.addf %add3A_1105, %mul3A_1119 : vector<16xf32>
        %mul3A_1121 = arith.mulf %gather3A_1113, %unpack3A_1118 : vector<16xf32>
        %add3A_1122 = arith.addf %add3A_1107, %mul3A_1121 : vector<16xf32>
        %add3A_1123 = arith.constant 384 : i32
        %add3A_1124 = arith.addi %add3A_222, %add3A_1123 : i32
        %add3A_1125 = arith.constant 12 : i32
        %add3A_1126 = arith.addi %add3A_1124, %add3A_1125 : i32
        %broadcast_in_dim3A_1127 = vector.broadcast %add3A_1126 : i32 to vector<16xi32>
        %gather3A_1128 = tpu.vector_load_idx %arg7[%broadcast_in_dim3A_1127] : memref<1024xf32, #tpu.memory_space<vmem>>[vector<16xi32>], vector<16xf32>,
        %get3A_1129 = arith.index_cast %add3A_1126 : i32 to index
        %get3A_1130 = arith.constant 0 : index
        %get3A_1131 = tpu.vector_load %arg8[%get3A_1129, %get3A_1130] {strides = array<i32>} : memref<1024x32xbf16, #tpu.memory_space<vmem>>, vector<32xbf16>,
        %unpack3A_1132 = tpu.unpack_subelements %get3A_1131, 0 {pack_format = #tpu.pack_format<interleaved>} : vector<32xbf16> -> vector<16xf32>
        %unpack3A_1133 = tpu.unpack_subelements %get3A_1131, 1 {pack_format = #tpu.pack_format<interleaved>} : vector<32xbf16> -> vector<16xf32>
        %mul3A_1134 = arith.mulf %gather3A_1128, %unpack3A_1132 : vector<16xf32>
        %add3A_1135 = arith.addf %add3A_1120, %mul3A_1134 : vector<16xf32>
        %mul3A_1136 = arith.mulf %gather3A_1128, %unpack3A_1133 : vector<16xf32>
        %add3A_1137 = arith.addf %add3A_1122, %mul3A_1136 : vector<16xf32>
        %add3A_1138 = arith.constant 384 : i32
        %add3A_1139 = arith.addi %add3A_222, %add3A_1138 : i32
        %add3A_1140 = arith.constant 13 : i32
        %add3A_1141 = arith.addi %add3A_1139, %add3A_1140 : i32
        %broadcast_in_dim3A_1142 = vector.broadcast %add3A_1141 : i32 to vector<16xi32>
        %gather3A_1143 = tpu.vector_load_idx %arg7[%broadcast_in_dim3A_1142] : memref<1024xf32, #tpu.memory_space<vmem>>[vector<16xi32>], vector<16xf32>,
        %get3A_1144 = arith.index_cast %add3A_1141 : i32 to index
        %get3A_1145 = arith.constant 0 : index
        %get3A_1146 = tpu.vector_load %arg8[%get3A_1144, %get3A_1145] {strides = array<i32>} : memref<1024x32xbf16, #tpu.memory_space<vmem>>, vector<32xbf16>,
        %unpack3A_1147 = tpu.unpack_subelements %get3A_1146, 0 {pack_format = #tpu.pack_format<interleaved>} : vector<32xbf16> -> vector<16xf32>
        %unpack3A_1148 = tpu.unpack_subelements %get3A_1146, 1 {pack_format = #tpu.pack_format<interleaved>} : vector<32xbf16> -> vector<16xf32>
        %mul3A_1149 = arith.mulf %gather3A_1143, %unpack3A_1147 : vector<16xf32>
        %add3A_1150 = arith.addf %add3A_1135, %mul3A_1149 : vector<16xf32>
        %mul3A_1151 = arith.mulf %gather3A_1143, %unpack3A_1148 : vector<16xf32>
        %add3A_1152 = arith.addf %add3A_1137, %mul3A_1151 : vector<16xf32>
        %add3A_1153 = arith.constant 384 : i32
        %add3A_1154 = arith.addi %add3A_222, %add3A_1153 : i32
        %add3A_1155 = arith.constant 14 : i32
        %add3A_1156 = arith.addi %add3A_1154, %add3A_1155 : i32
        %broadcast_in_dim3A_1157 = vector.broadcast %add3A_1156 : i32 to vector<16xi32>
        %gather3A_1158 = tpu.vector_load_idx %arg7[%broadcast_in_dim3A_1157] : memref<1024xf32, #tpu.memory_space<vmem>>[vector<16xi32>], vector<16xf32>,
        %get3A_1159 = arith.index_cast %add3A_1156 : i32 to index
        %get3A_1160 = arith.constant 0 : index
        %get3A_1161 = tpu.vector_load %arg8[%get3A_1159, %get3A_1160] {strides = array<i32>} : memref<1024x32xbf16, #tpu.memory_space<vmem>>, vector<32xbf16>,
        %unpack3A_1162 = tpu.unpack_subelements %get3A_1161, 0 {pack_format = #tpu.pack_format<interleaved>} : vector<32xbf16> -> vector<16xf32>
        %unpack3A_1163 = tpu.unpack_subelements %get3A_1161, 1 {pack_format = #tpu.pack_format<interleaved>} : vector<32xbf16> -> vector<16xf32>
        %mul3A_1164 = arith.mulf %gather3A_1158, %unpack3A_1162 : vector<16xf32>
        %add3A_1165 = arith.addf %add3A_1150, %mul3A_1164 : vector<16xf32>
        %mul3A_1166 = arith.mulf %gather3A_1158, %unpack3A_1163 : vector<16xf32>
        %add3A_1167 = arith.addf %add3A_1152, %mul3A_1166 : vector<16xf32>
        %add3A_1168 = arith.constant 384 : i32
        %add3A_1169 = arith.addi %add3A_222, %add3A_1168 : i32
        %add3A_1170 = arith.constant 15 : i32
        %add3A_1171 = arith.addi %add3A_1169, %add3A_1170 : i32
        %broadcast_in_dim3A_1172 = vector.broadcast %add3A_1171 : i32 to vector<16xi32>
        %gather3A_1173 = tpu.vector_load_idx %arg7[%broadcast_in_dim3A_1172] : memref<1024xf32, #tpu.memory_space<vmem>>[vector<16xi32>], vector<16xf32>,
        %get3A_1174 = arith.index_cast %add3A_1171 : i32 to index
        %get3A_1175 = arith.constant 0 : index
        %get3A_1176 = tpu.vector_load %arg8[%get3A_1174, %get3A_1175] {strides = array<i32>} : memref<1024x32xbf16, #tpu.memory_space<vmem>>, vector<32xbf16>,
        %unpack3A_1177 = tpu.unpack_subelements %get3A_1176, 0 {pack_format = #tpu.pack_format<interleaved>} : vector<32xbf16> -> vector<16xf32>
        %unpack3A_1178 = tpu.unpack_subelements %get3A_1176, 1 {pack_format = #tpu.pack_format<interleaved>} : vector<32xbf16> -> vector<16xf32>
        %mul3A_1179 = arith.mulf %gather3A_1173, %unpack3A_1177 : vector<16xf32>
        %add3A_1180 = arith.addf %add3A_1165, %mul3A_1179 : vector<16xf32>
        %mul3A_1181 = arith.mulf %gather3A_1173, %unpack3A_1178 : vector<16xf32>
        %add3A_1182 = arith.addf %add3A_1167, %mul3A_1181 : vector<16xf32>
        %mul3A_1183 = arith.constant 256 : i32
        %mul3A_1184 = arith.muli %select_n3A, %mul3A_1183 : i32
        %mul3A_1185 = arith.constant 32 : i32
        %mul3A_1186 = arith.muli %select_n3A_217, %mul3A_1185 : i32
        %add3A_1187 = arith.addi %mul3A_1184, %mul3A_1186 : i32
        %swap3A = arith.index_cast %add3A_1187 : i32 to index
        %swap3A_1188 = tpu.vector_load %arg9[%swap3A] {strides = array<i32>} : memref<512xf32, #tpu.memory_space<vmem>>, vector<16xf32>,
        tpu.vector_store %arg9[%swap3A], %add3A_1180 {strides = array<i32>} : memref<512xf32, #tpu.memory_space<vmem>>, vector<16xf32>,
        %add3A_1189 = arith.constant 16 : i32
        %add3A_1190 = arith.addi %add3A_1187, %add3A_1189 : i32
        %swap3A_1191 = arith.index_cast %add3A_1190 : i32 to index
        %swap3A_1192 = tpu.vector_load %arg9[%swap3A_1191] {strides = array<i32>} : memref<512xf32, #tpu.memory_space<vmem>>, vector<16xf32>,
        tpu.vector_store %arg9[%swap3A_1191], %add3A_1182 {strides = array<i32>} : memref<512xf32, #tpu.memory_space<vmem>>, vector<16xf32>,
        %scan3A_1193 = arith.constant 0 : i32
        scf.yield %scan3A_1193 : i32
      }
      %scan3A_182 = arith.constant 16 : i32
      %mul3A_183 = arith.constant 256 : i32
      %mul3A_184 = arith.muli %add3A_13, %mul3A_183 : i32
      "tpu.region"() ({
        %run_scoped3A = tpu.sem_alloc : memref<!tpu.dma_semaphore, #tpu.memory_space<semaphore_mem>>
        %dma_start3A_186 = tpu.memref_slice %arg5[%mul3A_184] : memref<5570560xf32, #tpu.memory_space<hbm>> -> memref<512xf32, #tpu.memory_space<hbm>>
        %dma_start3A_187 = tpu.memref_slice %arg5[%mul3A_184] : memref<5570560xf32, #tpu.memory_space<hbm>> -> memref<512xf32, #tpu.memory_space<hbm>>
        tpu.enqueue_dma source(%arg9 : memref<512xf32, #tpu.memory_space<vmem>>) target(%dma_start3A_187 : memref<512xf32, #tpu.memory_space<hbm>>) target_semaphore(%run_scoped3A : memref<!tpu.dma_semaphore, #tpu.memory_space<semaphore_mem>>)
        %dma_wait3A_188 = tpu.memref_slice %arg5[%mul3A_184] : memref<5570560xf32, #tpu.memory_space<hbm>> -> memref<512xf32, #tpu.memory_space<hbm>>
        %dma_wait3A_189 = tpu.memref_slice %arg5[%mul3A_184] : memref<5570560xf32, #tpu.memory_space<hbm>> -> memref<512xf32, #tpu.memory_space<hbm>>
        tpu.wait_dma2 semaphore(%run_scoped3A : memref<!tpu.dma_semaphore, #tpu.memory_space<semaphore_mem>>) src(%arg9 : memref<512xf32, #tpu.memory_space<vmem>>) dst(%dma_wait3A_189 : memref<512xf32, #tpu.memory_space<hbm>>)
        tpu.yield
      }) : () -> ()
      %scan3A_185 = arith.constant 0 : i32
      scf.yield %scan3A_185 : i32
    }
    %scan3A_6 = arith.constant 340 : i32
    return
  }
}

module attributes {stable_mosaic.version = 14 : i64} {
  func.func @_idxw_body(%arg0: i32, %arg1: memref<1088x256xf32, #tpu.memory_space<vmem>>, %arg2: memref<256x128xf32, #tpu.memory_space<vmem>>, %arg3: memref<256x128xf32, #tpu.memory_space<vmem>>, %arg4: memref<1x128xf32, #tpu.memory_space<vmem>>, %arg5: memref<1x128xf32, #tpu.memory_space<vmem>>, %arg6: memref<256x128xf32, #tpu.memory_space<vmem>>, %arg7: memref<1x128xf32, #tpu.memory_space<vmem>>, %arg8: memref<128x128xf32, #tpu.memory_space<vmem>>, %arg9: memref<1088x128xf32, #tpu.memory_space<vmem>>, %arg10: memref<1088x128xf32, #tpu.memory_space<vmem>>, %arg11: memref<1x128xf32, #tpu.memory_space<vmem>>, %arg12: memref<1x128xf32, #tpu.memory_space<vmem>>, %arg13: memref<1x128xf32, #tpu.memory_space<vmem>>, %arg14: memref<1x128xf32, #tpu.memory_space<vmem>>, %arg15: memref<1x128xi32, #tpu.memory_space<vmem>>, %arg16: memref<1x128xi32, #tpu.memory_space<vmem>>, %arg17: memref<1x128xi32, #tpu.memory_space<vmem>>, %arg18: memref<1088x512xi32, #tpu.memory_space<vmem>>, %arg19: memref<1088x512xf32, #tpu.memory_space<vmem>>) attributes {dimension_semantics = [#tpu.dimension_semantics<arbitrary>], iteration_bounds = array<i64: 20>, scalar_prefetch = 0 : i64, scratch_operands = 0 : i64, tpu.core_type = #tpu.core_type<tc>, window_params = [{transform_indices = @transform_0, window_bounds = array<i64: 1088, 256>}, {pipeline_mode = #tpu.pipeline_mode<synchronous>, transform_indices = @transform_1, window_bounds = array<i64: 256, 128>}, {pipeline_mode = #tpu.pipeline_mode<synchronous>, transform_indices = @transform_2, window_bounds = array<i64: 256, 128>}, {pipeline_mode = #tpu.pipeline_mode<synchronous>, transform_indices = @transform_3, window_bounds = array<i64: 1, 128>}, {pipeline_mode = #tpu.pipeline_mode<synchronous>, transform_indices = @transform_4, window_bounds = array<i64: 1, 128>}, {pipeline_mode = #tpu.pipeline_mode<synchronous>, transform_indices = @transform_5, window_bounds = array<i64: 256, 128>}, {pipeline_mode = #tpu.pipeline_mode<synchronous>, transform_indices = @transform_6, window_bounds = array<i64: 1, 128>}, {pipeline_mode = #tpu.pipeline_mode<synchronous>, transform_indices = @transform_7, window_bounds = array<i64: 128, 128>}, {transform_indices = @transform_8, window_bounds = array<i64: 1088, 128>}, {transform_indices = @transform_9, window_bounds = array<i64: 1088, 128>}, {pipeline_mode = #tpu.pipeline_mode<synchronous>, transform_indices = @transform_10, window_bounds = array<i64: 1, 128>}, {pipeline_mode = #tpu.pipeline_mode<synchronous>, transform_indices = @transform_11, window_bounds = array<i64: 1, 128>}, {pipeline_mode = #tpu.pipeline_mode<synchronous>, transform_indices = @transform_12, window_bounds = array<i64: 1, 128>}, {pipeline_mode = #tpu.pipeline_mode<synchronous>, transform_indices = @transform_13, window_bounds = array<i64: 1, 128>}, {pipeline_mode = #tpu.pipeline_mode<synchronous>, transform_indices = @transform_14, window_bounds = array<i64: 1, 128>}, {pipeline_mode = #tpu.pipeline_mode<synchronous>, transform_indices = @transform_15, window_bounds = array<i64: 1, 128>}, {pipeline_mode = #tpu.pipeline_mode<synchronous>, transform_indices = @transform_16, window_bounds = array<i64: 1, 128>}, {transform_indices = @transform_17, window_bounds = array<i64: 1088, 512>}, {transform_indices = @transform_18, window_bounds = array<i64: 1088, 512>}]} {
    %get3A = arith.constant 0 : index
    %get3A_0 = arith.constant 0 : index
    %get3A_1 = vector.load %arg1[%get3A, %get3A_0] : memref<1088x256xf32, #tpu.memory_space<vmem>>, vector<1088x256xf32>
    %get3A_2 = arith.constant 0 : index
    %get3A_3 = arith.constant 0 : index
    %get3A_4 = vector.load %arg2[%get3A_2, %get3A_3] : memref<256x128xf32, #tpu.memory_space<vmem>>, vector<256x128xf32>
    %dot_general3A = arith.constant dense<0.000000e+00> : vector<1088x128xf32>
    %dot_general3A_5 = tpu.matmul %get3A_1, %get3A_4, %dot_general3A {dimension_numbers = #tpu.dot_dimension_numbers<[1], [0], [0], [1], [0, 0, 1, 1], [], []>, precision = #tpu.contract_precision<fp32>, transpose_lhs_hint = false} : vector<1088x256xf32>, vector<256x128xf32>, vector<1088x128xf32> -> vector<1088x128xf32>
    %get3A_6 = arith.constant 0 : index
    %get3A_7 = arith.constant 0 : index
    %get3A_8 = vector.load %arg4[%get3A_6, %get3A_7] : memref<1x128xf32, #tpu.memory_space<vmem>>, vector<1x128xf32>
    %add3A = vector.broadcast %get3A_8 : vector<1x128xf32> to vector<1088x128xf32>
    %add3A_9 = arith.addf %dot_general3A_5, %add3A : vector<1088x128xf32>
    %get3A_10 = arith.constant 0 : index
    %get3A_11 = arith.constant 0 : index
    %get3A_12 = vector.load %arg3[%get3A_10, %get3A_11] : memref<256x128xf32, #tpu.memory_space<vmem>>, vector<256x128xf32>
    %dot_general3A_13 = arith.constant dense<0.000000e+00> : vector<1088x128xf32>
    %dot_general3A_14 = tpu.matmul %get3A_1, %get3A_12, %dot_general3A_13 {dimension_numbers = #tpu.dot_dimension_numbers<[1], [0], [0], [1], [0, 0, 1, 1], [], []>, precision = #tpu.contract_precision<fp32>, transpose_lhs_hint = false} : vector<1088x256xf32>, vector<256x128xf32>, vector<1088x128xf32> -> vector<1088x128xf32>
    %get3A_15 = arith.constant 0 : index
    %get3A_16 = arith.constant 0 : index
    %get3A_17 = vector.load %arg5[%get3A_15, %get3A_16] : memref<1x128xf32, #tpu.memory_space<vmem>>, vector<1x128xf32>
    %add3A_18 = vector.broadcast %get3A_17 : vector<1x128xf32> to vector<1088x128xf32>
    %add3A_19 = arith.addf %dot_general3A_14, %add3A_18 : vector<1088x128xf32>
    %get3A_20 = arith.constant 0 : index
    %get3A_21 = arith.constant 0 : index
    %get3A_22 = vector.load %arg6[%get3A_20, %get3A_21] : memref<256x128xf32, #tpu.memory_space<vmem>>, vector<256x128xf32>
    %dot_general3A_23 = arith.constant dense<0.000000e+00> : vector<1088x128xf32>
    %dot_general3A_24 = tpu.matmul %get3A_1, %get3A_22, %dot_general3A_23 {dimension_numbers = #tpu.dot_dimension_numbers<[1], [0], [0], [1], [0, 0, 1, 1], [], []>, precision = #tpu.contract_precision<fp32>, transpose_lhs_hint = false} : vector<1088x256xf32>, vector<256x128xf32>, vector<1088x128xf32> -> vector<1088x128xf32>
    %get3A_25 = arith.constant 0 : index
    %get3A_26 = arith.constant 0 : index
    %get3A_27 = vector.load %arg7[%get3A_25, %get3A_26] : memref<1x128xf32, #tpu.memory_space<vmem>>, vector<1x128xf32>
    %add3A_28 = vector.broadcast %get3A_27 : vector<1x128xf32> to vector<1088x128xf32>
    %add3A_29 = arith.addf %dot_general3A_24, %add3A_28 : vector<1088x128xf32>
    %exp3A = math.exp %add3A_29 : vector<1088x128xf32>
    %get3A_30 = arith.constant 0 : index
    %get3A_31 = arith.constant 0 : index
    %get3A_32 = vector.load %arg8[%get3A_30, %get3A_31] : memref<128x128xf32, #tpu.memory_space<vmem>>, vector<128x128xf32>
    %dot_general3A_33 = arith.constant dense<0.000000e+00> : vector<1088x128xf32>
    %dot_general3A_34 = tpu.matmul %exp3A, %get3A_32, %dot_general3A_33 {dimension_numbers = #tpu.dot_dimension_numbers<[1], [0], [0], [1], [0, 0, 1, 1], [], []>, precision = #tpu.contract_precision<fp32>, transpose_lhs_hint = false} : vector<1088x128xf32>, vector<128x128xf32>, vector<1088x128xf32> -> vector<1088x128xf32>
    %div3A = arith.divf %exp3A, %dot_general3A_34 : vector<1088x128xf32>
    %get3A_35 = arith.constant 0 : index
    %get3A_36 = arith.constant 0 : index
    %get3A_37 = vector.load %arg11[%get3A_35, %get3A_36] : memref<1x128xf32, #tpu.memory_space<vmem>>, vector<1x128xf32>
    %get3A_38 = arith.constant 0 : index
    %get3A_39 = arith.constant 0 : index
    %get3A_40 = vector.load %arg12[%get3A_38, %get3A_39] : memref<1x128xf32, #tpu.memory_space<vmem>>, vector<1x128xf32>
    %get3A_41 = arith.constant 0 : index
    %get3A_42 = arith.constant 0 : index
    %get3A_43 = vector.load %arg9[%get3A_41, %get3A_42] : memref<1088x128xf32, #tpu.memory_space<vmem>>, vector<1088x128xf32>
    %get3A_44 = arith.constant 0 : index
    %get3A_45 = arith.constant 0 : index
    %get3A_46 = vector.load %arg13[%get3A_44, %get3A_45] : memref<1x128xf32, #tpu.memory_space<vmem>>, vector<1x128xf32>
    %mul3A = vector.broadcast %get3A_46 : vector<1x128xf32> to vector<1088x128xf32>
    %mul3A_47 = arith.mulf %add3A_9, %mul3A : vector<1088x128xf32>
    %add3A_48 = arith.addf %get3A_43, %mul3A_47 : vector<1088x128xf32>
    %get3A_49 = arith.constant 0 : index
    %get3A_50 = arith.constant 0 : index
    %get3A_51 = vector.load %arg10[%get3A_49, %get3A_50] : memref<1088x128xf32, #tpu.memory_space<vmem>>, vector<1088x128xf32>
    %get3A_52 = arith.constant 0 : index
    %get3A_53 = arith.constant 0 : index
    %get3A_54 = vector.load %arg14[%get3A_52, %get3A_53] : memref<1x128xf32, #tpu.memory_space<vmem>>, vector<1x128xf32>
    %mul3A_55 = vector.broadcast %get3A_54 : vector<1x128xf32> to vector<1088x128xf32>
    %mul3A_56 = arith.mulf %add3A_19, %mul3A_55 : vector<1088x128xf32>
    %add3A_57 = arith.addf %get3A_51, %mul3A_56 : vector<1088x128xf32>
    %mul3A_58 = vector.broadcast %get3A_37 : vector<1x128xf32> to vector<1088x128xf32>
    %mul3A_59 = arith.mulf %add3A_48, %mul3A_58 : vector<1088x128xf32>
    %sub3A = arith.constant 5.000000e-01 : f32
    %sub3A_60 = vector.broadcast %sub3A : f32 to vector<1088x128xf32>
    %sub3A_61 = arith.subf %mul3A_59, %sub3A_60 : vector<1088x128xf32>
    %mul3A_62 = vector.broadcast %get3A_40 : vector<1x128xf32> to vector<1088x128xf32>
    %mul3A_63 = arith.mulf %add3A_57, %mul3A_62 : vector<1088x128xf32>
    %sub3A_64 = arith.constant 5.000000e-01 : f32
    %sub3A_65 = vector.broadcast %sub3A_64 : f32 to vector<1088x128xf32>
    %sub3A_66 = arith.subf %mul3A_63, %sub3A_65 : vector<1088x128xf32>
    %floor3A = math.floor %sub3A_61 : vector<1088x128xf32>
    %floor3A_67 = math.floor %sub3A_66 : vector<1088x128xf32>
    %sub3A_68 = arith.subf %sub3A_61, %floor3A : vector<1088x128xf32>
    %sub3A_69 = arith.subf %sub3A_66, %floor3A_67 : vector<1088x128xf32>
    %convert_element_type3A = arith.fptosi %floor3A : vector<1088x128xf32> to vector<1088x128xi32>
    %convert_element_type3A_70 = arith.fptosi %floor3A_67 : vector<1088x128xf32> to vector<1088x128xi32>
    %get3A_71 = arith.constant 0 : index
    %get3A_72 = arith.constant 0 : index
    %get3A_73 = vector.load %arg15[%get3A_71, %get3A_72] : memref<1x128xi32, #tpu.memory_space<vmem>>, vector<1x128xi32>
    %get3A_74 = arith.constant 0 : index
    %get3A_75 = arith.constant 0 : index
    %get3A_76 = vector.load %arg16[%get3A_74, %get3A_75] : memref<1x128xi32, #tpu.memory_space<vmem>>, vector<1x128xi32>
    %jit3A = arith.constant 5 : i32
    %div3A_77 = arith.divsi %arg0, %jit3A : i32
    %sign3A = arith.constant 0 : i32
    %sign3A_78 = arith.cmpi sgt, %arg0, %sign3A : i32
    %sign3A_79 = arith.extui %sign3A_78 : i1 to i32
    %sign3A_80 = arith.constant 0 : i32
    %sign3A_81 = arith.cmpi slt, %arg0, %sign3A_80 : i32
    %sign3A_82 = arith.extui %sign3A_81 : i1 to i32
    %sign3A_83 = arith.subi %sign3A_79, %sign3A_82 : i32
    %sign3A_84 = arith.constant 0 : i32
    %sign3A_85 = arith.cmpi sgt, %jit3A, %sign3A_84 : i32
    %sign3A_86 = arith.extui %sign3A_85 : i1 to i32
    %sign3A_87 = arith.constant 0 : i32
    %sign3A_88 = arith.cmpi slt, %jit3A, %sign3A_87 : i32
    %sign3A_89 = arith.extui %sign3A_88 : i1 to i32
    %sign3A_90 = arith.subi %sign3A_86, %sign3A_89 : i32
    %ne3A = arith.cmpi ne, %sign3A_83, %sign3A_90 : i32
    %rem3A = arith.remsi %arg0, %jit3A : i32
    %ne3A_91 = arith.constant 0 : i32
    %ne3A_92 = arith.cmpi ne, %rem3A, %ne3A_91 : i32
    %and3A = arith.andi %ne3A, %ne3A_92 : i1
    %sub3A_93 = arith.constant 1 : i32
    %sub3A_94 = arith.subi %div3A_77, %sub3A_93 : i32
    %select_n3A = arith.select %and3A, %sub3A_94, %div3A_77 : i32
    %mul3A_95 = arith.constant 43520 : i32
    %mul3A_96 = arith.muli %select_n3A, %mul3A_95 : i32
    %get3A_97 = arith.constant 0 : index
    %get3A_98 = arith.constant 0 : index
    %get3A_99 = vector.load %arg17[%get3A_97, %get3A_98] : memref<1x128xi32, #tpu.memory_space<vmem>>, vector<1x128xi32>
    %add3A_100 = vector.broadcast %mul3A_96 : i32 to vector<1x128xi32>
    %add3A_101 = arith.addi %get3A_99, %add3A_100 : vector<1x128xi32>
    %add3A_102 = arith.constant 0 : i32
    %add3A_103 = vector.broadcast %add3A_102 : i32 to vector<1088x128xi32>
    %add3A_104 = arith.addi %convert_element_type3A, %add3A_103 : vector<1088x128xi32>
    %add3A_105 = arith.constant 0 : i32
    %add3A_106 = vector.broadcast %add3A_105 : i32 to vector<1088x128xi32>
    %add3A_107 = arith.addi %convert_element_type3A_70, %add3A_106 : vector<1088x128xi32>
    %ge3A = arith.constant 0 : i32
    %ge3A_108 = vector.broadcast %ge3A : i32 to vector<1088x128xi32>
    %ge3A_109 = arith.cmpi sge, %add3A_104, %ge3A_108 : vector<1088x128xi32>
    %lt3A = vector.broadcast %get3A_73 : vector<1x128xi32> to vector<1088x128xi32>
    %lt3A_110 = arith.cmpi slt, %add3A_104, %lt3A : vector<1088x128xi32>
    %and3A_111 = arith.andi %ge3A_109, %lt3A_110 : vector<1088x128xi1>
    %ge3A_112 = arith.constant 0 : i32
    %ge3A_113 = vector.broadcast %ge3A_112 : i32 to vector<1088x128xi32>
    %ge3A_114 = arith.cmpi sge, %add3A_107, %ge3A_113 : vector<1088x128xi32>
    %and3A_115 = arith.andi %and3A_111, %ge3A_114 : vector<1088x128xi1>
    %lt3A_116 = vector.broadcast %get3A_76 : vector<1x128xi32> to vector<1088x128xi32>
    %lt3A_117 = arith.cmpi slt, %add3A_107, %lt3A_116 : vector<1088x128xi32>
    %and3A_118 = arith.andi %and3A_115, %lt3A_117 : vector<1088x128xi1>
    %convert_element_type3A_119 = arith.extui %and3A_118 : vector<1088x128xi1> to vector<1088x128xi32>
    %convert_element_type3A_120 = arith.sitofp %convert_element_type3A_119 : vector<1088x128xi32> to vector<1088x128xf32>
    %sub3A_121 = arith.constant 1 : i32
    %sub3A_122 = vector.broadcast %sub3A_121 : i32 to vector<1x128xi32>
    %sub3A_123 = arith.subi %get3A_73, %sub3A_122 : vector<1x128xi32>
    %jit3A_124 = arith.constant 0 : i32
    %max3A = vector.broadcast %jit3A_124 : i32 to vector<1088x128xi32>
    %max3A_125 = arith.maxsi %max3A, %add3A_104 : vector<1088x128xi32>
    %min3A = vector.broadcast %sub3A_123 : vector<1x128xi32> to vector<1088x128xi32>
    %min3A_126 = arith.minsi %min3A, %max3A_125 : vector<1088x128xi32>
    %sub3A_127 = arith.constant 1 : i32
    %sub3A_128 = vector.broadcast %sub3A_127 : i32 to vector<1x128xi32>
    %sub3A_129 = arith.subi %get3A_76, %sub3A_128 : vector<1x128xi32>
    %jit3A_130 = arith.constant 0 : i32
    %max3A_131 = vector.broadcast %jit3A_130 : i32 to vector<1088x128xi32>
    %max3A_132 = arith.maxsi %max3A_131, %add3A_107 : vector<1088x128xi32>
    %min3A_133 = vector.broadcast %sub3A_129 : vector<1x128xi32> to vector<1088x128xi32>
    %min3A_134 = arith.minsi %min3A_133, %max3A_132 : vector<1088x128xi32>
    %mul3A_135 = vector.broadcast %get3A_73 : vector<1x128xi32> to vector<1088x128xi32>
    %mul3A_136 = arith.muli %min3A_134, %mul3A_135 : vector<1088x128xi32>
    %add3A_137 = arith.addi %mul3A_136, %min3A_126 : vector<1088x128xi32>
    %mul3A_138 = arith.constant 8 : i32
    %mul3A_139 = vector.broadcast %mul3A_138 : i32 to vector<1088x128xi32>
    %mul3A_140 = arith.muli %add3A_137, %mul3A_139 : vector<1088x128xi32>
    %add3A_141 = vector.broadcast %add3A_101 : vector<1x128xi32> to vector<1088x128xi32>
    %add3A_142 = arith.addi %mul3A_140, %add3A_141 : vector<1088x128xi32>
    %sub3A_143 = arith.constant 1.000000e+00 : f32
    %sub3A_144 = vector.broadcast %sub3A_143 : f32 to vector<1088x128xf32>
    %sub3A_145 = arith.subf %sub3A_144, %sub3A_68 : vector<1088x128xf32>
    %sub3A_146 = arith.constant 1.000000e+00 : f32
    %sub3A_147 = vector.broadcast %sub3A_146 : f32 to vector<1088x128xf32>
    %sub3A_148 = arith.subf %sub3A_147, %sub3A_69 : vector<1088x128xf32>
    %swap3A = arith.constant 0 : index
    %swap3A_149 = arith.constant 0 : index
    %swap3A_150 = vector.load %arg18[%swap3A, %swap3A_149] : memref<1088x512xi32, #tpu.memory_space<vmem>>, vector<1088x128xi32>
    tpu.vector_store %arg18[%swap3A, %swap3A_149], %add3A_142 {strides = array<i32>} : memref<1088x512xi32, #tpu.memory_space<vmem>>, vector<1088x128xi32>,
    %mul3A_151 = arith.mulf %sub3A_145, %sub3A_148 : vector<1088x128xf32>
    %mul3A_152 = arith.mulf %mul3A_151, %convert_element_type3A_120 : vector<1088x128xf32>
    %mul3A_153 = arith.mulf %mul3A_152, %div3A : vector<1088x128xf32>
    %swap3A_154 = arith.constant 0 : index
    %swap3A_155 = arith.constant 0 : index
    %swap3A_156 = vector.load %arg19[%swap3A_154, %swap3A_155] : memref<1088x512xf32, #tpu.memory_space<vmem>>, vector<1088x128xf32>
    tpu.vector_store %arg19[%swap3A_154, %swap3A_155], %mul3A_153 {strides = array<i32>} : memref<1088x512xf32, #tpu.memory_space<vmem>>, vector<1088x128xf32>,
    %add3A_157 = arith.constant 1 : i32
    %add3A_158 = vector.broadcast %add3A_157 : i32 to vector<1088x128xi32>
    %add3A_159 = arith.addi %convert_element_type3A, %add3A_158 : vector<1088x128xi32>
    %add3A_160 = arith.constant 0 : i32
    %add3A_161 = vector.broadcast %add3A_160 : i32 to vector<1088x128xi32>
    %add3A_162 = arith.addi %convert_element_type3A_70, %add3A_161 : vector<1088x128xi32>
    %ge3A_163 = arith.constant 0 : i32
    %ge3A_164 = vector.broadcast %ge3A_163 : i32 to vector<1088x128xi32>
    %ge3A_165 = arith.cmpi sge, %add3A_159, %ge3A_164 : vector<1088x128xi32>
    %lt3A_166 = vector.broadcast %get3A_73 : vector<1x128xi32> to vector<1088x128xi32>
    %lt3A_167 = arith.cmpi slt, %add3A_159, %lt3A_166 : vector<1088x128xi32>
    %and3A_168 = arith.andi %ge3A_165, %lt3A_167 : vector<1088x128xi1>
    %ge3A_169 = arith.constant 0 : i32
    %ge3A_170 = vector.broadcast %ge3A_169 : i32 to vector<1088x128xi32>
    %ge3A_171 = arith.cmpi sge, %add3A_162, %ge3A_170 : vector<1088x128xi32>
    %and3A_172 = arith.andi %and3A_168, %ge3A_171 : vector<1088x128xi1>
    %lt3A_173 = vector.broadcast %get3A_76 : vector<1x128xi32> to vector<1088x128xi32>
    %lt3A_174 = arith.cmpi slt, %add3A_162, %lt3A_173 : vector<1088x128xi32>
    %and3A_175 = arith.andi %and3A_172, %lt3A_174 : vector<1088x128xi1>
    %convert_element_type3A_176 = arith.extui %and3A_175 : vector<1088x128xi1> to vector<1088x128xi32>
    %convert_element_type3A_177 = arith.sitofp %convert_element_type3A_176 : vector<1088x128xi32> to vector<1088x128xf32>
    %sub3A_178 = arith.constant 1 : i32
    %sub3A_179 = vector.broadcast %sub3A_178 : i32 to vector<1x128xi32>
    %sub3A_180 = arith.subi %get3A_73, %sub3A_179 : vector<1x128xi32>
    %jit3A_181 = arith.constant 0 : i32
    %max3A_182 = vector.broadcast %jit3A_181 : i32 to vector<1088x128xi32>
    %max3A_183 = arith.maxsi %max3A_182, %add3A_159 : vector<1088x128xi32>
    %min3A_184 = vector.broadcast %sub3A_180 : vector<1x128xi32> to vector<1088x128xi32>
    %min3A_185 = arith.minsi %min3A_184, %max3A_183 : vector<1088x128xi32>
    %sub3A_186 = arith.constant 1 : i32
    %sub3A_187 = vector.broadcast %sub3A_186 : i32 to vector<1x128xi32>
    %sub3A_188 = arith.subi %get3A_76, %sub3A_187 : vector<1x128xi32>
    %jit3A_189 = arith.constant 0 : i32
    %max3A_190 = vector.broadcast %jit3A_189 : i32 to vector<1088x128xi32>
    %max3A_191 = arith.maxsi %max3A_190, %add3A_162 : vector<1088x128xi32>
    %min3A_192 = vector.broadcast %sub3A_188 : vector<1x128xi32> to vector<1088x128xi32>
    %min3A_193 = arith.minsi %min3A_192, %max3A_191 : vector<1088x128xi32>
    %mul3A_194 = vector.broadcast %get3A_73 : vector<1x128xi32> to vector<1088x128xi32>
    %mul3A_195 = arith.muli %min3A_193, %mul3A_194 : vector<1088x128xi32>
    %add3A_196 = arith.addi %mul3A_195, %min3A_185 : vector<1088x128xi32>
    %mul3A_197 = arith.constant 8 : i32
    %mul3A_198 = vector.broadcast %mul3A_197 : i32 to vector<1088x128xi32>
    %mul3A_199 = arith.muli %add3A_196, %mul3A_198 : vector<1088x128xi32>
    %add3A_200 = vector.broadcast %add3A_101 : vector<1x128xi32> to vector<1088x128xi32>
    %add3A_201 = arith.addi %mul3A_199, %add3A_200 : vector<1088x128xi32>
    %sub3A_202 = arith.constant 1.000000e+00 : f32
    %sub3A_203 = vector.broadcast %sub3A_202 : f32 to vector<1088x128xf32>
    %sub3A_204 = arith.subf %sub3A_203, %sub3A_69 : vector<1088x128xf32>
    %swap3A_205 = arith.constant 0 : index
    %swap3A_206 = arith.constant 128 : index
    %swap3A_207 = vector.load %arg18[%swap3A_205, %swap3A_206] : memref<1088x512xi32, #tpu.memory_space<vmem>>, vector<1088x128xi32>
    tpu.vector_store %arg18[%swap3A_205, %swap3A_206], %add3A_201 {strides = array<i32>} : memref<1088x512xi32, #tpu.memory_space<vmem>>, vector<1088x128xi32>,
    %mul3A_208 = arith.mulf %sub3A_68, %sub3A_204 : vector<1088x128xf32>
    %mul3A_209 = arith.mulf %mul3A_208, %convert_element_type3A_177 : vector<1088x128xf32>
    %mul3A_210 = arith.mulf %mul3A_209, %div3A : vector<1088x128xf32>
    %swap3A_211 = arith.constant 0 : index
    %swap3A_212 = arith.constant 128 : index
    %swap3A_213 = vector.load %arg19[%swap3A_211, %swap3A_212] : memref<1088x512xf32, #tpu.memory_space<vmem>>, vector<1088x128xf32>
    tpu.vector_store %arg19[%swap3A_211, %swap3A_212], %mul3A_210 {strides = array<i32>} : memref<1088x512xf32, #tpu.memory_space<vmem>>, vector<1088x128xf32>,
    %add3A_214 = arith.constant 0 : i32
    %add3A_215 = vector.broadcast %add3A_214 : i32 to vector<1088x128xi32>
    %add3A_216 = arith.addi %convert_element_type3A, %add3A_215 : vector<1088x128xi32>
    %add3A_217 = arith.constant 1 : i32
    %add3A_218 = vector.broadcast %add3A_217 : i32 to vector<1088x128xi32>
    %add3A_219 = arith.addi %convert_element_type3A_70, %add3A_218 : vector<1088x128xi32>
    %ge3A_220 = arith.constant 0 : i32
    %ge3A_221 = vector.broadcast %ge3A_220 : i32 to vector<1088x128xi32>
    %ge3A_222 = arith.cmpi sge, %add3A_216, %ge3A_221 : vector<1088x128xi32>
    %lt3A_223 = vector.broadcast %get3A_73 : vector<1x128xi32> to vector<1088x128xi32>
    %lt3A_224 = arith.cmpi slt, %add3A_216, %lt3A_223 : vector<1088x128xi32>
    %and3A_225 = arith.andi %ge3A_222, %lt3A_224 : vector<1088x128xi1>
    %ge3A_226 = arith.constant 0 : i32
    %ge3A_227 = vector.broadcast %ge3A_226 : i32 to vector<1088x128xi32>
    %ge3A_228 = arith.cmpi sge, %add3A_219, %ge3A_227 : vector<1088x128xi32>
    %and3A_229 = arith.andi %and3A_225, %ge3A_228 : vector<1088x128xi1>
    %lt3A_230 = vector.broadcast %get3A_76 : vector<1x128xi32> to vector<1088x128xi32>
    %lt3A_231 = arith.cmpi slt, %add3A_219, %lt3A_230 : vector<1088x128xi32>
    %and3A_232 = arith.andi %and3A_229, %lt3A_231 : vector<1088x128xi1>
    %convert_element_type3A_233 = arith.extui %and3A_232 : vector<1088x128xi1> to vector<1088x128xi32>
    %convert_element_type3A_234 = arith.sitofp %convert_element_type3A_233 : vector<1088x128xi32> to vector<1088x128xf32>
    %sub3A_235 = arith.constant 1 : i32
    %sub3A_236 = vector.broadcast %sub3A_235 : i32 to vector<1x128xi32>
    %sub3A_237 = arith.subi %get3A_73, %sub3A_236 : vector<1x128xi32>
    %jit3A_238 = arith.constant 0 : i32
    %max3A_239 = vector.broadcast %jit3A_238 : i32 to vector<1088x128xi32>
    %max3A_240 = arith.maxsi %max3A_239, %add3A_216 : vector<1088x128xi32>
    %min3A_241 = vector.broadcast %sub3A_237 : vector<1x128xi32> to vector<1088x128xi32>
    %min3A_242 = arith.minsi %min3A_241, %max3A_240 : vector<1088x128xi32>
    %sub3A_243 = arith.constant 1 : i32
    %sub3A_244 = vector.broadcast %sub3A_243 : i32 to vector<1x128xi32>
    %sub3A_245 = arith.subi %get3A_76, %sub3A_244 : vector<1x128xi32>
    %jit3A_246 = arith.constant 0 : i32
    %max3A_247 = vector.broadcast %jit3A_246 : i32 to vector<1088x128xi32>
    %max3A_248 = arith.maxsi %max3A_247, %add3A_219 : vector<1088x128xi32>
    %min3A_249 = vector.broadcast %sub3A_245 : vector<1x128xi32> to vector<1088x128xi32>
    %min3A_250 = arith.minsi %min3A_249, %max3A_248 : vector<1088x128xi32>
    %mul3A_251 = vector.broadcast %get3A_73 : vector<1x128xi32> to vector<1088x128xi32>
    %mul3A_252 = arith.muli %min3A_250, %mul3A_251 : vector<1088x128xi32>
    %add3A_253 = arith.addi %mul3A_252, %min3A_242 : vector<1088x128xi32>
    %mul3A_254 = arith.constant 8 : i32
    %mul3A_255 = vector.broadcast %mul3A_254 : i32 to vector<1088x128xi32>
    %mul3A_256 = arith.muli %add3A_253, %mul3A_255 : vector<1088x128xi32>
    %add3A_257 = vector.broadcast %add3A_101 : vector<1x128xi32> to vector<1088x128xi32>
    %add3A_258 = arith.addi %mul3A_256, %add3A_257 : vector<1088x128xi32>
    %sub3A_259 = arith.constant 1.000000e+00 : f32
    %sub3A_260 = vector.broadcast %sub3A_259 : f32 to vector<1088x128xf32>
    %sub3A_261 = arith.subf %sub3A_260, %sub3A_68 : vector<1088x128xf32>
    %swap3A_262 = arith.constant 0 : index
    %swap3A_263 = arith.constant 256 : index
    %swap3A_264 = vector.load %arg18[%swap3A_262, %swap3A_263] : memref<1088x512xi32, #tpu.memory_space<vmem>>, vector<1088x128xi32>
    tpu.vector_store %arg18[%swap3A_262, %swap3A_263], %add3A_258 {strides = array<i32>} : memref<1088x512xi32, #tpu.memory_space<vmem>>, vector<1088x128xi32>,
    %mul3A_265 = arith.mulf %sub3A_261, %sub3A_69 : vector<1088x128xf32>
    %mul3A_266 = arith.mulf %mul3A_265, %convert_element_type3A_234 : vector<1088x128xf32>
    %mul3A_267 = arith.mulf %mul3A_266, %div3A : vector<1088x128xf32>
    %swap3A_268 = arith.constant 0 : index
    %swap3A_269 = arith.constant 256 : index
    %swap3A_270 = vector.load %arg19[%swap3A_268, %swap3A_269] : memref<1088x512xf32, #tpu.memory_space<vmem>>, vector<1088x128xf32>
    tpu.vector_store %arg19[%swap3A_268, %swap3A_269], %mul3A_267 {strides = array<i32>} : memref<1088x512xf32, #tpu.memory_space<vmem>>, vector<1088x128xf32>,
    %add3A_271 = arith.constant 1 : i32
    %add3A_272 = vector.broadcast %add3A_271 : i32 to vector<1088x128xi32>
    %add3A_273 = arith.addi %convert_element_type3A, %add3A_272 : vector<1088x128xi32>
    %add3A_274 = arith.constant 1 : i32
    %add3A_275 = vector.broadcast %add3A_274 : i32 to vector<1088x128xi32>
    %add3A_276 = arith.addi %convert_element_type3A_70, %add3A_275 : vector<1088x128xi32>
    %ge3A_277 = arith.constant 0 : i32
    %ge3A_278 = vector.broadcast %ge3A_277 : i32 to vector<1088x128xi32>
    %ge3A_279 = arith.cmpi sge, %add3A_273, %ge3A_278 : vector<1088x128xi32>
    %lt3A_280 = vector.broadcast %get3A_73 : vector<1x128xi32> to vector<1088x128xi32>
    %lt3A_281 = arith.cmpi slt, %add3A_273, %lt3A_280 : vector<1088x128xi32>
    %and3A_282 = arith.andi %ge3A_279, %lt3A_281 : vector<1088x128xi1>
    %ge3A_283 = arith.constant 0 : i32
    %ge3A_284 = vector.broadcast %ge3A_283 : i32 to vector<1088x128xi32>
    %ge3A_285 = arith.cmpi sge, %add3A_276, %ge3A_284 : vector<1088x128xi32>
    %and3A_286 = arith.andi %and3A_282, %ge3A_285 : vector<1088x128xi1>
    %lt3A_287 = vector.broadcast %get3A_76 : vector<1x128xi32> to vector<1088x128xi32>
    %lt3A_288 = arith.cmpi slt, %add3A_276, %lt3A_287 : vector<1088x128xi32>
    %and3A_289 = arith.andi %and3A_286, %lt3A_288 : vector<1088x128xi1>
    %convert_element_type3A_290 = arith.extui %and3A_289 : vector<1088x128xi1> to vector<1088x128xi32>
    %convert_element_type3A_291 = arith.sitofp %convert_element_type3A_290 : vector<1088x128xi32> to vector<1088x128xf32>
    %sub3A_292 = arith.constant 1 : i32
    %sub3A_293 = vector.broadcast %sub3A_292 : i32 to vector<1x128xi32>
    %sub3A_294 = arith.subi %get3A_73, %sub3A_293 : vector<1x128xi32>
    %jit3A_295 = arith.constant 0 : i32
    %max3A_296 = vector.broadcast %jit3A_295 : i32 to vector<1088x128xi32>
    %max3A_297 = arith.maxsi %max3A_296, %add3A_273 : vector<1088x128xi32>
    %min3A_298 = vector.broadcast %sub3A_294 : vector<1x128xi32> to vector<1088x128xi32>
    %min3A_299 = arith.minsi %min3A_298, %max3A_297 : vector<1088x128xi32>
    %sub3A_300 = arith.constant 1 : i32
    %sub3A_301 = vector.broadcast %sub3A_300 : i32 to vector<1x128xi32>
    %sub3A_302 = arith.subi %get3A_76, %sub3A_301 : vector<1x128xi32>
    %jit3A_303 = arith.constant 0 : i32
    %max3A_304 = vector.broadcast %jit3A_303 : i32 to vector<1088x128xi32>
    %max3A_305 = arith.maxsi %max3A_304, %add3A_276 : vector<1088x128xi32>
    %min3A_306 = vector.broadcast %sub3A_302 : vector<1x128xi32> to vector<1088x128xi32>
    %min3A_307 = arith.minsi %min3A_306, %max3A_305 : vector<1088x128xi32>
    %mul3A_308 = vector.broadcast %get3A_73 : vector<1x128xi32> to vector<1088x128xi32>
    %mul3A_309 = arith.muli %min3A_307, %mul3A_308 : vector<1088x128xi32>
    %add3A_310 = arith.addi %mul3A_309, %min3A_299 : vector<1088x128xi32>
    %mul3A_311 = arith.constant 8 : i32
    %mul3A_312 = vector.broadcast %mul3A_311 : i32 to vector<1088x128xi32>
    %mul3A_313 = arith.muli %add3A_310, %mul3A_312 : vector<1088x128xi32>
    %add3A_314 = vector.broadcast %add3A_101 : vector<1x128xi32> to vector<1088x128xi32>
    %add3A_315 = arith.addi %mul3A_313, %add3A_314 : vector<1088x128xi32>
    %swap3A_316 = arith.constant 0 : index
    %swap3A_317 = arith.constant 384 : index
    %swap3A_318 = vector.load %arg18[%swap3A_316, %swap3A_317] : memref<1088x512xi32, #tpu.memory_space<vmem>>, vector<1088x128xi32>
    tpu.vector_store %arg18[%swap3A_316, %swap3A_317], %add3A_315 {strides = array<i32>} : memref<1088x512xi32, #tpu.memory_space<vmem>>, vector<1088x128xi32>,
    %mul3A_319 = arith.mulf %sub3A_68, %sub3A_69 : vector<1088x128xf32>
    %mul3A_320 = arith.mulf %mul3A_319, %convert_element_type3A_291 : vector<1088x128xf32>
    %mul3A_321 = arith.mulf %mul3A_320, %div3A : vector<1088x128xf32>
    %swap3A_322 = arith.constant 0 : index
    %swap3A_323 = arith.constant 384 : index
    %swap3A_324 = vector.load %arg19[%swap3A_322, %swap3A_323] : memref<1088x512xf32, #tpu.memory_space<vmem>>, vector<1088x128xf32>
    tpu.vector_store %arg19[%swap3A_322, %swap3A_323], %mul3A_321 {strides = array<i32>} : memref<1088x512xf32, #tpu.memory_space<vmem>>, vector<1088x128xf32>,
    return
  }
  func.func @transform_0(%arg0: i32) -> (i32, i32) {
    %c0_i32 = arith.constant 0 : i32
    %c0_i32_0 = arith.constant 0 : i32
    return %arg0, %c0_i32 : i32, i32
  }
  func.func @transform_1(%arg0: i32) -> (i32, i32) {
    %c0_i32 = arith.constant 0 : i32
    %c0_i32_0 = arith.constant 0 : i32
    %c0_i32_1 = arith.constant 0 : i32
    return %c0_i32, %c0_i32_0 : i32, i32
  }
  func.func @transform_2(%arg0: i32) -> (i32, i32) {
    %c0_i32 = arith.constant 0 : i32
    %c0_i32_0 = arith.constant 0 : i32
    %c0_i32_1 = arith.constant 0 : i32
    return %c0_i32, %c0_i32_0 : i32, i32
  }
  func.func @transform_3(%arg0: i32) -> (i32, i32) {
    %c0_i32 = arith.constant 0 : i32
    %c0_i32_0 = arith.constant 0 : i32
    %c0_i32_1 = arith.constant 0 : i32
    return %c0_i32, %c0_i32_0 : i32, i32
  }
  func.func @transform_4(%arg0: i32) -> (i32, i32) {
    %c0_i32 = arith.constant 0 : i32
    %c0_i32_0 = arith.constant 0 : i32
    %c0_i32_1 = arith.constant 0 : i32
    return %c0_i32, %c0_i32_0 : i32, i32
  }
  func.func @transform_5(%arg0: i32) -> (i32, i32) {
    %c0_i32 = arith.constant 0 : i32
    %c0_i32_0 = arith.constant 0 : i32
    %c0_i32_1 = arith.constant 0 : i32
    return %c0_i32, %c0_i32_0 : i32, i32
  }
  func.func @transform_6(%arg0: i32) -> (i32, i32) {
    %c0_i32 = arith.constant 0 : i32
    %c0_i32_0 = arith.constant 0 : i32
    %c0_i32_1 = arith.constant 0 : i32
    return %c0_i32, %c0_i32_0 : i32, i32
  }
  func.func @transform_7(%arg0: i32) -> (i32, i32) {
    %c0_i32 = arith.constant 0 : i32
    %c0_i32_0 = arith.constant 0 : i32
    %c0_i32_1 = arith.constant 0 : i32
    return %c0_i32, %c0_i32_0 : i32, i32
  }
  func.func @transform_8(%arg0: i32) -> (i32, i32) {
    %c0_i32 = arith.constant 0 : i32
    %c0_i32_0 = arith.constant 0 : i32
    return %arg0, %c0_i32 : i32, i32
  }
  func.func @transform_9(%arg0: i32) -> (i32, i32) {
    %c0_i32 = arith.constant 0 : i32
    %c0_i32_0 = arith.constant 0 : i32
    return %arg0, %c0_i32 : i32, i32
  }
  func.func @transform_10(%arg0: i32) -> (i32, i32) {
    %c0_i32 = arith.constant 0 : i32
    %c0_i32_0 = arith.constant 0 : i32
    %c0_i32_1 = arith.constant 0 : i32
    return %c0_i32, %c0_i32_0 : i32, i32
  }
  func.func @transform_11(%arg0: i32) -> (i32, i32) {
    %c0_i32 = arith.constant 0 : i32
    %c0_i32_0 = arith.constant 0 : i32
    %c0_i32_1 = arith.constant 0 : i32
    return %c0_i32, %c0_i32_0 : i32, i32
  }
  func.func @transform_12(%arg0: i32) -> (i32, i32) {
    %c0_i32 = arith.constant 0 : i32
    %c0_i32_0 = arith.constant 0 : i32
    %c0_i32_1 = arith.constant 0 : i32
    return %c0_i32, %c0_i32_0 : i32, i32
  }
  func.func @transform_13(%arg0: i32) -> (i32, i32) {
    %c0_i32 = arith.constant 0 : i32
    %c0_i32_0 = arith.constant 0 : i32
    %c0_i32_1 = arith.constant 0 : i32
    return %c0_i32, %c0_i32_0 : i32, i32
  }
  func.func @transform_14(%arg0: i32) -> (i32, i32) {
    %c0_i32 = arith.constant 0 : i32
    %c0_i32_0 = arith.constant 0 : i32
    %c0_i32_1 = arith.constant 0 : i32
    return %c0_i32, %c0_i32_0 : i32, i32
  }
  func.func @transform_15(%arg0: i32) -> (i32, i32) {
    %c0_i32 = arith.constant 0 : i32
    %c0_i32_0 = arith.constant 0 : i32
    %c0_i32_1 = arith.constant 0 : i32
    return %c0_i32, %c0_i32_0 : i32, i32
  }
  func.func @transform_16(%arg0: i32) -> (i32, i32) {
    %c0_i32 = arith.constant 0 : i32
    %c0_i32_0 = arith.constant 0 : i32
    %c0_i32_1 = arith.constant 0 : i32
    return %c0_i32, %c0_i32_0 : i32, i32
  }
  func.func @transform_17(%arg0: i32) -> (i32, i32) {
    %c0_i32 = arith.constant 0 : i32
    %c0_i32_0 = arith.constant 0 : i32
    return %arg0, %c0_i32 : i32, i32
  }
  func.func @transform_18(%arg0: i32) -> (i32, i32) {
    %c0_i32 = arith.constant 0 : i32
    %c0_i32_0 = arith.constant 0 : i32
    return %arg0, %c0_i32 : i32, i32
  }
}

module attributes {stable_mosaic.version = 14 : i64} {
  func.func @_projb_body(%arg0: i32, %arg1: memref<1088x256xf32, #tpu.memory_space<vmem>>, %arg2: memref<256x256xf32, #tpu.memory_space<vmem>>, %arg3: memref<1x256xf32, #tpu.memory_space<vmem>>, %arg4: memref<1088x256xbf16, #tpu.memory_space<vmem>>) attributes {dimension_semantics = [#tpu.dimension_semantics<arbitrary>], iteration_bounds = array<i64: 20>, scalar_prefetch = 0 : i64, scratch_operands = 0 : i64, tpu.core_type = #tpu.core_type<tc>, window_params = [{transform_indices = @transform_0, window_bounds = array<i64: 1088, 256>}, {pipeline_mode = #tpu.pipeline_mode<synchronous>, transform_indices = @transform_1, window_bounds = array<i64: 256, 256>}, {pipeline_mode = #tpu.pipeline_mode<synchronous>, transform_indices = @transform_2, window_bounds = array<i64: 1, 256>}, {transform_indices = @transform_3, window_bounds = array<i64: 1088, 256>}]} {
    %get3A = arith.constant 0 : index
    %get3A_0 = arith.constant 0 : index
    %get3A_1 = vector.load %arg1[%get3A, %get3A_0] : memref<1088x256xf32, #tpu.memory_space<vmem>>, vector<1088x256xf32>
    %get3A_2 = arith.constant 0 : index
    %get3A_3 = arith.constant 0 : index
    %get3A_4 = vector.load %arg2[%get3A_2, %get3A_3] : memref<256x256xf32, #tpu.memory_space<vmem>>, vector<256x256xf32>
    %dot_general3A = arith.constant dense<0.000000e+00> : vector<1088x256xf32>
    %dot_general3A_5 = tpu.matmul %get3A_1, %get3A_4, %dot_general3A {dimension_numbers = #tpu.dot_dimension_numbers<[1], [0], [0], [1], [0, 0, 1, 1], [], []>, transpose_lhs_hint = false} : vector<1088x256xf32>, vector<256x256xf32>, vector<1088x256xf32> -> vector<1088x256xf32>
    %get3A_6 = arith.constant 0 : index
    %get3A_7 = arith.constant 0 : index
    %get3A_8 = vector.load %arg3[%get3A_6, %get3A_7] : memref<1x256xf32, #tpu.memory_space<vmem>>, vector<1x256xf32>
    %add3A = vector.broadcast %get3A_8 : vector<1x256xf32> to vector<1088x256xf32>
    %add3A_9 = arith.addf %dot_general3A_5, %add3A : vector<1088x256xf32>
    %convert_element_type3A = arith.truncf %add3A_9 : vector<1088x256xf32> to vector<1088x256xbf16>
    %swap3A = arith.constant 0 : index
    %swap3A_10 = arith.constant 0 : index
    %swap3A_11 = vector.load %arg4[%swap3A, %swap3A_10] : memref<1088x256xbf16, #tpu.memory_space<vmem>>, vector<1088x256xbf16>
    tpu.vector_store %arg4[%swap3A, %swap3A_10], %convert_element_type3A {strides = array<i32>} : memref<1088x256xbf16, #tpu.memory_space<vmem>>, vector<1088x256xbf16>,
    return
  }
  func.func @transform_0(%arg0: i32) -> (i32, i32) {
    %c0_i32 = arith.constant 0 : i32
    %c0_i32_0 = arith.constant 0 : i32
    return %arg0, %c0_i32 : i32, i32
  }
  func.func @transform_1(%arg0: i32) -> (i32, i32) {
    %c0_i32 = arith.constant 0 : i32
    %c0_i32_0 = arith.constant 0 : i32
    %c0_i32_1 = arith.constant 0 : i32
    return %c0_i32, %c0_i32_0 : i32, i32
  }
  func.func @transform_2(%arg0: i32) -> (i32, i32) {
    %c0_i32 = arith.constant 0 : i32
    %c0_i32_0 = arith.constant 0 : i32
    %c0_i32_1 = arith.constant 0 : i32
    return %c0_i32, %c0_i32_0 : i32, i32
  }
  func.func @transform_3(%arg0: i32) -> (i32, i32) {
    %c0_i32 = arith.constant 0 : i32
    %c0_i32_0 = arith.constant 0 : i32
    return %arg0, %c0_i32 : i32, i32
  }
}

module attributes {stable_mosaic.version = 14 : i64} {
  func.func @_proj_body(%arg0: i32, %arg1: memref<1088x256xf32, #tpu.memory_space<vmem>>, %arg2: memref<256x256xf32, #tpu.memory_space<vmem>>, %arg3: memref<1x256xf32, #tpu.memory_space<vmem>>, %arg4: memref<1088x256xf32, #tpu.memory_space<vmem>>) attributes {dimension_semantics = [#tpu.dimension_semantics<arbitrary>], iteration_bounds = array<i64: 20>, scalar_prefetch = 0 : i64, scratch_operands = 0 : i64, tpu.core_type = #tpu.core_type<tc>, window_params = [{transform_indices = @transform_0, window_bounds = array<i64: 1088, 256>}, {pipeline_mode = #tpu.pipeline_mode<synchronous>, transform_indices = @transform_1, window_bounds = array<i64: 256, 256>}, {pipeline_mode = #tpu.pipeline_mode<synchronous>, transform_indices = @transform_2, window_bounds = array<i64: 1, 256>}, {transform_indices = @transform_3, window_bounds = array<i64: 1088, 256>}]} {
    %get3A = arith.constant 0 : index
    %get3A_0 = arith.constant 0 : index
    %get3A_1 = vector.load %arg1[%get3A, %get3A_0] : memref<1088x256xf32, #tpu.memory_space<vmem>>, vector<1088x256xf32>
    %get3A_2 = arith.constant 0 : index
    %get3A_3 = arith.constant 0 : index
    %get3A_4 = vector.load %arg2[%get3A_2, %get3A_3] : memref<256x256xf32, #tpu.memory_space<vmem>>, vector<256x256xf32>
    %dot_general3A = arith.constant dense<0.000000e+00> : vector<1088x256xf32>
    %dot_general3A_5 = tpu.matmul %get3A_1, %get3A_4, %dot_general3A {dimension_numbers = #tpu.dot_dimension_numbers<[1], [0], [0], [1], [0, 0, 1, 1], [], []>, transpose_lhs_hint = false} : vector<1088x256xf32>, vector<256x256xf32>, vector<1088x256xf32> -> vector<1088x256xf32>
    %get3A_6 = arith.constant 0 : index
    %get3A_7 = arith.constant 0 : index
    %get3A_8 = vector.load %arg3[%get3A_6, %get3A_7] : memref<1x256xf32, #tpu.memory_space<vmem>>, vector<1x256xf32>
    %add3A = vector.broadcast %get3A_8 : vector<1x256xf32> to vector<1088x256xf32>
    %add3A_9 = arith.addf %dot_general3A_5, %add3A : vector<1088x256xf32>
    %swap3A = arith.constant 0 : index
    %swap3A_10 = arith.constant 0 : index
    %swap3A_11 = vector.load %arg4[%swap3A, %swap3A_10] : memref<1088x256xf32, #tpu.memory_space<vmem>>, vector<1088x256xf32>
    tpu.vector_store %arg4[%swap3A, %swap3A_10], %add3A_9 {strides = array<i32>} : memref<1088x256xf32, #tpu.memory_space<vmem>>, vector<1088x256xf32>,
    return
  }
  func.func @transform_0(%arg0: i32) -> (i32, i32) {
    %c0_i32 = arith.constant 0 : i32
    %c0_i32_0 = arith.constant 0 : i32
    return %arg0, %c0_i32 : i32, i32
  }
  func.func @transform_1(%arg0: i32) -> (i32, i32) {
    %c0_i32 = arith.constant 0 : i32
    %c0_i32_0 = arith.constant 0 : i32
    %c0_i32_1 = arith.constant 0 : i32
    return %c0_i32, %c0_i32_0 : i32, i32
  }
  func.func @transform_2(%arg0: i32) -> (i32, i32) {
    %c0_i32 = arith.constant 0 : i32
    %c0_i32_0 = arith.constant 0 : i32
    %c0_i32_1 = arith.constant 0 : i32
    return %c0_i32, %c0_i32_0 : i32, i32
  }
  func.func @transform_3(%arg0: i32) -> (i32, i32) {
    %c0_i32 = arith.constant 0 : i32
    %c0_i32_0 = arith.constant 0 : i32
    return %arg0, %c0_i32 : i32, i32
  }
}

</mosaic_0001>

<sc_bundles>
// kernel: kernel.6.cloned.1.call-start
scs
__scs_entry_jumppad:
0x0: {  	(pc) =	sbr.rel $0x88, $3  }
0x1: {  	(tag) =	ssettag $0x0;
	lr =	simm.s32 $0x1  }
0x2: {  	[smem:$0x3F96] =	sst lr;
	_ =	strace $0xD0000000  }
0x3: {  	_ = 	snop  }
0x4: {  	_ = 	snop  }
0x5: {  	_ = 	snop  }
0x6: {  	_ = 	snop  }
0x7: {  	_ = 	snop  }
__scs_overlays_trampoline_lowered:
0x8: {  	[smem:$0x3FA5] =	sst s0  }
0x9: {  	[smem:$0x3FA6] =	sst s1  }
0xa: {  	[smem:$0x3FA7] =	sst s2  }
0xb: {  	[smem:$0x3FA8] =	sst s3  }
0xc: {  	[smem:$0x3FA9] =	sst s4  }
0xd: {  	[smem:$0x3FAA] =	sst s5  }
0xe: {  	[smem:$0x3FAB] =	sst s6  }
0xf: {  	[smem:$0x3FAC] =	sst s7  }
0x10: {  	[smem:$0x3FAD] =	sst s8  }
0x11: {  	[smem:$0x3FAE] =	sst s9;
	s0 =	simm.s32 @!p0 $0x0  }
0x12: {  	s1 =	sld [smem:$0x3F94];
	s0 =	simm.s32 @p0 $0x1  }
0x13: {  	[smem:$0x3FAF] =	sst s0;
	s0 =	simm.s32 @!p1 $0x0  }
0x14: {  	s2 =	sld [smem:$0x3F93];
	s0 =	simm.s32 @p1 $0x1  }
0x15: {  	[smem:$0x3FB0] =	sst s0;
	s0 =	simm.s32 @!p2 $0x0  }
0x16: {  	s3 =	sld [smem:$0x3FDB];
	s0 =	simm.s32 @p2 $0x1  }
0x17: {  	s4 =	simm.s32 $0x1BF5;
	[smem:$0x3FB2] =	sst s0  }
0x18: {  	s0 =	sld [smem:$0x3F95];
	_ =	swait.ge [sflag:s4], $0x0  }
0x19: {  	s7 =	sld [smem:$0x3F96]  }
0x1a: {  	s8 =	sadd.s32 $0xFFFFE003, lr  }
0x1b: {  	s9 =	sadd.s32 $0xFFFFFEF7, lr;
	s5 =	simm.s32 $0xFFFFFFFF;
	p2 =	slt.u32 s8, $0xFFFFF086  }
0x1c: {  	p1 =	slt.u32 s9, $0xF7A;
	s5 =	simm.s32 @!p2 $0x0  }
0x1d: {  	s5 =	simm.s32 @p1 $0x1;
	p0 =	seq.s32 s7, s2  }
0x1e: {  	s7 =	smul.u32 @!p0 $0xF7A, s2;
	p2 =	seq.s32 @!p0 s5, $0x0  }
0x1f: {  	s9 =	smul.u32 $0xF7A, s1;
	s8 =	simm.s32 @!p0 $0x1BF5;
	p2 =	por !p2, p0  }
0x20: {  	[sflag:s8] =	ssyncset.s32 @!p0 $0xFFFFF086;
	s6 =	sadd.s32 @!p0 s3, s7;
	s7 =	simm.s32 @!p0 $0x108  }
0x21: {  	s3 =	sadd.s32 s3, s9;
	s6 =	sadd.s32 @!p0 $0x88, s6;
	s7 =	simm.s32 @p2 $0x1082  }
0x22: {  	[simem:s7], [sflag:s8] =	dma.local @!p0 [hbm:s6], $0xF7A  }
0x23: {  	s9 =	sor.u32 $0xD0000000, s2;
	s6 =	simm.s32 $0x108;
	_ =	swait.ge @!p0 [sflag:s8], $0x0  }
0x24: {  	s3 =	sadd.s32 $0x88, s3;
	s6 =	simm.s32 @!p1 $0x1082;
	[sflag:s4] =	ssyncset.s32 $0xFFFFF086  }
0x25: {  	[simem:s6], [sflag:s4] =	dma.local [hbm:s3], $0xF7A  }
0x26: {  	[smem:$0x3F96] =	sst s1;
	(tag) =	ssettag s2;
	_ =	strace s9  }
0x27: {  	s1 =	sld [smem:$0x3FA6]  }
0x28: {  	s2 =	sld [smem:$0x3FA7]  }
0x29: {  	s4 =	sld [smem:$0x3FA9]  }
0x2a: {  	p0 =	seq.s32 s5, $0x0;
	s5 =	sld [smem:$0x3FAA]  }
0x2b: {  	s6 =	sld [smem:$0x3FAB]  }
0x2c: {  	s7 =	sld [smem:$0x3FAC]  }
0x2d: {  	s3 =	simm.s32 $0x108;
	s8 =	sld [smem:$0x3FAD]  }
0x2e: {  	s3 =	simm.s32 @!p0 $0x1082;
	s9 =	sld [smem:$0x3FAE]  }
0x2f: {  	lr =	sadd.s32 s0, s3;
	s0 =	sld [smem:$0x3FA5]  }
0x30: {  	s3 =	sld [smem:$0x3FA8]  }
0x31: {  	[smem:$0x3FB1] =	sst s10  }
0x32: {  	s10 =	sld [smem:$0x3FAF];
	_ =	sdelay $0x3  }
0x33: {  	p0 =	seq.s32 s10, $0x1;
	s10 =	sld [smem:$0x3FB1];
	_ =	sdelay $0x3  }
0x34: {  	[smem:$0x3FB1] =	sst s10  }
0x35: {  	s10 =	sld [smem:$0x3FB0];
	_ =	sdelay $0x3  }
0x36: {  	p1 =	seq.s32 s10, $0x1;
	s10 =	sld [smem:$0x3FB1];
	_ =	sdelay $0x3  }
0x37: {  	[smem:$0x3FB1] =	sst s10  }
0x38: {  	s10 =	sld [smem:$0x3FB2]  }
0x39: {  	_ = 	snop;
	(pc) =	sbr.ind lr, $3  }
0x3a: {  	_ = 	snop  }
0x3b: {  	_ = 	snop  }
0x3c: {  	p2 =	seq.s32 s10, $0x1;
	s10 =	sld [smem:$0x3FB1]  }
0x3d: {  	_ =	shalt  }
0x3e: {  	_ =	shalt  }
0x3f: {  	_ =	shalt  }
0x40: {  	_ =	shalt  }
0x41: {  	_ =	shalt  }
0x42: {  	_ =	shalt  }
0x43: {  	_ =	shalt  }
0x44: {  	_ =	shalt  }
0x45: {  	_ =	shalt  }
0x46: {  	_ =	shalt  }
0x47: {  	_ =	shalt  }
0x48: {  	_ =	shalt  }
0x49: {  	_ =	shalt  }
0x4a: {  	_ =	shalt  }
0x4b: {  	_ =	shalt  }
0x4c: {  	_ =	shalt  }
0x4d: {  	_ =	shalt  }
0x4e: {  	_ =	shalt  }
0x4f: {  	_ =	shalt  }
0x50: {  	_ =	shalt  }
0x51: {  	_ =	shalt  }
0x52: {  	_ =	shalt  }
0x53: {  	_ =	shalt  }
0x54: {  	_ =	shalt  }
0x55: {  	_ =	shalt  }
0x56: {  	_ =	shalt  }
0x57: {  	_ =	shalt  }
0x58: {  	_ =	shalt  }
0x59: {  	_ =	shalt  }
0x5a: {  	_ =	shalt  }
0x5b: {  	_ =	shalt  }
0x5c: {  	_ =	shalt  }
0x5d: {  	_ =	shalt  }
0x5e: {  	_ =	shalt  }
0x5f: {  	_ =	shalt  }
0x60: {  	_ =	shalt  }
0x61: {  	_ =	shalt  }
0x62: {  	_ =	shalt  }
0x63: {  	_ =	shalt  }
0x64: {  	_ =	shalt  }
0x65: {  	_ =	shalt  }
0x66: {  	_ =	shalt  }
0x67: {  	_ =	shalt  }
0x68: {  	_ =	shalt  }
0x69: {  	_ =	shalt  }
0x6a: {  	_ =	shalt  }
0x6b: {  	_ =	shalt  }
0x6c: {  	_ =	shalt  }
0x6d: {  	_ =	shalt  }
0x6e: {  	_ =	shalt  }
0x6f: {  	_ =	shalt  }
0x70: {  	_ =	shalt  }
0x71: {  	_ =	shalt  }
0x72: {  	_ =	shalt  }
0x73: {  	_ =	shalt  }
0x74: {  	_ =	shalt  }
0x75: {  	_ =	shalt  }
0x76: {  	_ =	shalt  }
0x77: {  	_ =	shalt  }
0x78: {  	_ =	shalt  }
0x79: {  	_ =	shalt  }
0x7a: {  	_ =	shalt  }
0x7b: {  	_ =	shalt  }
0x7c: {  	_ =	shalt  }
0x7d: {  	_ =	shalt  }
0x7e: {  	_ =	shalt  }
0x7f: {  	_ =	shalt  }
0x80: {  	_ =	shalt  }
0x81: {  	_ =	shalt  }
0x82: {  	_ =	shalt  }
0x83: {  	_ =	shalt  }
0x84: {  	_ =	shalt  }
0x85: {  	_ =	shalt  }
0x86: {  	_ =	shalt  }
0x87: {  	_ =	shalt  }
.Lfunc_end0:
.L_simem_size_0:
called_computation.2_lowered:
.L_overlay_start_0:
0x88: {  	s2 =	sld [smem:$0x3FD9]  }
0x89: {  	s3 =	sld [smem:$0x3FFE];
	_ =	sdelay $0x1  }
0x8a: {  	s1 =	srdreg.scid  }
0x8b: {  	s0 =	sand.u32 $0x1, s1  }
0x8c: {  	s17 =	sshll.u32 s0, $0xA;
	s2 =	sadd.s32 s3, s2  }
0x8d: {  	s2 =	sadd.s32 s2, s17  }
0x8e: {  	[smem:$0x3FBD] =	sst s2  }
0x8f: {  	_ = 	snop  }
0x90: {  	s2 =	sld [smem:$0x3FD0];
	(tm) =	ssettm $0x1  }
0x91: {  	s18 =	sld [smem:$0x3FFB];
	_ =	sdelay $0x3  }
0x92: {  	_ =	strace s18  }
0x93: {  	s3 =	sld [smem:$0x3FFC];
	_ =	sdelay $0x3  }
0x94: {  	_ =	strace s3  }
0x95: {  	s3 =	sld [smem:$0x3FFD];
	_ =	sdelay $0x3  }
0x96: {  	_ =	strace s3  }
0x97: {  	_ =	strace $0x8FFFFFFF  }
0x98: {  	s19 =	sld [smem:$0x3FDB];
	_ =	sdelay $0x1  }
0x99: {  	s4 =	simm.s32 $_scs_section_size  }
0x9a: {  	s5 =	simm.s32 $_size__tile_overlayer_lowered;
	s6 =	simm.s32 $_tile_overlayer_lowered  }
0x9b: {  	s22 =	simm.s32 $0x1BFF;
	s21 =	sshll.u32 s6, $0x1;
	s3 =	sadd.s32 s4, s19  }
0x9c: {  	s7 =	simm.s32 $0x0;
	s20 =	sshll.u32 s5, $0x1;
	s5 =	sadd.s32 s21, s3  }
0x9d: {  	[timem:s7], [sflag:s22] =	dma.local [hbm:s5], s20  }
0x9e: {  	_ =	swait.ge [sflag:s22], s20  }
0x9f: {  	s4 =	ssub.s32 $0x0, s20;
	[sflag:s22] =	ssyncset.done $0x0  }
0xa0: {  	[sflag:s22] =	ssyncadd.s32 s4;
	_ =	sdelay $0x1  }
0xa1: {  	s23 =	simm.s32 $0x1B8B  }
0xa2: {  	_ =	swait.ge [sflag:s23], $0x1  }
0xa3: {  	[sflag:s23] =	ssyncset.done $0x0  }
0xa4: {  	s25 =	simm.s32 $0x1B8E;
	s24 =	sld [smem:$0x3FFE];
	[sflag:s23] =	ssyncadd.s32 $0xFFFFFFFF  }
0xa5: {  	s26 =	simm.s32 $execute0_lowered;
	[smem:$0x3FD2] =	sst s25  }
0xa6: {  	s5 =	sshll.u32 s26, $0x1;
	_ =	strace $0x8000004C;
	[dreg:$0x1] =	wrdreg $0xFFFFFFFF  }
0xa7: {  	s28 =	simm.s32 $_size_execute0_lowered;
	s3 =	sadd.s32 s3, s5;
	[dreg:$0x0] =	wrdreg $0x0  }
0xa8: {  	s5 =	sshll.u32 s28, $0x1;
	[dreg:$0x2] =	wrdreg s3  }
0xa9: {  	[dreg:$0x3] =	wrdreg s5  }
0xaa: {  	[dreg:$0x4] =	wrdreg $0xC0  }
0xab: {  	_ =	task [dreg:s7], $0x5FFFF  }
0xac: {  	[dreg:$0x1] =	wrdreg $0xFFFFFFFF  }
0xad: {  	[dreg:$0x0] =	wrdreg $0x60  }
0xae: {  	[dreg:$0x2] =	wrdreg s24  }
0xaf: {  	[dreg:$0x3] =	wrdreg s2  }
0xb0: {  	[dreg:$0x4] =	wrdreg $0x9  }
0xb1: {  	_ =	task.clear_ibuf [dreg:s7], $0x5FFFF;
	_ =	strace $0x9000004C  }
0xb2: {  	s29 =	simm.s32 $0x9;
	_ =	strace $0x8000004E  }
0xb3: {  	_ =	swait.ge [sflag:s29], $0x1  }
0xb4: {  	[sflag:s29] =	ssyncadd.s32 $0xFFFFFFFF  }
0xb5: {  	_ =	strace $0x9000004E  }
0xb6: {  	_ =	sfence  }
0xb7: {  	s30 =	sld [smem:$0x0];
	_ =	sdelay $0x2  }
0xb8: {  	s31 =	sshll.u32 s1, $0xD;
	s1 =	sshrl.u32 s1, $0x2  }
0xb9: {  	s3 =	sand.u32 $0x4000, s31;
	s1 =	sadd.s32 s1, s30  }
0xba: {  	s0 =	sor.u32 s3, s0;
	s1 =	sshll.u32 s1, $0x11  }
0xbb: {  	s0 =	sor.u32 s1, s0  }
0xbc: {  	s0 =	sadd.s32 $0x8F2B, s0  }
0xbd: {  	[sflag:s0] =	ssyncadd.remote.s32 $0x1  }
0xbe: {  	_ =	sfence.sel $0xFFFF  }
0xbf: {  	[dreg:$0x0] =	wrdreg $0xFFFFFFFF;
	(pc) =	sbr.abs _section_cstart, $3  }
0xc0: {  	[dreg:$0x1] =	wrdreg $0xFFFFFFFF  }
0xc1: {  	_ =	task.clear_ibuf [dreg:s7], $0x2FFFF;
	_ =	strace $0x9FFFFFFF  }
0xc2: {  	(tm) =	ssettm $0x7FFFFFFF  }
0xc3: {  	_ =	shalt  }
tec
execute0_lowered:
.L_overlay_start_1:
0x0: {  	(tag) =	ssettag $0x1  }
0x1: {  	s0 =	rddreg [dreg:$0x0];
	s1 =	simm.s32 $0x0;
	s2 =	srdreg.scid  }
0x2: {  	s30 =	stileid.u32;
	s9 =	simm.s32 $0x2;
	s10 =	simm.s32 $0x400  }
0x3: {  	s11 =	simm.s32 $0x80;
	s14 =	simm.s32 $0x100;
	s15 =	simm.s32 $0x1800  }
0x4: {  	s16 =	simm.s32 $0x180;
	s17 =	simm.s32 $0x2000;
	s18 =	simm.s32 $0x200  }
0x5: {  	s19 =	simm.s32 $0x2800;
	s20 =	simm.s32 $0x280;
	s21 =	simm.s32 $0x3000  }
0x6: {  	s22 =	simm.s32 $0x300;
	s23 =	simm.s32 $0x3800;
	s24 =	simm.s32 $0x380  }
0x7: {  	s25 =	simm.s32 $0x4000;
	s26 =	simm.s32 $0x1;
	s2 =	sand.u32 $0x1, s2  }
0x8: {  	s28 =	simm.s32 $0x4800;
	[smem:$0x7FF] =	sst s1;
	s7 =	ssub.s32 $0x2, s2  }
0x9: {  	s4 =	sadd.s32 $0x552C00, s0;
	s6 =	sshll.u32 s30, $0x1;
	s8 =	sshrl.u32 s7, $0x1  }
0xa: {  	s5 =	sadd.s32 $0x3FEC00, s0;
	s1 =	simm.s32 $0x0;
	s31 =	ssub.s32 s7, s8  }
0xb: {  	v0 =	vimm.s32 $0x0;
	vm0 =	vcmask $0x300;
	s2 =	sor.u32 s2, s6;
	s6 =	sadd.s32 $0x2AAC00, s0;
	s0 =	smax.u32 s31, $0x1  }
0xc: {  	v0 =	vsel vm0, $0x3, v0;
	_ =	strace $0x8000004D;
	s7 =	smul.u32 $0x2A8, s2;
	[dreg:$0x3] =	wrdreg s0  }
.LBB2_1:
0xd: {  	[dreg:$0x4] =	wrdreg s1;
	s30 =	simm.s32 $0x0  }
.LBB2_2:
0xe: {  	s0 =	sshll.u32 s30, $0x1  }
0xf: {  	s31 =	sadd.s32 s7, s0  }
0x10: {  	s2 =	sshll.u32 s31, $0x6  }
0x11: {  	s0 =	simm.s32 $0x0;
	s8 =	sadd.s32 s5, s2  }
0x12: {  	[tilespmem:s0], [sflag:$0x2] =	stream.linear.gather [hbm4b:s8+s0], $0x400, $0x38;
	[tilespmem:$0x4A00] =	vst v63  }
0x13: {  	_ =	swait.ge [sflag:s9], $0x400  }
0x14: {  	[sflag:s9] =	ssyncset.done $0x0  }
0x15: {  	s2 =	sadd.s32 s6, s2;
	[sflag:s9] =	ssyncadd.s32 $0xFFFFFC00  }
0x16: {  	[tilespmem:s10], [sflag:$0x2] =	stream.linear.gather [hbm4b:s2+s0], $0x400, $0x38;
	[tilespmem:$0x4A00] =	vst v63  }
0x17: {  	_ =	swait.ge [sflag:s9], $0x400  }
0x18: {  	[sflag:s9] =	ssyncset.done $0x0  }
0x19: {  	s1 =	simm.s32 $0x800;
	[sflag:s9] =	ssyncadd.s32 $0xFFFFFC00  }
0x1a: {  	[tilespmem:s1], [sflag:$0x1] =	stream.indirect.gather [hbm4b:s4+s11], $0x10, s0, s11, $0xb8;
	[tilespmem:$0x4A00] =	vst v63  }
0x1b: {  	s29 =	simm.s32 $0x1000  }
0x1c: {  	[tilespmem:s29], [sflag:$0x1] =	stream.indirect.gather [hbm4b:s4+s11], $0x10, s11, s11, $0xb8;
	[tilespmem:$0x4A00] =	vst v63  }
0x1d: {  	_ = 	snop  }
0x1e: {  	[tilespmem:s15], [sflag:$0x1] =	stream.indirect.gather [hbm4b:s4+s11], $0x10, s14, s11, $0xb8;
	[tilespmem:$0x4A00] =	vst v63  }
0x1f: {  	_ = 	snop  }
0x20: {  	[tilespmem:s17], [sflag:$0x1] =	stream.indirect.gather [hbm4b:s4+s11], $0x10, s16, s11, $0xb8;
	[tilespmem:$0x4A00] =	vst v63  }
0x21: {  	_ = 	snop  }
0x22: {  	[tilespmem:s19], [sflag:$0x1] =	stream.indirect.gather [hbm4b:s4+s11], $0x10, s18, s11, $0xb8;
	[tilespmem:$0x4A00] =	vst v63  }
0x23: {  	_ = 	snop  }
0x24: {  	[tilespmem:s21], [sflag:$0x1] =	stream.indirect.gather [hbm4b:s4+s11], $0x10, s20, s11, $0xb8;
	[tilespmem:$0x4A00] =	vst v63  }
0x25: {  	_ = 	snop  }
0x26: {  	[tilespmem:s23], [sflag:$0x1] =	stream.indirect.gather [hbm4b:s4+s11], $0x10, s22, s11, $0xb8;
	[tilespmem:$0x4A00] =	vst v63  }
0x27: {  	_ = 	snop  }
0x28: {  	[tilespmem:s25], [sflag:$0x1] =	stream.indirect.gather [hbm4b:s4+s11], $0x10, s24, s11, $0xb8;
	[tilespmem:$0x4A00] =	vst v63  }
0x29: {  	_ =	swait.ge [sflag:s26], $0x800  }
0x2a: {  	[sflag:s26] =	ssyncset.done $0x0  }
0x2b: {  	[sflag:s26] =	ssyncadd.s32 $0xFFFFF800  }
0x2c: {  	_ =	swait.ge [sflag:s26], $0x800  }
0x2d: {  	[sflag:s26] =	ssyncset.done $0x0  }
0x2e: {  	[sflag:s26] =	ssyncadd.s32 $0xFFFFF800  }
0x2f: {  	_ =	swait.ge [sflag:s26], $0x800  }
0x30: {  	[sflag:s26] =	ssyncset.done $0x0  }
0x31: {  	[sflag:s26] =	ssyncadd.s32 $0xFFFFF800  }
0x32: {  	_ =	swait.ge [sflag:s26], $0x800  }
0x33: {  	[sflag:s26] =	ssyncset.done $0x0  }
0x34: {  	[sflag:s26] =	ssyncadd.s32 $0xFFFFF800  }
0x35: {  	_ =	swait.ge [sflag:s26], $0x800  }
0x36: {  	[sflag:s26] =	ssyncset.done $0x0  }
0x37: {  	[sflag:s26] =	ssyncadd.s32 $0xFFFFF800  }
0x38: {  	_ =	swait.ge [sflag:s26], $0x800  }
0x39: {  	[sflag:s26] =	ssyncset.done $0x0  }
0x3a: {  	[sflag:s26] =	ssyncadd.s32 $0xFFFFF800  }
0x3b: {  	_ =	swait.ge [sflag:s26], $0x800  }
0x3c: {  	[sflag:s26] =	ssyncset.done $0x0  }
0x3d: {  	[sflag:s26] =	ssyncadd.s32 $0xFFFFF800  }
0x3e: {  	_ =	swait.ge [sflag:s26], $0x800  }
0x3f: {  	[sflag:s26] =	ssyncset.done $0x0  }
0x40: {  	[sflag:s26] =	ssyncadd.s32 $0xFFFFF800  }
.LBB2_3:
0x41: {  	s2 =	sand.u32 $0x7, s0;
	s8 =	sshll.u32 s0, $0x6  }
0x42: {  	s8 =	sand.u32 $0xFFFFFE00, s8;
	s29 =	sshll.u32 s2, $0x4  }
0x43: {  	s8 =	sor.u32 s29, s8  }
0x44: {  	v1 =	vmov s8  }
0x45: {  	s29 =	sor.u32 $0x1, s8;
	s1 =	sshll.u32 s8, $0x4;
	s3 =	sor.u32 $0x2, s8;
	v1 =	vshrl.u32 v1, $0x3  }
0x46: {  	s12 =	sor.u32 $0x3, s8;
	v2 =	vmov s29;
	s1 =	sand.u32 $0x3FFFE700, s1;
	v3 =	vmov s3;
	s29 =	sshll.u32 s29, $0x4;
	v1 =	vshll.u32 v1, v0  }
0x47: {  	s13 =	sor.u32 $0x5, s8;
	v5 =	vmov s12;
	s3 =	sshll.u32 s3, $0x4;
	v2 =	vshrl.u32 v2, $0x3;
	v4 =	vld [tilespmem:s1+$0x800];
	s29 =	sand.u32 $0x3FFFE710, s29;
	v1 =	vbroadcast v1, $0x0  }
0x48: {  	v9 =	vmov s13;
	v3 =	vshrl.u32 v3, $0x3;
	s3 =	sand.u32 $0x3FFFE720, s3;
	s1 =	sshll.u32 s12, $0x4;
	v2 =	vshll.u32 v2, v0;
	v7 =	vld [tilespmem:s29+$0x800]  }
0x49: {  	v5 =	vshrl.u32 v5, $0x3;
	v3 =	vshll.u32 v3, v0;
	s29 =	sor.u32 $0x4, s8;
	v8 =	vld [tilespmem:s3+$0x800];
	s1 =	sand.u32 $0x3FFFE730, s1;
	s3 =	sshll.u32 s13, $0x4;
	v2 =	vor.u32 $0x1, v2  }
0x4a: {  	v3 =	vadd.s32 $0x2, v3;
	v62 =	vmov s29;
	v63 =	vld [tilespmem:s1+$0x800];
	s29 =	sshll.u32 s29, $0x4;
	s3 =	sand.u32 $0x3FFFE750, s3;
	v2 =	vbroadcast v2, $0x0  }
0x4b: {  	v9 =	vshrl.u32 v9, $0x3;
	s12 =	sor.u32 $0x6, s8;
	v5 =	vshll.u32 v5, v0;
	v3 =	vbroadcast v3, $0x0;
	s29 =	sand.u32 $0x3FFFE740, s29;
	v18 =	vld [tilespmem:s3+$0x800]  }
0x4c: {  	v9 =	vshll.u32 v9, v0;
	v12 =	vmov s12;
	s13 =	sor.u32 $0x7, s8;
	v5 =	vadd.s32 $0x3, v5;
	s1 =	sshll.u32 s12, $0x4;
	v16 =	vld [tilespmem:s29+$0x800]  }
0x4d: {  	v9 =	vadd.s32 $0x5, v9;
	v15 =	vshrl.u32 v12, $0x3;
	v19 =	vmov s13;
	s12 =	sshll.u32 s13, $0x4;
	s1 =	sand.u32 $0x3FFFE760, s1;
	v1 =	vld.idx.msk [tilespmem:v1+s10+$0x0], $0xffff  }
0x4e: {  	s13 =	sor.u32 $0x9, s8;
	v61 =	vbroadcast v5, $0x0;
	v5 =	vshrl.u32 v62, $0x3;
	v9 =	vbroadcast v9, $0x0;
	s3 =	sand.u32 $0x3FFFE770, s12;
	v23 =	vld [tilespmem:s1+$0x800]  }
0x4f: {  	v21 =	vshrl.u32 v19, $0x3;
	v32 =	vmov s13;
	s12 =	sor.u32 $0xA, s8;
	v5 =	vshll.u32 v5, v0;
	v31 =	vld [tilespmem:s3+$0x800]  }
0x50: {  	v22 =	vshll.u32 v21, v0;
	s1 =	sor.u32 $0x8, s8;
	v34 =	vmov s12;
	v6 =	vunpack.i.l.bf16.f32 v4;
	v2 =	vld.idx.msk [tilespmem:v2+s10+$0x0], $0xffff  }
0x51: {  	s29 =	sor.u32 $0xB, s8;
	s3 =	sor.u32 $0xC, s8;
	v4 =	vunpack.i.u.bf16.f32 v4;
	v5 =	vadd.s32 $0x4, v5;
	v25 =	vmov s1;
	v3 =	vld.idx.msk [tilespmem:v3+s10+$0x0], $0xffff  }
0x52: {  	v36 =	vmov s29;
	v40 =	vmov s3;
	v6 =	vmul.f32 v6, v1  }
0x53: {  	v10 =	vunpack.i.u.bf16.f32 v7;
	v7 =	vunpack.i.l.bf16.f32 v7;
	v1 =	vmul.f32 v4, v1  }
0x54: {  	v5 =	vbroadcast v5, $0x0;
	v11 =	vunpack.i.l.bf16.f32 v8;
	v4 =	vld.idx.msk [tilespmem:v61+s10+$0x0], $0xffff;
	v6 =	vadd.f32 $0.0e+00, v6  }
0x55: {  	v1 =	vadd.f32 $0.0e+00, v1;
	v7 =	vmul.f32 v7, v2;
	v2 =	vmul.f32 v10, v2  }
0x56: {  	v8 =	vunpack.i.u.bf16.f32 v8;
	v27 =	vshrl.u32 v25, $0x3;
	v14 =	vmul.f32 v11, v3  }
0x57: {  	v6 =	vadd.f32 v7, v6;
	v1 =	vadd.f32 v2, v1;
	v2 =	vshll.u32 v15, v0  }
0x58: {  	v17 =	vunpack.i.l.bf16.f32 v63;
	v3 =	vmul.f32 v8, v3;
	v2 =	vadd.s32 $0x6, v2  }
0x59: {  	v8 =	vmul.f32 v17, v4;
	v6 =	vadd.f32 v14, v6;
	v2 =	vbroadcast v2, $0x0  }
0x5a: {  	s3 =	sshll.u32 s3, $0x4;
	v38 =	vshrl.u32 v36, $0x3;
	v41 =	vshrl.u32 v40, $0x3;
	v28 =	vshll.u32 v27, v0;
	v5 =	vld.idx.msk [tilespmem:v5+s10+$0x0], $0xffff  }
0x5b: {  	s3 =	sand.u32 $0x3FFFE7C0, s3;
	v20 =	vld.idx.msk [tilespmem:v9+s10+$0x0], $0xffff;
	v10 =	vunpack.i.u.bf16.f32 v63;
	v6 =	vadd.f32 v8, v6;
	v8 =	vadd.s32 $0x7, v22  }
0x5c: {  	s29 =	sshll.u32 s29, $0x4;
	v49 =	vld [tilespmem:s3+$0x800];
	s3 =	sor.u32 $0xF, s8;
	v1 =	vadd.f32 v3, v1;
	v3 =	vmul.f32 v10, v4;
	v8 =	vbroadcast v8, $0x0  }
0x5d: {  	s29 =	sand.u32 $0x3FFFE7B0, s29;
	v24 =	vunpack.i.l.bf16.f32 v18;
	v29 =	vunpack.i.u.bf16.f32 v18;
	v51 =	vmov s3  }
0x5e: {  	v44 =	vld [tilespmem:s29+$0x800];
	s29 =	sor.u32 $0x80, s8;
	v7 =	vunpack.i.u.bf16.f32 v16;
	v1 =	vadd.f32 v3, v1;
	v3 =	vunpack.i.l.bf16.f32 v16  }
0x5f: {  	v57 =	vmov s29;
	v3 =	vmul.f32 v3, v5;
	v5 =	vmul.f32 v7, v5;
	v2 =	vld.idx.msk [tilespmem:v2+s10+$0x0], $0xffff  }
0x60: {  	v30 =	vunpack.i.l.bf16.f32 v23;
	v26 =	vmul.f32 v24, v20;
	v4 =	vmul.f32 v29, v20  }
0x61: {  	s3 =	sshll.u32 s3, $0x4;
	v3 =	vadd.f32 v3, v6;
	v1 =	vadd.f32 v5, v1;
	v5 =	vbroadcast v28, $0x0  }
0x62: {  	v9 =	vunpack.i.u.bf16.f32 v23;
	v35 =	vunpack.i.u.bf16.f32 v31;
	s3 =	sand.u32 $0x3FFFE7F0, s3;
	v10 =	vshrl.u32 v32, $0x3;
	v8 =	vld.idx.msk [tilespmem:v8+s10+$0x0], $0xffff  }
0x63: {  	v62 =	vld [tilespmem:s3+$0x800];
	v33 =	vshll.u32 v10, v0;
	v3 =	vadd.f32 v26, v3;
	v1 =	vadd.f32 v4, v1  }
0x64: {  	s1 =	sshll.u32 s1, $0x4;
	v4 =	vadd.s32 $0x1, v33;
	v6 =	vmul.f32 v30, v2;
	v2 =	vmul.f32 v9, v2  }
0x65: {  	s1 =	sand.u32 $0x3FFFE780, s1;
	v50 =	vunpack.i.l.bf16.f32 v44;
	v7 =	vunpack.i.l.bf16.f32 v31;
	v4 =	vbroadcast v4, $0x0  }
0x66: {  	s13 =	sshll.u32 s13, $0x4;
	v3 =	vadd.f32 v6, v3;
	v1 =	vadd.f32 v2, v1;
	v2 =	vld [tilespmem:s1+$0x800];
	v6 =	vshrl.u32 v34, $0x3  }
0x67: {  	v5 =	vld.idx.msk [tilespmem:v5+s10+$0x0], $0xffff;
	s1 =	sand.u32 $0x3FFFE790, s13;
	s13 =	sor.u32 $0xD, s8;
	v6 =	vshll.u32 v6, v0;
	v7 =	vmul.f32 v7, v8;
	v8 =	vmul.f32 v35, v8  }
0x68: {  	s12 =	sshll.u32 s12, $0x4;
	v14 =	vunpack.i.l.bf16.f32 v62;
	v43 =	vmov s13;
	v6 =	vadd.s32 $0x2, v6  }
0x69: {  	v37 =	vld [tilespmem:s1+$0x800];
	s1 =	sand.u32 $0x3FFFE7A0, s12;
	s12 =	sor.u32 $0xE, s8;
	v10 =	vshrl.u32 v43, $0x3;
	v1 =	vadd.f32 v8, v1;
	v8 =	vshll.u32 v38, v0  }
0x6a: {  	v45 =	vmov s12;
	v6 =	vbroadcast v6, $0x0;
	v8 =	vadd.s32 $0x3, v8  }
0x6b: {  	v39 =	vunpack.i.u.bf16.f32 v2;
	v2 =	vunpack.i.l.bf16.f32 v2;
	v8 =	vbroadcast v8, $0x0  }
0x6c: {  	v4 =	vld.idx.msk [tilespmem:v4+s10+$0x0], $0xffff;
	v10 =	vshll.u32 v10, v0;
	v2 =	vmul.f32 v2, v5;
	v5 =	vmul.f32 v39, v5  }
0x6d: {  	v3 =	vadd.f32 v7, v3;
	v11 =	vshrl.u32 v45, $0x3;
	v10 =	vadd.s32 $0x5, v10  }
0x6e: {  	v11 =	vshll.u32 v11, v0;
	v1 =	vadd.f32 v5, v1;
	v5 =	vshll.u32 v41, v0  }
0x6f: {  	v10 =	vbroadcast v10, $0x0;
	v2 =	vadd.f32 v2, v3;
	v3 =	vld [tilespmem:s1+$0x800];
	v5 =	vadd.s32 $0x4, v5  }
0x70: {  	v48 =	vadd.s32 $0x6, v11;
	v7 =	vunpack.i.l.bf16.f32 v37;
	v6 =	vld.idx.msk [tilespmem:v6+s10+$0x0], $0xffff;
	v5 =	vbroadcast v5, $0x0  }
0x71: {  	v11 =	vshrl.u32 v51, $0x3;
	v42 =	vunpack.i.u.bf16.f32 v37;
	v7 =	vmul.f32 v7, v4  }
0x72: {  	v9 =	vunpack.i.u.bf16.f32 v44;
	v54 =	vshll.u32 v11, v0;
	v4 =	vmul.f32 v42, v4;
	s1 =	sshll.u32 s13, $0x4;
	s13 =	sshll.u32 s12, $0x4;
	s12 =	sor.u32 $0x81, s8;
	v8 =	vld.idx.msk [tilespmem:v8+s10+$0x0], $0xffff  }
0x73: {  	v55 =	vadd.s32 $0x7, v54;
	v63 =	vmov s12;
	v2 =	vadd.f32 v7, v2  }
0x74: {  	s1 =	sand.u32 $0x3FFFE7D0, s1;
	v1 =	vadd.f32 v4, v1;
	v4 =	vbroadcast v48, $0x0;
	v46 =	vunpack.i.l.bf16.f32 v3  }
0x75: {  	s3 =	sshll.u32 s12, $0x4;
	s12 =	sor.u32 $0x84, s8;
	v52 =	vld [tilespmem:s1+$0x800];
	v7 =	vunpack.i.u.bf16.f32 v49;
	v3 =	vunpack.i.u.bf16.f32 v3;
	v47 =	vmul.f32 v46, v6  }
0x76: {  	v12 =	vshrl.u32 v63, $0x3;
	v19 =	vmov s12;
	v3 =	vmul.f32 v3, v6;
	v5 =	vld.idx.msk [tilespmem:v5+s10+$0x0], $0xffff  }
0x77: {  	s1 =	sand.u32 $0x3FFFE7E0, s13;
	s13 =	sor.u32 $0x82, s8;
	v53 =	vld.idx.msk [tilespmem:v10+s10+$0x0], $0xffff;
	v10 =	vshrl.u32 v57, $0x3;
	v2 =	vadd.f32 v47, v2;
	v6 =	vmul.f32 v50, v8  }
0x78: {  	s3 =	sand.u32 $0x3FFFEF10, s3;
	v56 =	vld [tilespmem:s1+$0x800];
	s1 =	sshll.u32 s29, $0x4;
	v13 =	vmov s13;
	s29 =	sshll.u32 s13, $0x4;
	v1 =	vadd.f32 v3, v1;
	v3 =	vmul.f32 v9, v8  }
0x79: {  	v17 =	vld [tilespmem:s3+$0x800];
	v59 =	vshll.u32 v10, v0;
	s3 =	sand.u32 $0x3FFFEF20, s29;
	s29 =	sor.u32 $0x86, s8;
	v2 =	vadd.f32 v6, v2;
	v6 =	vbroadcast v55, $0x0  }
0x7a: {  	s13 =	sor.u32 $0x85, s8;
	v20 =	vld [tilespmem:s3+$0x800];
	v26 =	vmov s29;
	v1 =	vadd.f32 v3, v1;
	v3 =	vunpack.i.l.bf16.f32 v49  }
0x7b: {  	v22 =	vmov s13;
	s3 =	sshll.u32 s13, $0x4;
	s13 =	sor.u32 $0x87, s8;
	v28 =	vshrl.u32 v26, $0x3;
	v4 =	vld.idx.msk [tilespmem:v4+s10+$0x0], $0xffff;
	v3 =	vmul.f32 v3, v5  }
0x7c: {  	v33 =	vmov s13;
	v58 =	vunpack.i.l.bf16.f32 v52;
	v60 =	vunpack.i.u.bf16.f32 v52  }
0x7d: {  	v5 =	vmul.f32 v7, v5;
	v2 =	vadd.f32 v3, v2;
	v3 =	vmul.f32 v58, v53  }
0x7e: {  	v30 =	vshll.u32 v28, v0;
	v61 =	vunpack.i.l.bf16.f32 v56;
	v7 =	vbroadcast v59, $0x0  }
0x7f: {  	v1 =	vadd.f32 v5, v1;
	v6 =	vld.idx.msk [tilespmem:v6+s10+$0x0], $0xffff;
	v2 =	vadd.f32 v3, v2;
	v3 =	vmul.f32 v60, v53  }
0x80: {  	v11 =	vshrl.u32 v33, $0x3;
	v9 =	vunpack.i.u.bf16.f32 v56;
	v5 =	vmul.f32 v61, v4  }
0x81: {  	v8 =	vunpack.i.u.bf16.f32 v62;
	v1 =	vadd.f32 v3, v1;
	v3 =	vmul.f32 v9, v4  }
0x82: {  	s1 =	sand.u32 $0x3FFFEF00, s1;
	v2 =	vadd.f32 v5, v2;
	v4 =	vshll.u32 v12, v0;
	v5 =	vshrl.u32 v13, $0x3  }
0x83: {  	v4 =	vor.u32 $0x1, v4;
	v5 =	vshll.u32 v5, v0;
	v1 =	vadd.f32 v3, v1;
	v3 =	vld [tilespmem:s1+$0x800]  }
0x84: {  	v7 =	vld.idx.msk [tilespmem:v7+s10+$0x0], $0xffff;
	v4 =	vbroadcast v4, $0x0;
	v9 =	vmul.f32 v14, v6;
	v5 =	vadd.s32 $0x2, v5;
	s1 =	sor.u32 $0x83, s8  }
0x85: {  	v6 =	vmul.f32 v8, v6;
	v5 =	vbroadcast v5, $0x0;
	v15 =	vmov s1  }
0x86: {  	v23 =	vunpack.i.u.bf16.f32 v17;
	v36 =	vshll.u32 v11, v0;
	v8 =	vshrl.u32 v15, $0x3  }
0x87: {  	v2 =	vadd.f32 v9, v2;
	v1 =	vadd.f32 v6, v1;
	v8 =	vshll.u32 v8, v0  }
0x88: {  	s3 =	sand.u32 $0x3FFFEF50, s3;
	v8 =	vadd.s32 $0x3, v8;
	v16 =	vunpack.i.l.bf16.f32 v3;
	v3 =	vunpack.i.u.bf16.f32 v3  }
0x89: {  	v34 =	vld [tilespmem:s3+$0x800];
	v18 =	vbroadcast v8, $0x0;
	v8 =	vshrl.u32 v19, $0x3;
	v3 =	vmul.f32 v3, v7  }
0x8a: {  	s1 =	sshll.u32 s1, $0x4;
	v6 =	vmul.f32 v16, v7;
	v4 =	vld.idx.msk [tilespmem:v4+s10+$0x0], $0xffff;
	v21 =	vshll.u32 v8, v0;
	v8 =	vshrl.u32 v22, $0x3  }
0x8b: {  	s12 =	sshll.u32 s12, $0x4;
	s1 =	sand.u32 $0x3FFFEF30, s1;
	v8 =	vshll.u32 v8, v0;
	v1 =	vadd.f32 v3, v1;
	v3 =	vld.idx.msk [tilespmem:v5+s10+$0x0], $0xffff;
	v5 =	vadd.s32 $0x4, v21  }
0x8c: {  	s12 =	sand.u32 $0x3FFFEF40, s12;
	v25 =	vunpack.i.l.bf16.f32 v20;
	v24 =	vld [tilespmem:s1+$0x800];
	s1 =	sshll.u32 s29, $0x4;
	v8 =	vadd.s32 $0x5, v8;
	v5 =	vbroadcast v5, $0x0  }
0x8d: {  	v31 =	vld [tilespmem:s12+$0x800];
	s1 =	sand.u32 $0x3FFFEF60, s1;
	v2 =	vadd.f32 v6, v2;
	v6 =	vadd.s32 $0x6, v30;
	v8 =	vbroadcast v8, $0x0  }
0x8e: {  	s12 =	sshll.u32 s13, $0x4;
	v29 =	vunpack.i.u.bf16.f32 v20;
	v9 =	vunpack.i.l.bf16.f32 v17;
	v37 =	vld [tilespmem:s1+$0x800];
	v6 =	vbroadcast v6, $0x0  }
0x8f: {  	v39 =	vunpack.i.l.bf16.f32 v34;
	v42 =	vunpack.i.u.bf16.f32 v34;
	s29 =	sor.u32 $0x88, s8;
	s1 =	sand.u32 $0x3FFFEF70, s12;
	s12 =	sor.u32 $0x89, s8;
	v9 =	vmul.f32 v9, v4;
	v7 =	vld.idx.msk [tilespmem:v18+s10+$0x0], $0xffff  }
0x90: {  	v38 =	vmov s29;
	v43 =	vmov s12;
	v4 =	vmul.f32 v23, v4  }
0x91: {  	v32 =	vunpack.i.l.bf16.f32 v24;
	v2 =	vadd.f32 v9, v2;
	v27 =	vmul.f32 v25, v3  }
0x92: {  	v10 =	vunpack.i.u.bf16.f32 v24;
	v1 =	vadd.f32 v4, v1;
	v3 =	vmul.f32 v29, v3;
	v5 =	vld.idx.msk [tilespmem:v5+s10+$0x0], $0xffff  }
0x93: {  	v44 =	vunpack.i.l.bf16.f32 v37;
	v4 =	vunpack.i.u.bf16.f32 v31;
	v2 =	vadd.f32 v27, v2;
	v35 =	vld.idx.msk [tilespmem:v8+s10+$0x0], $0xffff  }
0x94: {  	v1 =	vadd.f32 v3, v1;
	v8 =	vadd.s32 $0x7, v36;
	v6 =	vld.idx.msk [tilespmem:v6+s10+$0x0], $0xffff;
	v9 =	vmul.f32 v32, v7  }
0x95: {  	s13 =	sshll.u32 s29, $0x4;
	s29 =	sor.u32 $0x8A, s8;
	v3 =	vmul.f32 v10, v7;
	v8 =	vbroadcast v8, $0x0;
	v10 =	vshrl.u32 v38, $0x3  }
0x96: {  	s3 =	sshll.u32 s29, $0x4;
	v40 =	vshll.u32 v10, v0;
	v10 =	vshrl.u32 v43, $0x3;
	v2 =	vadd.f32 v9, v2  }
0x97: {  	s12 =	sshll.u32 s12, $0x4;
	s3 =	sand.u32 $0x3FFFEFA0, s3;
	v1 =	vadd.f32 v3, v1;
	v3 =	vunpack.i.l.bf16.f32 v31;
	v41 =	vbroadcast v40, $0x0  }
0x98: {  	s12 =	sand.u32 $0x3FFFEF90, s12;
	v56 =	vld [tilespmem:s3+$0x800];
	v9 =	vunpack.i.u.bf16.f32 v37;
	v10 =	vshll.u32 v10, v0;
	v3 =	vmul.f32 v3, v5  }
0x99: {  	v54 =	vld [tilespmem:s12+$0x800];
	v46 =	vadd.s32 $0x1, v10;
	v4 =	vmul.f32 v4, v5;
	v7 =	vmul.f32 v44, v6  }
0x9a: {  	v48 =	vmov s29;
	v45 =	vmul.f32 v9, v6;
	v6 =	vbroadcast v46, $0x0  }
0x9b: {  	s29 =	sor.u32 $0x8D, s8;
	v9 =	vshrl.u32 v48, $0x3;
	v2 =	vadd.f32 v3, v2;
	v3 =	vmul.f32 v39, v35  }
0x9c: {  	v57 =	vmov s29;
	v5 =	vmul.f32 v42, v35;
	v9 =	vshll.u32 v9, v0;
	v8 =	vld.idx.msk [tilespmem:v8+s10+$0x0], $0xffff  }
0x9d: {  	v1 =	vadd.f32 v4, v1;
	v9 =	vadd.s32 $0x2, v9;
	v2 =	vadd.f32 v3, v2;
	v3 =	vld [tilespmem:s1+$0x800];
	s1 =	sand.u32 $0x3FFFEF80, s13  }
0x9e: {  	v62 =	vunpack.i.l.bf16.f32 v56;
	v58 =	vunpack.i.l.bf16.f32 v54;
	v51 =	vbroadcast v9, $0x0;
	s13 =	sor.u32 $0x8C, s8;
	v47 =	vld [tilespmem:s1+$0x800];
	s1 =	sor.u32 $0x8B, s8  }
0x9f: {  	v1 =	vadd.f32 v5, v1;
	v55 =	vmov s13;
	s12 =	sshll.u32 s13, $0x4;
	s13 =	sor.u32 $0x8E, s8;
	v50 =	vmov s1  }
0xa0: {  	v4 =	vld.idx.msk [tilespmem:v41+s10+$0x0], $0xffff;
	v2 =	vadd.f32 v7, v2;
	s1 =	sshll.u32 s1, $0x4;
	v63 =	vmov s13;
	s3 =	sshll.u32 s13, $0x4;
	s13 =	sor.u32 $0x100, s8;
	v10 =	vshrl.u32 v50, $0x3  }
0xa1: {  	v1 =	vadd.f32 v45, v1;
	v6 =	vld.idx.msk [tilespmem:v6+s10+$0x0], $0xffff;
	s1 =	sand.u32 $0x3FFFEFB0, s1;
	v25 =	vmov s13;
	v52 =	vshll.u32 v10, v0  }
0xa2: {  	v10 =	vunpack.i.u.bf16.f32 v54;
	v59 =	vld [tilespmem:s1+$0x800];
	s1 =	sand.u32 $0x3FFFEFC0, s12;
	s12 =	sor.u32 $0x8F, s8;
	v49 =	vunpack.i.l.bf16.f32 v3;
	v3 =	vunpack.i.u.bf16.f32 v3  }
0xa3: {  	s29 =	sshll.u32 s29, $0x4;
	v9 =	vadd.s32 $0x3, v52;
	v20 =	vmov s12;
	v5 =	vmul.f32 v49, v8  }
0xa4: {  	v13 =	vld [tilespmem:s1+$0x800];
	s1 =	sand.u32 $0x3FFFEFD0, s29;
	s29 =	sor.u32 $0x101, s8;
	v3 =	vmul.f32 v3, v8;
	v53 =	vunpack.i.l.bf16.f32 v47;
	v9 =	vbroadcast v9, $0x0  }
0xa5: {  	v7 =	vunpack.i.u.bf16.f32 v47;
	v26 =	vmov s29;
	v8 =	vmul.f32 v53, v4  }
0xa6: {  	s3 =	sand.u32 $0x3FFFEFE0, s3;
	v4 =	vmul.f32 v7, v4;
	v1 =	vadd.f32 v3, v1;
	v3 =	vshrl.u32 v55, $0x3  }
0xa7: {  	v24 =	vld [tilespmem:s3+$0x800];
	s3 =	sshll.u32 s13, $0x4;
	v11 =	vmul.f32 v58, v6;
	v2 =	vadd.f32 v5, v2;
	v3 =	vshll.u32 v3, v0  }
0xa8: {  	s3 =	sand.u32 $0x3FFFF700, s3;
	v17 =	vld [tilespmem:s1+$0x800];
	s1 =	sshll.u32 s12, $0x4;
	v60 =	vmul.f32 v10, v6;
	v7 =	vunpack.i.u.bf16.f32 v56;
	v3 =	vadd.s32 $0x4, v3  }
0xa9: {  	v34 =	vld [tilespmem:s3+$0x800];
	s13 =	sshll.u32 s29, $0x4;
	s29 =	sor.u32 $0x103, s8;
	s1 =	sand.u32 $0x3FFFEFF0, s1;
	v2 =	vadd.f32 v8, v2;
	v8 =	vshrl.u32 v57, $0x3;
	v3 =	vbroadcast v3, $0x0  }
0xaa: {  	v27 =	vshrl.u32 v26, $0x3;
	s3 =	sand.u32 $0x3FFFF710, s13;
	v35 =	vmov s29;
	s13 =	sshll.u32 s29, $0x4;
	s29 =	sor.u32 $0x105, s8;
	v5 =	vld.idx.msk [tilespmem:v51+s10+$0x0], $0xffff;
	v8 =	vshll.u32 v8, v0  }
0xab: {  	v28 =	vld [tilespmem:s1+$0x800];
	v45 =	vmov s29;
	v14 =	vunpack.i.l.bf16.f32 v59;
	v8 =	vadd.s32 $0x5, v8  }
0xac: {  	s1 =	sor.u32 $0x102, s8;
	v36 =	vld [tilespmem:s3+$0x800];
	s3 =	sor.u32 $0x104, s8;
	v18 =	vunpack.i.u.bf16.f32 v59;
	v29 =	vunpack.i.u.bf16.f32 v24;
	v8 =	vbroadcast v8, $0x0  }
0xad: {  	s12 =	sshll.u32 s29, $0x4;
	s29 =	sor.u32 $0x108, s8;
	v30 =	vmov s1;
	v39 =	vmov s3;
	v61 =	vld.idx.msk [tilespmem:v9+s10+$0x0], $0xffff;
	v9 =	vshrl.u32 v63, $0x3  }
0xae: {  	v56 =	vmov s29;
	v1 =	vadd.f32 v4, v1;
	v9 =	vshll.u32 v9, v0  }
0xaf: {  	v21 =	vunpack.i.l.bf16.f32 v13;
	v4 =	vmul.f32 v62, v5;
	v16 =	vadd.s32 $0x6, v9;
	v3 =	vld.idx.msk [tilespmem:v3+s10+$0x0], $0xffff  }
0xb0: {  	v2 =	vadd.f32 v11, v2;
	v5 =	vmul.f32 v7, v5;
	v7 =	vbroadcast v16, $0x0  }
0xb1: {  	v10 =	vunpack.i.u.bf16.f32 v13;
	v32 =	vshrl.u32 v30, $0x3;
	v1 =	vadd.f32 v60, v1  }
0xb2: {  	v2 =	vadd.f32 v4, v2;
	v15 =	vmul.f32 v14, v61;
	v19 =	vld.idx.msk [tilespmem:v8+s10+$0x0], $0xffff;
	v8 =	vshrl.u32 v20, $0x3  }
0xb3: {  	s1 =	sshll.u32 s1, $0x4;
	v1 =	vadd.f32 v5, v1;
	v6 =	vmul.f32 v18, v61;
	v8 =	vshll.u32 v8, v0  }
0xb4: {  	s1 =	sand.u32 $0x3FFFF720, s1;
	v2 =	vadd.f32 v15, v2;
	v22 =	vadd.s32 $0x7, v8;
	v9 =	vmul.f32 v21, v3  }
0xb5: {  	v40 =	vld [tilespmem:s1+$0x800];
	s1 =	sand.u32 $0x3FFFF730, s13;
	s13 =	sor.u32 $0x107, s8;
	v1 =	vadd.f32 v6, v1;
	v3 =	vmul.f32 v10, v3;
	v6 =	vbroadcast v22, $0x0  }
0xb6: {  	v23 =	vunpack.i.l.bf16.f32 v17;
	v38 =	vunpack.i.l.bf16.f32 v34;
	v53 =	vmov s13;
	v7 =	vld.idx.msk [tilespmem:v7+s10+$0x0], $0xffff  }
0xb7: {  	s3 =	sshll.u32 s3, $0x4;
	v2 =	vadd.f32 v9, v2;
	v1 =	vadd.f32 v3, v1;
	v3 =	vmul.f32 v23, v19  }
0xb8: {  	v44 =	vld [tilespmem:s1+$0x800];
	s1 =	sand.u32 $0x3FFFF740, s3;
	s3 =	sor.u32 $0x106, s8;
	v33 =	vunpack.i.u.bf16.f32 v28;
	v41 =	vunpack.i.l.bf16.f32 v36;
	v8 =	vshrl.u32 v25, $0x3  }
0xb9: {  	v51 =	vmov s3;
	v2 =	vadd.f32 v3, v2;
	v3 =	vshll.u32 v8, v0  }
0xba: {  	v5 =	vunpack.i.u.bf16.f32 v17;
	v9 =	vunpack.i.l.bf16.f32 v24;
	v3 =	vbroadcast v3, $0x0  }
0xbb: {  	s3 =	sshll.u32 s3, $0x4;
	v4 =	vmul.f32 v5, v19;
	v8 =	vshll.u32 v27, v0;
	v9 =	vmul.f32 v9, v7;
	v6 =	vld.idx.msk [tilespmem:v6+s10+$0x0], $0xffff  }
0xbc: {  	v50 =	vld [tilespmem:s1+$0x800];
	s1 =	sshll.u32 s13, $0x4;
	s13 =	sshll.u32 s29, $0x4;
	s29 =	sor.u32 $0x10A, s8;
	v31 =	vmul.f32 v29, v7;
	v7 =	vshll.u32 v32, v0;
	v8 =	vor.u32 $0x1, v8  }
0xbd: {  	s3 =	sand.u32 $0x3FFFF760, s3;
	v62 =	vmov s29;
	v7 =	vadd.s32 $0x2, v7;
	v8 =	vbroadcast v8, $0x0  }
0xbe: {  	v57 =	vld [tilespmem:s3+$0x800];
	s3 =	sor.u32 $0x109, s8;
	v46 =	vunpack.i.l.bf16.f32 v40;
	v1 =	vadd.f32 v4, v1;
	v7 =	vbroadcast v7, $0x0  }
0xbf: {  	v47 =	vunpack.i.u.bf16.f32 v40;
	v59 =	vmov s3;
	v10 =	vshrl.u32 v35, $0x3  }
0xc0: {  	v10 =	vshll.u32 v10, v0;
	v1 =	vadd.f32 v31, v1;
	v3 =	vld.idx.msk [tilespmem:v3+s10+$0x0], $0xffff;
	v4 =	vmul.f32 v33, v6  }
0xc1: {  	s1 =	sand.u32 $0x3FFFF770, s1;
	v52 =	vunpack.i.l.bf16.f32 v44;
	v5 =	vunpack.i.l.bf16.f32 v28;
	v37 =	vadd.s32 $0x3, v10  }
0xc2: {  	v60 =	vld [tilespmem:s1+$0x800];
	v10 =	vshrl.u32 v39, $0x3;
	v1 =	vadd.f32 v4, v1;
	v4 =	vbroadcast v37, $0x0  }
0xc3: {  	v10 =	vshll.u32 v10, v0;
	v2 =	vadd.f32 v9, v2;
	v5 =	vmul.f32 v5, v6;
	v8 =	vld.idx.msk [tilespmem:v8+s10+$0x0], $0xffff  }
0xc4: {  	s1 =	sand.u32 $0x3FFFF780, s13;
	s3 =	sshll.u32 s3, $0x4;
	v43 =	vadd.s32 $0x4, v10;
	v10 =	vshrl.u32 v53, $0x3;
	v9 =	vunpack.i.u.bf16.f32 v34;
	v7 =	vld.idx.msk [tilespmem:v7+s10+$0x0], $0xffff  }
0xc5: {  	v63 =	vld [tilespmem:s1+$0x800];
	s1 =	sand.u32 $0x3FFFF790, s3;
	s3 =	sor.u32 $0x10B, s8;
	v2 =	vadd.f32 v5, v2;
	v5 =	vmul.f32 v38, v3;
	v3 =	vmul.f32 v9, v3  }
0xc6: {  	v55 =	vunpack.i.l.bf16.f32 v50;
	v17 =	vmov s3;
	v10 =	vshll.u32 v10, v0  }
0xc7: {  	v9 =	vshrl.u32 v45, $0x3;
	v1 =	vadd.f32 v3, v1;
	v3 =	vbroadcast v43, $0x0  }
0xc8: {  	v6 =	vunpack.i.u.bf16.f32 v36;
	v42 =	vmul.f32 v41, v8;
	v9 =	vshll.u32 v9, v0;
	v4 =	vld.idx.msk [tilespmem:v4+s10+$0x0], $0xffff  }
0xc9: {  	v6 =	vmul.f32 v6, v8;
	v8 =	vmul.f32 v46, v7;
	v49 =	vadd.s32 $0x5, v9  }
0xca: {  	v48 =	vmul.f32 v47, v7;
	v9 =	vshrl.u32 v51, $0x3;
	v7 =	vbroadcast v49, $0x0  }
0xcb: {  	v10 =	vadd.s32 $0x7, v10;
	v9 =	vshll.u32 v9, v0;
	v1 =	vadd.f32 v6, v1  }
0xcc: {  	v2 =	vadd.f32 v5, v2;
	v5 =	vunpack.i.u.bf16.f32 v44;
	v9 =	vadd.s32 $0x6, v9  }
0xcd: {  	v1 =	vadd.f32 v48, v1;
	v3 =	vld.idx.msk [tilespmem:v3+s10+$0x0], $0xffff;
	v6 =	vmul.f32 v52, v4;
	v4 =	vmul.f32 v5, v4  }
0xce: {  	s12 =	sand.u32 $0x3FFFF750, s12;
	v16 =	vld [tilespmem:s1+$0x800];
	v61 =	vunpack.i.l.bf16.f32 v57;
	v10 =	vbroadcast v10, $0x0;
	v9 =	vbroadcast v9, $0x0  }
0xcf: {  	v54 =	vld [tilespmem:s12+$0x800];
	v2 =	vadd.f32 v42, v2;
	v1 =	vadd.f32 v4, v1;
	v4 =	vshrl.u32 v56, $0x3  }
0xd0: {  	s13 =	sshll.u32 s29, $0x4;
	v12 =	vunpack.i.l.bf16.f32 v60;
	v18 =	vunpack.i.l.bf16.f32 v63;
	v7 =	vld.idx.msk [tilespmem:v7+s10+$0x0], $0xffff;
	v4 =	vshll.u32 v4, v0  }
0xd1: {  	s29 =	sor.u32 $0x10C, s8;
	s1 =	sand.u32 $0x3FFFF7A0, s13;
	v2 =	vadd.f32 v8, v2;
	v8 =	vunpack.i.u.bf16.f32 v50;
	v4 =	vbroadcast v4, $0x0  }
0xd2: {  	v21 =	vld [tilespmem:s1+$0x800];
	v22 =	vmov s29;
	s1 =	sor.u32 $0x10D, s8;
	v5 =	vmul.f32 v55, v3;
	v3 =	vmul.f32 v8, v3  }
0xd3: {  	v19 =	vunpack.i.u.bf16.f32 v63;
	v23 =	vunpack.i.l.bf16.f32 v16;
	v24 =	vmov s1  }
0xd4: {  	v2 =	vadd.f32 v6, v2;
	v58 =	vld.idx.msk [tilespmem:v9+s10+$0x0], $0xffff;
	v1 =	vadd.f32 v3, v1;
	v3 =	vunpack.i.u.bf16.f32 v54  }
0xd5: {  	s3 =	sshll.u32 s3, $0x4;
	s13 =	sor.u32 $0x10E, s8;
	v10 =	vld.idx.msk [tilespmem:v10+s10+$0x0], $0xffff;
	v6 =	vunpack.i.l.bf16.f32 v54;
	v9 =	vshrl.u32 v59, $0x3;
	v3 =	vmul.f32 v3, v7  }
0xd6: {  	s3 =	sand.u32 $0x3FFFF7B0, s3;
	v29 =	vmov s13;
	v9 =	vshll.u32 v9, v0;
	v6 =	vmul.f32 v6, v7  }
0xd7: {  	v28 =	vld [tilespmem:s3+$0x800];
	v2 =	vadd.f32 v5, v2;
	v1 =	vadd.f32 v3, v1;
	v3 =	vadd.s32 $0x1, v9  }
0xd8: {  	v27 =	vunpack.i.l.bf16.f32 v21;
	v9 =	vshrl.u32 v62, $0x3;
	v4 =	vld.idx.msk [tilespmem:v4+s10+$0x0], $0xffff;
	v3 =	vbroadcast v3, $0x0  }
0xd9: {  	s12 =	sshll.u32 s29, $0x4;
	s29 =	sor.u32 $0x10F, s8;
	v2 =	vadd.f32 v6, v2;
	v6 =	vmul.f32 v61, v58;
	v9 =	vshll.u32 v9, v0  }
0xda: {  	v31 =	vmov s29;
	v13 =	vmul.f32 v12, v10;
	v14 =	vadd.s32 $0x2, v9  }
0xdb: {  	v5 =	vunpack.i.u.bf16.f32 v57;
	v2 =	vadd.f32 v6, v2;
	v15 =	vbroadcast v14, $0x0  }
0xdc: {  	v32 =	vunpack.i.l.bf16.f32 v28;
	v8 =	vshrl.u32 v17, $0x3;
	v5 =	vmul.f32 v5, v58  }
0xdd: {  	v7 =	vunpack.i.u.bf16.f32 v60;
	v2 =	vadd.f32 v13, v2;
	v9 =	vmul.f32 v18, v4  }
0xde: {  	s12 =	sand.u32 $0x3FFFF7C0, s12;
	v8 =	vshll.u32 v8, v0;
	v7 =	vmul.f32 v7, v10;
	v1 =	vadd.f32 v5, v1;
	v3 =	vld.idx.msk [tilespmem:v3+s10+$0x0], $0xffff  }
0xdf: {  	v30 =	vld [tilespmem:s12+$0x800];
	v20 =	vadd.s32 $0x3, v8;
	v2 =	vadd.f32 v9, v2;
	v9 =	vshrl.u32 v22, $0x3  }
0xe0: {  	v10 =	vshrl.u32 v24, $0x3;
	v1 =	vadd.f32 v7, v1;
	v9 =	vshll.u32 v9, v0  }
0xe1: {  	s1 =	sshll.u32 s1, $0x4;
	v7 =	vbroadcast v20, $0x0;
	v4 =	vmul.f32 v19, v4;
	v5 =	vld.idx.msk [tilespmem:v15+s10+$0x0], $0xffff;
	v9 =	vadd.s32 $0x4, v9  }
0xe2: {  	s1 =	sand.u32 $0x3FFFF7D0, s1;
	v26 =	vshll.u32 v10, v0;
	v6 =	vunpack.i.u.bf16.f32 v16;
	v25 =	vbroadcast v9, $0x0  }
0xe3: {  	s12 =	sshll.u32 s13, $0x4;
	s13 =	sor.u32 $0x180, s8;
	v33 =	vld [tilespmem:s1+$0x800];
	v1 =	vadd.f32 v4, v1;
	v4 =	vmul.f32 v23, v3;
	v3 =	vmul.f32 v6, v3  }
0xe4: {  	v36 =	vunpack.i.l.bf16.f32 v30;
	v37 =	vmov s13;
	v9 =	vadd.s32 $0x5, v26  }
0xe5: {  	s1 =	sand.u32 $0x3FFFF7E0, s12;
	v9 =	vbroadcast v9, $0x0;
	v1 =	vadd.f32 v3, v1;
	v3 =	vshrl.u32 v29, $0x3  }
0xe6: {  	v38 =	vld [tilespmem:s1+$0x800];
	v8 =	vunpack.i.u.bf16.f32 v21;
	v6 =	vmul.f32 v27, v5;
	v3 =	vshll.u32 v3, v0  }
0xe7: {  	s12 =	sshll.u32 s29, $0x4;
	v7 =	vld.idx.msk [tilespmem:v7+s10+$0x0], $0xffff;
	v5 =	vmul.f32 v8, v5;
	v8 =	vshrl.u32 v31, $0x3;
	v3 =	vadd.s32 $0x6, v3  }
0xe8: {  	v39 =	vunpack.i.l.bf16.f32 v33;
	s1 =	sand.u32 $0x3FFFF7F0, s12;
	s12 =	sor.u32 $0x181, s8;
	v8 =	vshll.u32 v8, v0;
	v3 =	vbroadcast v3, $0x0  }
0xe9: {  	s13 =	sshll.u32 s13, $0x4;
	v43 =	vmov s12;
	v2 =	vadd.f32 v4, v2;
	v4 =	vld.idx.msk [tilespmem:v25+s10+$0x0], $0xffff;
	v8 =	vadd.s32 $0x7, v8  }
0xea: {  	v44 =	vunpack.i.u.bf16.f32 v33;
	v46 =	vshrl.u32 v43, $0x3;
	v42 =	vld [tilespmem:s1+$0x800];
	s1 =	sand.u32 $0x3FFFFF00, s13;
	s13 =	sor.u32 $0x183, s8;
	v8 =	vbroadcast v8, $0x0  }
0xeb: {  	v47 =	vunpack.i.l.bf16.f32 v38;
	v54 =	vmov s13;
	v10 =	vunpack.i.u.bf16.f32 v28;
	v35 =	vld.idx.msk [tilespmem:v9+s10+$0x0], $0xffff  }
0xec: {  	v11 =	vmul.f32 v32, v7;
	v34 =	vmul.f32 v10, v7;
	v2 =	vadd.f32 v6, v2  }
0xed: {  	v1 =	vadd.f32 v5, v1;
	v6 =	vunpack.i.u.bf16.f32 v30;
	v9 =	vshrl.u32 v37, $0x3  }
0xee: {  	v2 =	vadd.f32 v11, v2;
	v9 =	vshll.u32 v9, v0;
	v5 =	vmul.f32 v36, v4;
	v3 =	vld.idx.msk [tilespmem:v3+s10+$0x0], $0xffff  }
0xef: {  	v1 =	vadd.f32 v34, v1;
	v41 =	vbroadcast v9, $0x0;
	v4 =	vmul.f32 v6, v4  }
0xf0: {  	s12 =	sshll.u32 s12, $0x4;
	v40 =	vmul.f32 v39, v35;
	v2 =	vadd.f32 v5, v2;
	v45 =	vld.idx.msk [tilespmem:v8+s10+$0x0], $0xffff;
	v8 =	vshll.u32 v46, v0  }
0xf1: {  	s29 =	sor.u32 $0x182, s8;
	s3 =	sand.u32 $0x3FFFFF10, s12;
	v48 =	vld [tilespmem:s1+$0x800];
	v7 =	vmul.f32 v44, v35;
	v1 =	vadd.f32 v4, v1;
	v8 =	vor.u32 $0x1, v8  }
0xf2: {  	v53 =	vld [tilespmem:s3+$0x800];
	s1 =	sshll.u32 s29, $0x4;
	v10 =	vunpack.i.u.bf16.f32 v38;
	v2 =	vadd.f32 v40, v2;
	v8 =	vbroadcast v8, $0x0  }
0xf3: {  	s3 =	sor.u32 $0x184, s8;
	s1 =	sand.u32 $0x3FFFFF20, s1;
	s13 =	sshll.u32 s13, $0x4;
	v1 =	vadd.f32 v7, v1;
	v9 =	vmul.f32 v47, v3;
	v3 =	vmul.f32 v10, v3  }
0xf4: {  	v51 =	vmov s29;
	v55 =	vmov s3;
	s3 =	sshll.u32 s3, $0x4;
	v60 =	vld [tilespmem:s1+$0x800];
	s1 =	sand.u32 $0x3FFFFF30, s13;
	v4 =	vunpack.i.l.bf16.f32 v42  }
0xf5: {  	s29 =	sor.u32 $0x185, s8;
	v63 =	vld [tilespmem:s1+$0x800];
	s1 =	sand.u32 $0x3FFFFF40, s3;
	v2 =	vadd.f32 v9, v2;
	v1 =	vadd.f32 v3, v1;
	v3 =	vmul.f32 v4, v45  }
0xf6: {  	v49 =	vunpack.i.u.bf16.f32 v42;
	v52 =	vunpack.i.l.bf16.f32 v48;
	v59 =	vmov s29;
	s29 =	sshll.u32 s29, $0x4;
	v16 =	vld [tilespmem:s1+$0x800]  }
0xf7: {  	s12 =	sor.u32 $0x186, s8;
	v58 =	vunpack.i.l.bf16.f32 v53;
	s1 =	sand.u32 $0x3FFFFF50, s29;
	s29 =	sor.u32 $0x188, s8;
	v6 =	vld.idx.msk [tilespmem:v41+s10+$0x0], $0xffff;
	v2 =	vadd.f32 v3, v2;
	v3 =	vshrl.u32 v51, $0x3  }
0xf8: {  	s13 =	sor.u32 $0x187, s8;
	v62 =	vmov s12;
	v24 =	vmov s29;
	v3 =	vshll.u32 v3, v0  }
0xf9: {  	v15 =	vmov s13;
	v9 =	vshrl.u32 v54, $0x3;
	v8 =	vld.idx.msk [tilespmem:v8+s10+$0x0], $0xffff;
	v3 =	vadd.s32 $0x2, v3  }
0xfa: {  	v11 =	vshrl.u32 v15, $0x3;
	v9 =	vshll.u32 v9, v0;
	v3 =	vbroadcast v3, $0x0  }
0xfb: {  	v7 =	vunpack.i.u.bf16.f32 v48;
	v10 =	vshrl.u32 v55, $0x3;
	v9 =	vadd.s32 $0x3, v9  }
0xfc: {  	v57 =	vshll.u32 v10, v0;
	v4 =	vmul.f32 v52, v6;
	v56 =	vbroadcast v9, $0x0  }
0xfd: {  	v10 =	vshrl.u32 v59, $0x3;
	v6 =	vmul.f32 v7, v6;
	v9 =	vadd.s32 $0x4, v57  }
0xfe: {  	v2 =	vadd.f32 v4, v2;
	v9 =	vbroadcast v9, $0x0;
	v7 =	vmul.f32 v58, v8  }
0xff: {  	v50 =	vmul.f32 v49, v45;
	v61 =	vshll.u32 v10, v0;
	v10 =	vshrl.u32 v62, $0x3  }
0x100: {  	v10 =	vshll.u32 v10, v0;
	v2 =	vadd.f32 v7, v2;
	v7 =	vadd.s32 $0x5, v61;
	v3 =	vld.idx.msk [tilespmem:v3+s10+$0x0], $0xffff  }
0x101: {  	s12 =	sshll.u32 s12, $0x4;
	v19 =	vld [tilespmem:s1+$0x800];
	v1 =	vadd.f32 v50, v1;
	v10 =	vadd.s32 $0x6, v10;
	v7 =	vbroadcast v7, $0x0  }
0x102: {  	s1 =	sand.u32 $0x3FFFFF60, s12;
	v11 =	vshll.u32 v11, v0;
	v5 =	vunpack.i.u.bf16.f32 v53;
	v10 =	vbroadcast v10, $0x0;
	v4 =	vld.idx.msk [tilespmem:v56+s10+$0x0], $0xffff  }
0x103: {  	v21 =	vld [tilespmem:s1+$0x800];
	v11 =	vadd.s32 $0x7, v11;
	v1 =	vadd.f32 v6, v1;
	v5 =	vmul.f32 v5, v8  }
0x104: {  	v17 =	vunpack.i.l.bf16.f32 v60;
	s13 =	sshll.u32 s13, $0x4;
	v11 =	vbroadcast v11, $0x0;
	v6 =	vunpack.i.u.bf16.f32 v60;
	v9 =	vld.idx.msk [tilespmem:v9+s10+$0x0], $0xffff  }
0x105: {  	s1 =	sand.u32 $0x3FFFFF70, s13;
	v1 =	vadd.f32 v5, v1;
	v12 =	vmul.f32 v17, v3;
	v3 =	vmul.f32 v6, v3  }
0x106: {  	v18 =	vunpack.i.l.bf16.f32 v63;
	v20 =	vunpack.i.l.bf16.f32 v16;
	v23 =	vld [tilespmem:s1+$0x800];
	v8 =	vunpack.i.u.bf16.f32 v63  }
0x107: {  	v26 =	vunpack.i.u.bf16.f32 v19;
	v7 =	vld.idx.msk [tilespmem:v7+s10+$0x0], $0xffff;
	v1 =	vadd.f32 v3, v1;
	v3 =	vmul.f32 v8, v4  }
0x108: {  	v5 =	vunpack.i.u.bf16.f32 v16;
	v22 =	vld.idx.msk [tilespmem:v10+s10+$0x0], $0xffff;
	v6 =	vmul.f32 v18, v4;
	v2 =	vadd.f32 v12, v2  }
0x109: {  	s13 =	sor.u32 $0x189, s8;
	v27 =	vunpack.i.l.bf16.f32 v21;
	v1 =	vadd.f32 v3, v1;
	v3 =	vmul.f32 v5, v9  }
0x10a: {  	s3 =	sor.u32 $0x18A, s8;
	v31 =	vmov s13;
	v4 =	vmul.f32 v20, v9;
	v2 =	vadd.f32 v6, v2  }
0x10b: {  	v32 =	vmov s3;
	v25 =	vld.idx.msk [tilespmem:v11+s10+$0x0], $0xffff;
	v1 =	vadd.f32 v3, v1;
	v3 =	vunpack.i.l.bf16.f32 v19  }
0x10c: {  	v29 =	vunpack.i.l.bf16.f32 v23;
	v2 =	vadd.f32 v4, v2;
	v3 =	vmul.f32 v3, v7  }
0x10d: {  	s12 =	sshll.u32 s29, $0x4;
	v28 =	vmul.f32 v27, v22;
	v8 =	vshrl.u32 v24, $0x3;
	v7 =	vmul.f32 v26, v7  }
0x10e: {  	s1 =	sand.u32 $0x3FFFFF80, s12;
	v8 =	vshll.u32 v8, v0;
	v2 =	vadd.f32 v3, v2;
	v3 =	vunpack.i.u.bf16.f32 v21  }
0x10f: {  	v30 =	vld [tilespmem:s1+$0x800];
	s1 =	sshll.u32 s13, $0x4;
	v8 =	vbroadcast v8, $0x0;
	v1 =	vadd.f32 v7, v1;
	v3 =	vmul.f32 v3, v22  }
0x110: {  	s1 =	sand.u32 $0x3FFFFF90, s1;
	v5 =	vmul.f32 v29, v25;
	v4 =	vunpack.i.u.bf16.f32 v23;
	v2 =	vadd.f32 v28, v2  }
0x111: {  	s12 =	sor.u32 $0x18B, s8;
	v37 =	vld [tilespmem:s1+$0x800];
	s1 =	sshll.u32 s3, $0x4;
	s3 =	sor.u32 $0x18E, s8;
	v1 =	vadd.f32 v3, v1;
	v3 =	vmul.f32 v4, v25;
	v4 =	vshrl.u32 v31, $0x3  }
0x112: {  	v34 =	vmov s12;
	v38 =	vmov s3;
	v4 =	vshll.u32 v4, v0  }
0x113: {  	v2 =	vadd.f32 v5, v2;
	v5 =	vshrl.u32 v32, $0x3;
	v4 =	vadd.s32 $0x1, v4  }
0x114: {  	v33 =	vunpack.i.u.bf16.f32 v30;
	v5 =	vshll.u32 v5, v0;
	v4 =	vbroadcast v4, $0x0  }
0x115: {  	s29 =	sor.u32 $0x18C, s8;
	v1 =	vadd.f32 v3, v1;
	v3 =	vld.idx.msk [tilespmem:v8+s10+$0x0], $0xffff;
	v8 =	vshrl.u32 v34, $0x3;
	v5 =	vadd.s32 $0x2, v5  }
0x116: {  	s13 =	sor.u32 $0x18D, s8;
	v35 =	vmov s29;
	v8 =	vshll.u32 v8, v0;
	v5 =	vbroadcast v5, $0x0  }
0x117: {  	s8 =	sor.u32 $0x18F, s8;
	v36 =	vmov s13;
	v9 =	vshrl.u32 v35, $0x3;
	v8 =	vadd.s32 $0x3, v8  }
0x118: {  	v42 =	vmov s8;
	v9 =	vshll.u32 v9, v0;
	v8 =	vbroadcast v8, $0x0  }
0x119: {  	v41 =	vshrl.u32 v38, $0x3;
	v10 =	vshrl.u32 v36, $0x3;
	v9 =	vadd.s32 $0x4, v9  }
0x11a: {  	s1 =	sand.u32 $0x3FFFFFA0, s1;
	v10 =	vshll.u32 v10, v0;
	v9 =	vbroadcast v9, $0x0;
	v7 =	vunpack.i.l.bf16.f32 v30;
	v4 =	vld.idx.msk [tilespmem:v4+s10+$0x0], $0xffff  }
0x11b: {  	s12 =	sshll.u32 s12, $0x4;
	v39 =	vld [tilespmem:s1+$0x800];
	v40 =	vadd.s32 $0x5, v10;
	v7 =	vmul.f32 v7, v3;
	v3 =	vmul.f32 v33, v3  }
0x11c: {  	s1 =	sand.u32 $0x3FFFFFB0, s12;
	v44 =	vunpack.i.l.bf16.f32 v37;
	v10 =	vshll.u32 v41, v0;
	v6 =	vbroadcast v40, $0x0;
	v5 =	vld.idx.msk [tilespmem:v5+s10+$0x0], $0xffff  }
0x11d: {  	s12 =	sshll.u32 s29, $0x4;
	v13 =	vld [tilespmem:s1+$0x800];
	v43 =	vshrl.u32 v42, $0x3;
	v1 =	vadd.f32 v3, v1;
	v3 =	vadd.s32 $0x6, v10  }
0x11e: {  	s1 =	sand.u32 $0x3FFFFFC0, s12;
	v2 =	vadd.f32 v7, v2;
	v10 =	vshll.u32 v43, v0;
	v3 =	vbroadcast v3, $0x0;
	v8 =	vld.idx.msk [tilespmem:v8+s10+$0x0], $0xffff  }
0x11f: {  	s29 =	sshll.u32 s13, $0x4;
	v14 =	vld [tilespmem:s1+$0x800];
	v7 =	vunpack.i.u.bf16.f32 v37;
	v10 =	vadd.s32 $0x7, v10;
	v11 =	vmul.f32 v44, v4  }
0x120: {  	s1 =	sand.u32 $0x3FFFFFD0, s29;
	v45 =	vunpack.i.l.bf16.f32 v39;
	v9 =	vld.idx.msk [tilespmem:v9+s10+$0x0], $0xffff;
	v10 =	vbroadcast v10, $0x0;
	v4 =	vmul.f32 v7, v4  }
0x121: {  	s12 =	sshll.u32 s3, $0x4;
	v15 =	vld [tilespmem:s1+$0x800];
	v46 =	vunpack.i.u.bf16.f32 v39;
	v7 =	vmul.f32 v45, v5;
	v2 =	vadd.f32 v11, v2  }
0x122: {  	s1 =	sand.u32 $0x3FFFFFE0, s12;
	v48 =	vunpack.i.l.bf16.f32 v13;
	v6 =	vld.idx.msk [tilespmem:v6+s10+$0x0], $0xffff;
	v47 =	vmul.f32 v46, v5;
	v1 =	vadd.f32 v4, v1  }
0x123: {  	s13 =	sshll.u32 s8, $0x4;
	v49 =	vunpack.i.u.bf16.f32 v13;
	v50 =	vld [tilespmem:s1+$0x800];
	v5 =	vmul.f32 v48, v8;
	v2 =	vadd.f32 v7, v2  }
0x124: {  	v52 =	vunpack.i.l.bf16.f32 v14;
	s1 =	sand.u32 $0x3FFFFFF0, s13;
	v51 =	vmul.f32 v49, v8;
	v3 =	vld.idx.msk [tilespmem:v3+s10+$0x0], $0xffff;
	v1 =	vadd.f32 v47, v1  }
0x125: {  	v53 =	vunpack.i.u.bf16.f32 v14;
	v54 =	vld [tilespmem:s1+$0x800];
	v7 =	vmul.f32 v52, v9;
	v2 =	vadd.f32 v5, v2  }
0x126: {  	v56 =	vunpack.i.l.bf16.f32 v15;
	v55 =	vmul.f32 v53, v9;
	v57 =	vld.idx.msk [tilespmem:v10+s10+$0x0], $0xffff;
	v1 =	vadd.f32 v51, v1  }
0x127: {  	v58 =	vunpack.i.u.bf16.f32 v15;
	v5 =	vmul.f32 v56, v6;
	v2 =	vadd.f32 v7, v2  }
0x128: {  	v60 =	vunpack.i.l.bf16.f32 v50;
	v59 =	vmul.f32 v58, v6;
	v1 =	vadd.f32 v55, v1  }
0x129: {  	v61 =	vunpack.i.u.bf16.f32 v50;
	v6 =	vmul.f32 v60, v3;
	v2 =	vadd.f32 v5, v2  }
0x12a: {  	v62 =	vunpack.i.l.bf16.f32 v54;
	v3 =	vmul.f32 v61, v3;
	v1 =	vadd.f32 v59, v1  }
0x12b: {  	p0 =	sne.s32 s0, $0xF;
	v63 =	vunpack.i.u.bf16.f32 v54;
	v4 =	vmul.f32 v62, v57;
	v2 =	vadd.f32 v6, v2  }
.Ltmp0:
0x12c: {  	s29 =	sshll.u32 s0, $0x5;
	v1 =	vadd.f32 v3, v1;
	v3 =	vmul.f32 v63, v57;
	(pc) =	sbr.rel @p0 .LBB2_3-.Ltmp0, $4  }
0x12d: {  	s2 =	sshll.u32 s2, $0x5;
	s1 =	sand.u32 $0x3FFFFF00, s29;
	v2 =	vadd.f32 v4, v2  }
0x12e: {  	s1 =	sor.u32 s2, s1;
	v1 =	vadd.f32 v3, v1  }
0x12f: {  	[tilespmem:s1+$0x4800] =	vst v2  }
0x130: {  	s0 =	sadd.s32 $0x1, s0;
	[tilespmem:s1+$0x4810] =	vst v1  }
0x131: {  	s30 =	sadd.s32 $0x1, s30  }
0x132: {  	s0 =	sshll.u32 s31, $0x5;
	s1 =	rddreg [dreg:$0x1];
	p0 =	sne.s32 s30, $0x154  }
.Ltmp1:
0x133: {  	s31 =	simm.s32 $0x0;
	s0 =	sadd.s32 s1, s0;
	(pc) =	sbr.rel @p0 .LBB2_2-.Ltmp1, $4  }
0x134: {  	[hbm4b:s0+s31] =	stream.linear.scatter [tilespmem:s28], [sflag:$0x2], $0x200, $0x38;
	[tilespmem:$0x4A00] =	vst v63  }
0x135: {  	_ =	swait.ge [sflag:s9], $0x200  }
0x136: {  	[sflag:s9] =	ssyncset.done $0x0  }
0x137: {  	[sflag:s9] =	ssyncadd.s32 $0xFFFFFE00  }
0x138: {  	s1 =	rddreg [dreg:$0x4]  }
0x139: {  	s0 =	rddreg [dreg:$0x3];
	s1 =	sadd.s32 $0x1, s1  }
0x13a: {  	p0 =	sne.s32 s1, s0  }
.Ltmp2:
0x13b: {  	_ = 	snop;
	(pc) =	sbr.rel @p0 .LBB2_1-.Ltmp2, $1  }
0x13c: {  	_ =	sdelay $0x3  }
0x13d: {  	_ =	sfence.sel $0x180000  }
0x13e: {  	[bflag:$0x0] =	sbarrier.arrive $0xFFFF  }
0x13f: {  	_ =	strace $0x9000004D  }
0x140: {  	s0 =	stileid.u32;
	[bflag:$0x2] =	sbarrier.arrive $0xFFFF  }
0x141: {  	p0 =	sne.s32 s0, $0x0;
	s0 =	rddreg [dreg:$0x2]  }
0x142: {  	s0 =	sadd.s32 @!p0 $0x100000, s0  }
0x143: {  	[sflag:s0] =	ssyncadd.tile.s32 @!p0 $0x1;
	_ =	shalt  }
.Lfunc_end2:
_tile_overlayer_lowered:
.L_overlay_start_2:
0x144: {  	(tag) =	ssettag $0x2  }
0x145: {  	s0 =	rddreg [dreg:$0x0];
	s2 =	stileid.u32  }
0x146: {  	s1 =	rddreg [dreg:$0x1];
	p0 =	sne.s32 s2, $0x0  }
0x147: {  	s3 =	rddreg [dreg:$0x2];
	[bflag:$0x3] =	sbarrier.arrive $0xFFFF;
	s2 =	simm.s32 @!p0 $0x1C02  }
0x148: {  	[timem:s3], [sflag:s2] =	dma.local @!p0 [hbm:s0], s1  }
0x149: {  	s0 =	simm.s32 @!p0 $0x2  }
0x14a: {  	_ =	swait.ge @!p0 [sflag:s0], s1  }
0x14b: {  	s1 =	ssub.s32 @!p0 $0x0, s1;
	[sflag:s0] =	ssyncset.done @!p0 $0x0  }
0x14c: {  	[sflag:s0] =	ssyncadd.s32 @!p0 s1  }
0x14d: {  	[bflag:$0x3] =	sbarrier.arrive $0xFFFF  }
0x14e: {  	_ =	shalt  }

// kernel: sparse-core-data-format-call.1.cloned.1.call-start
scs
called_computation.1_lowered:
.L_overlay_start_0:
0x0: {  	s2 =	sld [smem:$0x3FD9]  }
0x1: {  	s3 =	sld [smem:$0x3FFE];
	_ =	sdelay $0x1  }
0x2: {  	s1 =	srdreg.scid  }
0x3: {  	s0 =	sand.u32 $0x1, s1  }
0x4: {  	s18 =	sshll.u32 s0, $0xA;
	s2 =	sadd.s32 s3, s2  }
0x5: {  	s2 =	sadd.s32 s2, s18  }
0x6: {  	[smem:$0x3FBD] =	sst s2  }
0x7: {  	_ = 	snop  }
0x8: {  	(tm) =	ssettm $0x1  }
0x9: {  	s19 =	sld [smem:$0x3FFB];
	_ =	sdelay $0x3  }
0xa: {  	_ =	strace s19  }
0xb: {  	s2 =	sld [smem:$0x3FFC];
	_ =	sdelay $0x3  }
0xc: {  	_ =	strace s2  }
0xd: {  	s2 =	sld [smem:$0x3FFD];
	_ =	sdelay $0x3  }
0xe: {  	_ =	strace s2  }
0xf: {  	_ =	strace $0x8FFFFFFF  }
0x10: {  	s20 =	sld [smem:$0x3FDB];
	_ =	sdelay $0x1  }
0x11: {  	s21 =	simm.s32 $_scs_section_size  }
0x12: {  	s4 =	simm.s32 $_size__tile_overlayer_lowered;
	s5 =	simm.s32 $_tile_overlayer_lowered  }
0x13: {  	s6 =	simm.s32 $0x1BFF;
	s22 =	sshll.u32 s5, $0x1;
	s3 =	sadd.s32 s21, s20  }
0x14: {  	s23 =	simm.s32 $0x0;
	s4 =	sshll.u32 s4, $0x1;
	s5 =	sadd.s32 s22, s3  }
0x15: {  	[timem:s23], [sflag:s6] =	dma.local [hbm:s5], s4  }
0x16: {  	_ =	swait.ge [sflag:s6], s4  }
0x17: {  	s4 =	ssub.s32 $0x0, s4;
	[sflag:s6] =	ssyncset.done $0x0  }
0x18: {  	[sflag:s6] =	ssyncadd.s32 s4;
	_ =	sdelay $0x1  }
0x19: {  	s24 =	simm.s32 $0x1B8B  }
0x1a: {  	_ =	swait.ge [sflag:s24], $0x1  }
0x1b: {  	[sflag:s24] =	ssyncset.done $0x0  }
0x1c: {  	[sflag:s24] =	ssyncadd.s32 $0xFFFFFFFF  }
0x1d: {  	s4 =	sld [smem:$0x0]  }
0x1e: {  	s5 =	sand.u32 $0xFFFFFFFE, s1  }
0x1f: {  	p0 =	sne.s32 s1, s5  }
0x20: {  	s5 =	sshll.u32 @p0 s5, $0xE  }
0x21: {  	s5 =	sadd.s32 @p0 $0x11B8D, s5;
	s6 =	sshll.u32 @p0 s4, $0x11  }
0x22: {  	s5 =	sor.u32 @p0 s6, s5  }
0x23: {  	[sflag:s5] =	ssyncadd.remote.s32 @p0 $0x1;
	_ =	sdelay $0x1  }
0x24: {  	s5 =	simm.s32 @p0 $0x1B8D  }
0x25: {  	_ =	swait.eq @p0 [sflag:s5], $0x1  }
0x26: {  	[sflag:s5] =	ssyncadd.s32 @p0 $0xFFFFFFFF  }
0x27: {  	s6 =	sshll.u32 @!p0 s1, $0xE  }
0x28: {  	s6 =	sor.u32 @!p0 $0x4000, s6;
	s5 =	simm.s32 @!p0 $0x1B8D  }
0x29: {  	s4 =	sshll.u32 @!p0 s4, $0x11;
	s6 =	sadd.s32 @!p0 $0x11B8D, s6;
	_ =	swait.eq @!p0 [sflag:s5], $0x1  }
0x2a: {  	s4 =	sor.u32 @!p0 s4, s6;
	[sflag:s5] =	ssyncadd.s32 @!p0 $0xFFFFFFFF  }
0x2b: {  	s26 =	simm.s32 $0x1B8E;
	s25 =	sld [smem:$0x3FFE];
	[sflag:s4] =	ssyncadd.remote.s32 @!p0 $0x1  }
0x2c: {  	s27 =	simm.s32 $execute0_lowered;
	[smem:$0x3FD2] =	sst s26  }
0x2d: {  	s5 =	sshll.u32 s27, $0x1;
	_ =	strace $0x80000049;
	[dreg:$0x1] =	wrdreg $0xFFFFFFFF  }
0x2e: {  	s28 =	simm.s32 $_size_execute0_lowered;
	s3 =	sadd.s32 s3, s5;
	[dreg:$0x0] =	wrdreg $0x0  }
0x2f: {  	s5 =	sshll.u32 s28, $0x1;
	[dreg:$0x2] =	wrdreg s3  }
0x30: {  	[dreg:$0x3] =	wrdreg s5  }
0x31: {  	[dreg:$0x4] =	wrdreg $0xC0  }
0x32: {  	_ =	task [dreg:s23], $0x5FFFF  }
0x33: {  	[dreg:$0x1] =	wrdreg $0xFFFFFFFF  }
0x34: {  	[dreg:$0x0] =	wrdreg $0x60  }
0x35: {  	[dreg:$0x2] =	wrdreg s25  }
0x36: {  	[dreg:$0x3] =	wrdreg $0xA  }
0x37: {  	_ =	task.clear_ibuf [dreg:s23], $0x4FFFF;
	_ =	strace $0x90000049  }
0x38: {  	s29 =	simm.s32 $0xA;
	_ =	strace $0x8000004B  }
0x39: {  	_ =	swait.ge [sflag:s29], $0x1  }
0x3a: {  	[sflag:s29] =	ssyncadd.s32 $0xFFFFFFFF  }
0x3b: {  	_ =	strace $0x9000004B  }
0x3c: {  	_ =	sfence  }
0x3d: {  	s30 =	sld [smem:$0x0];
	_ =	sdelay $0x2  }
0x3e: {  	s31 =	sshll.u32 s1, $0xD;
	s1 =	sshrl.u32 s1, $0x2  }
0x3f: {  	s4 =	sand.u32 $0x4000, s31;
	s1 =	sadd.s32 s1, s30  }
0x40: {  	s0 =	sor.u32 s4, s0;
	s1 =	sshll.u32 s1, $0x11  }
0x41: {  	s0 =	sor.u32 s1, s0  }
0x42: {  	s0 =	sadd.s32 $0x8F2B, s0  }
0x43: {  	[sflag:s0] =	ssyncadd.remote.s32 $0x1  }
0x44: {  	_ =	sfence.sel $0xFFFF  }
0x45: {  	[dreg:$0x0] =	wrdreg $0xFFFFFFFF;
	(pc) =	sbr.abs _section_cstart, $3  }
0x46: {  	[dreg:$0x1] =	wrdreg $0xFFFFFFFF  }
0x47: {  	_ =	task.clear_ibuf [dreg:s23], $0x2FFFF;
	_ =	strace $0x9FFFFFFF  }
0x48: {  	(tm) =	ssettm $0x7FFFFFFF  }
0x49: {  	_ =	shalt  }
tec
execute0_lowered:
.L_overlay_start_1:
0x0: {  	(tag) =	ssettag $0x1  }
0x1: {  	s0 =	srdreg.scid  }
0x2: {  	s1 =	sshll.u32 s0, $0x4  }
0x3: {  	s4 =	rddreg [dreg:$0x0];
	s0 =	stileid.u32;
	s1 =	sand.u32 $0x10, s1  }
0x4: {  	s7 =	simm.s32 $0x1;
	s8 =	simm.s32 $0x2;
	s2 =	sor.u32 s0, s1  }
0x5: {  	s9 =	simm.s32 $0x0;
	s12 =	simm.s32 $0x0;
	s2 =	sshll.u32 s2, $0x2  }
0x6: {  	s11 =	simm.s32 $0x0;
	s3 =	sadd.s32 $0x156C00, s4;
	s6 =	ssub.s32 $0xAA0, s2  }
.Ltmp0:
0x7: {  	s4 =	sadd.s32 $0x3FEC00, s4;
	s5 =	sand.u32 $0x7C, s6;
	(pc) =	sbr.rel .LBB1_1-.Ltmp0, $4  }
0x8: {  	s1 =	rddreg [dreg:$0x1];
	_ =	strace $0x8000004A;
	p0 =	sne.s32 s5, $0x0  }
0x9: {  	s6 =	sshrl.u32 s6, $0x7;
	s5 =	simm.s32 $0x1;
	s7 =	simm.s32 @!p0 $0x0  }
0xa: {  	s10 =	smov.u32 s2;
	[sflag:s5] =	ssyncpa.u1 $0x0;
	s6 =	sadd.s32 s7, s6  }
0xb: {  	[sflag:s8] =	ssyncpa.u1 $0x0;
	s8 =	simm.s32 $0x0;
	s7 =	sadd.s32 $0x1, s6  }
.LBB1_9:
0xc: {  	s14 =	sadd.s32 $0x80, s10  }
0xd: {  	p1 =	sgt.s32 s14, $0xA9F  }
0xe: {  	s14 =	smov.u32 @p1 s2;
	p1 =	sne.s32 s11, s7  }
.Ltmp1:
0xf: {  	p0 =	slt.u32 s11, $0x2;
	(pc) =	sbr.rel @!p1 .LBB1_10-.Ltmp1, $4  }
0x10: {  	s13 =	simm.s32 @!p0 $0x2  }
0x11: {  	s15 =	sadd.s32 $0x1, s11;
	_ =	swait.ge @!p0 [sflag:s13], $0x4000  }
0x12: {  	s12 =	smov.u32 s10;
	s9 =	sadd.s32 $0x4000, s9;
	[sflag:s13] =	ssyncset.done @!p0 $0x0  }
0x13: {  	s11 =	smov.u32 s15;
	s10 =	smov.u32 s14;
	[sflag:s13] =	ssyncadd.s32 @!p0 $0xFFFFC000  }
.LBB1_1:
0x14: {  	p0 =	sge.u32 s11, s6  }
0x15: {  	s13 =	sxor.u32 @!p0 $0xFFFFFFFF, s11  }
0x16: {  	s31 =	sadd.s32 $0xFFFFFFFF, s11;
	s14 =	sshll.u32 @!p0 s10, $0x9;
	s13 =	sshll.u32 @!p0 s13, $0xE  }
0x17: {  	s15 =	simm.s32 @!p0 $0x0;
	s14 =	sadd.s32 @!p0 s3, s14;
	s13 =	sand.u32 @!p0 $0x4000, s13  }
0x18: {  	[tilespmem:s13], [sflag:$0x1] =	stream.linear.gather @!p0 [hbm4b:s14+s15], $0x4000, $0x38;
	[tilespmem:$0x10000] =	vst v63  }
0x19: {  	p0 =	sge.u32 s31, s6  }
.Ltmp2:
0x1a: {  	_ = 	snop;
	(pc) =	sbr.rel @p0 .LBB1_9-.Ltmp2, $1  }
0x1b: {  	_ =	sdelay $0x3  }
0x1c: {  	s14 =	sand.u32 $0x4000, s9  }
0x1d: {  	_ =	swait.ge [sflag:s5], $0x4000;
	s15 =	sshll.u32 s11, $0xE;
	s16 =	simm.s32 $0x0  }
0x1e: {  	s13 =	sor.u32 $0x40, s14;
	[sflag:s5] =	ssyncset.done $0x0;
	s15 =	sand.u32 $0x4000, s15  }
0x1f: {  	s14 =	sor.u32 $0x8040, s14;
	[sflag:s5] =	ssyncadd.s32 $0xFFFFC000;
	s15 =	sor.u32 $0x8000, s15  }
.LBB1_3:
0x20: {  	s17 =	smov.u32 s14;
	s18 =	smov.u32 s13;
	s19 =	simm.s32 $0x0  }
.LBB1_4:
0x21: {  	v0 =	vmov s17;
	v2 =	vld [tilespmem:s18+$0x30]  }
0x22: {  	v4 =	vld [tilespmem:s18+$0xFFFFFFD0]  }
0x23: {  	v6 =	vld [tilespmem:s18+$0xFFFFFFE0]  }
0x24: {  	v7 =	vld [tilespmem:s18+$0xFFFFFFF0]  }
0x25: {  	s20 =	simm.s32 $0x0;
	v1 =	vld [tilespmem:s18+$0x0]  }
0x26: {  	v3 =	vld [tilespmem:s18+$0x10];
	[tilespmem:v0+s20+$0x30 ss:$0x1] =	vst.idx.msk $0xffff, v2  }
0x27: {  	v5 =	vld [tilespmem:s18+$0x20];
	[tilespmem:v0+s20+$0xFFFFFFD0 ss:$0x1] =	vst.idx.msk $0xffff, v4  }
0x28: {  	s21 =	sadd.s32 $0x80, s18;
	v2 =	vld [tilespmem:s18+$0xFFFFFFC0];
	[tilespmem:v0+s20+$0xFFFFFFE0 ss:$0x1] =	vst.idx.msk $0xffff, v6  }
0x29: {  	s22 =	simm.s32 $0x800;
	s23 =	simm.s32 $0x1000;
	v4 =	vld [tilespmem:s21+$0x30];
	[tilespmem:v0+s20+$0xFFFFFFF0 ss:$0x1] =	vst.idx.msk $0xffff, v7  }
.LBB1_5:
0x2a: {  	p0 =	sne.s32 s23, $0x3800;
	v6 =	vld [tilespmem:s21+$0xFFFFFFD0];
	[tilespmem:v0+s20+$0x0 ss:$0x1] =	vst.idx.msk $0xffff, v1  }
0x2b: {  	v7 =	vld [tilespmem:s21+$0xFFFFFFE0];
	[tilespmem:v0+s20+$0x10 ss:$0x1] =	vst.idx.msk $0xffff, v3  }
0x2c: {  	v8 =	vld [tilespmem:s21+$0xFFFFFFF0];
	[tilespmem:v0+s20+$0x20 ss:$0x1] =	vst.idx.msk $0xffff, v5  }
.Ltmp3:
0x2d: {  	v1 =	vld [tilespmem:s21+$0x0];
	[tilespmem:v0+s20+$0xFFFFFFC0 ss:$0x1] =	vst.idx.msk $0xffff, v2;
	s20 =	sshra.s32 s22, $0x2;
	s22 =	smov.u32 s23;
	(pc) =	sbr.rel @p0 .LBB1_5-.Ltmp3, $4  }
0x2e: {  	v3 =	vld [tilespmem:s21+$0x10];
	[tilespmem:v0+s20+$0x30 ss:$0x1] =	vst.idx.msk $0xffff, v4  }
0x2f: {  	[tilespmem:v0+s20+$0xFFFFFFD0 ss:$0x1] =	vst.idx.msk $0xffff, v6;
	v5 =	vld [tilespmem:s21+$0x20]  }
0x30: {  	v2 =	vld [tilespmem:s21+$0xFFFFFFC0];
	[tilespmem:v0+s20+$0xFFFFFFE0 ss:$0x1] =	vst.idx.msk $0xffff, v7;
	s21 =	sadd.s32 $0x80, s21  }
0x31: {  	s23 =	sadd.s32 $0x800, s23;
	v4 =	vld [tilespmem:s21+$0x30];
	[tilespmem:v0+s20+$0xFFFFFFF0 ss:$0x1] =	vst.idx.msk $0xffff, v8  }
0x32: {  	_ =	sdelay $0x3  }
0x33: {  	v6 =	vld [tilespmem:s21+$0xFFFFFFD0];
	[tilespmem:v0+s20+$0x0 ss:$0x1] =	vst.idx.msk $0xffff, v1  }
0x34: {  	v58 =	vld [tilespmem:s21+$0xFFFFFFE0];
	[tilespmem:v0+s20+$0x10 ss:$0x1] =	vst.idx.msk $0xffff, v3  }
0x35: {  	v59 =	vld [tilespmem:s21+$0xFFFFFFF0];
	[tilespmem:v0+s20+$0x20 ss:$0x1] =	vst.idx.msk $0xffff, v5  }
0x36: {  	s22 =	sshra.s32 s22, $0x2;
	v60 =	vld [tilespmem:s21+$0x0];
	[tilespmem:v0+s20+$0xFFFFFFC0 ss:$0x1] =	vst.idx.msk $0xffff, v2  }
0x37: {  	v61 =	vld [tilespmem:s21+$0x10];
	[tilespmem:v0+s22+$0x30 ss:$0x1] =	vst.idx.msk $0xffff, v4  }
0x38: {  	v62 =	vld [tilespmem:s21+$0x20];
	s19 =	sadd.s32 $0x1, s19;
	[tilespmem:v0+s22+$0xFFFFFFD0 ss:$0x1] =	vst.idx.msk $0xffff, v6  }
0x39: {  	v63 =	vld [tilespmem:s21+$0xFFFFFFC0];
	p0 =	sne.s32 s19, $0x4;
	[tilespmem:v0+s22+$0xFFFFFFE0 ss:$0x1] =	vst.idx.msk $0xffff, v58  }
.Ltmp4:
0x3a: {  	[tilespmem:v0+s22+$0xFFFFFFF0 ss:$0x1] =	vst.idx.msk $0xffff, v59;
	(pc) =	sbr.rel @p0 .LBB1_4-.Ltmp4, $4  }
0x3b: {  	[tilespmem:v0+s22+$0x0 ss:$0x1] =	vst.idx.msk $0xffff, v60  }
0x3c: {  	[tilespmem:v0+s22+$0x10 ss:$0x1] =	vst.idx.msk $0xffff, v61  }
0x3d: {  	[tilespmem:v0+s22+$0x20 ss:$0x1] =	vst.idx.msk $0xffff, v62  }
0x3e: {  	s18 =	sadd.s32 $0x400, s18;
	s17 =	sadd.s32 $0x80, s17;
	[tilespmem:v0+s22+$0xFFFFFFC0 ss:$0x1] =	vst.idx.msk $0xffff, v63  }
0x3f: {  	s16 =	sadd.s32 $0x1, s16  }
0x40: {  	p0 =	sne.s32 s16, $0x4  }
.Ltmp5:
0x41: {  	_ = 	snop;
	(pc) =	sbr.rel @p0 .LBB1_3-.Ltmp5, $2  }
0x42: {  	_ =	sdelay $0x2  }
0x43: {  	s13 =	sadd.s32 $0x1000, s13;
	s14 =	sadd.s32 $0x1000, s14  }
.Ltmp6:
0x44: {  	(pc) =	sbr.rel .LBB1_9-.Ltmp6, $4  }
0x45: {  	_ = 	snop  }
0x46: {  	s12 =	sshll.u32 s12, $0x9  }
0x47: {  	s12 =	sadd.s32 s4, s12  }
0x48: {  	[hbm4b:s12+s8] =	stream.linear.scatter [tilespmem:s15], [sflag:$0x2], $0x4000, $0x38;
	[tilespmem:$0x10000] =	vst v63  }
.LBB1_10:
0x49: {  	_ =	sfence.sel $0x180000  }
0x4a: {  	s2 =	simm.s32 $0x1;
	[bflag:$0x0] =	sbarrier.arrive $0xFFFF  }
0x4b: {  	s31 =	simm.s32 $0x2;
	[sflag:s2] =	ssyncpa.u1 $0x1  }
0x4c: {  	[sflag:s31] =	ssyncpa.u1 $0x1  }
0x4d: {  	p0 =	sne.s32 s0, $0x0;
	_ =	strace $0x9000004A  }
0x4e: {  	s0 =	sadd.s32 @!p0 $0x100000, s1;
	[bflag:$0x2] =	sbarrier.arrive $0xFFFF  }
0x4f: {  	[sflag:s0] =	ssyncadd.tile.s32 @!p0 $0x1;
	_ =	shalt  }
.Lfunc_end1:
_tile_overlayer_lowered:
.L_overlay_start_2:
0x50: {  	(tag) =	ssettag $0x2  }
0x51: {  	s0 =	rddreg [dreg:$0x0];
	s2 =	stileid.u32  }
0x52: {  	s1 =	rddreg [dreg:$0x1];
	p0 =	sne.s32 s2, $0x0  }
0x53: {  	s3 =	rddreg [dreg:$0x2];
	[bflag:$0x3] =	sbarrier.arrive $0xFFFF;
	s2 =	simm.s32 @!p0 $0x1C01  }
0x54: {  	[timem:s3], [sflag:s2] =	dma.local @!p0 [hbm:s0], s1  }
0x55: {  	s0 =	simm.s32 @!p0 $0x1  }
0x56: {  	_ =	swait.ge @!p0 [sflag:s0], s1  }
0x57: {  	s1 =	ssub.s32 @!p0 $0x0, s1;
	[sflag:s0] =	ssyncset.done @!p0 $0x0  }
0x58: {  	[sflag:s0] =	ssyncadd.s32 @!p0 s1  }
0x59: {  	[bflag:$0x3] =	sbarrier.arrive $0xFFFF  }
0x5a: {  	_ =	shalt  }

// kernel: sparse-core-data-format-call.cloned.1.call-start
scs
called_computation_lowered:
.L_overlay_start_0:
0x0: {  	s1 =	sld [smem:$0x3FD9]  }
0x1: {  	s2 =	sld [smem:$0x3FFE];
	_ =	sdelay $0x1  }
0x2: {  	s3 =	srdreg.scid  }
0x3: {  	s0 =	sand.u32 $0x1, s3  }
0x4: {  	s17 =	sshll.u32 s0, $0xA;
	s1 =	sadd.s32 s2, s1  }
0x5: {  	s1 =	sadd.s32 s1, s17  }
0x6: {  	[smem:$0x3FBD] =	sst s1  }
0x7: {  	_ = 	snop  }
0x8: {  	(tm) =	ssettm $0x1  }
0x9: {  	s18 =	sld [smem:$0x3FFB];
	_ =	sdelay $0x3  }
0xa: {  	_ =	strace s18  }
0xb: {  	s1 =	sld [smem:$0x3FFC];
	_ =	sdelay $0x3  }
0xc: {  	_ =	strace s1  }
0xd: {  	s1 =	sld [smem:$0x3FFD];
	_ =	sdelay $0x3  }
0xe: {  	_ =	strace s1  }
0xf: {  	_ =	strace $0x8FFFFFFF  }
0x10: {  	s19 =	sld [smem:$0x3FDB];
	_ =	sdelay $0x1  }
0x11: {  	s20 =	simm.s32 $_scs_section_size  }
0x12: {  	s4 =	simm.s32 $_size__tile_overlayer_lowered;
	s5 =	simm.s32 $_tile_overlayer_lowered  }
0x13: {  	s23 =	simm.s32 $0x1BFF;
	s22 =	sshll.u32 s5, $0x1;
	s1 =	sadd.s32 s20, s19  }
0x14: {  	s6 =	simm.s32 $0x0;
	s21 =	sshll.u32 s4, $0x1;
	s4 =	sadd.s32 s22, s1  }
0x15: {  	[timem:s6], [sflag:s23] =	dma.local [hbm:s4], s21  }
0x16: {  	_ =	swait.ge [sflag:s23], s21  }
0x17: {  	s2 =	ssub.s32 $0x0, s21;
	[sflag:s23] =	ssyncset.done $0x0  }
0x18: {  	[sflag:s23] =	ssyncadd.s32 s2;
	_ =	sdelay $0x1  }
0x19: {  	s24 =	simm.s32 $0x1B8B  }
0x1a: {  	_ =	swait.ge [sflag:s24], $0x1  }
0x1b: {  	[sflag:s24] =	ssyncset.done $0x0  }
0x1c: {  	s26 =	simm.s32 $0x1B8E;
	s25 =	sld [smem:$0x3FFE];
	[sflag:s24] =	ssyncadd.s32 $0xFFFFFFFF  }
0x1d: {  	s27 =	simm.s32 $execute0_lowered;
	[smem:$0x3FD2] =	sst s26  }
0x1e: {  	s4 =	sshll.u32 s27, $0x1;
	_ =	strace $0x80000046;
	[dreg:$0x1] =	wrdreg $0xFFFFFFFF  }
0x1f: {  	s28 =	simm.s32 $_size_execute0_lowered;
	s1 =	sadd.s32 s1, s4;
	[dreg:$0x0] =	wrdreg $0x0  }
0x20: {  	s4 =	sshll.u32 s28, $0x1;
	[dreg:$0x2] =	wrdreg s1  }
0x21: {  	[dreg:$0x3] =	wrdreg s4  }
0x22: {  	[dreg:$0x4] =	wrdreg $0xC0  }
0x23: {  	_ =	task [dreg:s6], $0x5FFFF  }
0x24: {  	[dreg:$0x1] =	wrdreg $0xFFFFFFFF  }
0x25: {  	[dreg:$0x0] =	wrdreg $0x60  }
0x26: {  	[dreg:$0x2] =	wrdreg s25  }
0x27: {  	[dreg:$0x3] =	wrdreg $0x9  }
0x28: {  	_ =	task.clear_ibuf [dreg:s6], $0x4FFFF;
	_ =	strace $0x90000046  }
0x29: {  	s29 =	simm.s32 $0x9;
	_ =	strace $0x80000048  }
0x2a: {  	_ =	swait.ge [sflag:s29], $0x1  }
0x2b: {  	[sflag:s29] =	ssyncadd.s32 $0xFFFFFFFF  }
0x2c: {  	_ =	strace $0x90000048  }
0x2d: {  	_ =	sfence  }
0x2e: {  	s30 =	sld [smem:$0x0];
	_ =	sdelay $0x2  }
0x2f: {  	s31 =	sshll.u32 s3, $0xD;
	s3 =	sshrl.u32 s3, $0x2  }
0x30: {  	s2 =	sand.u32 $0x4000, s31;
	s1 =	sadd.s32 s3, s30  }
0x31: {  	s0 =	sor.u32 s2, s0;
	s1 =	sshll.u32 s1, $0x11  }
0x32: {  	s0 =	sor.u32 s1, s0  }
0x33: {  	s0 =	sadd.s32 $0x8F2B, s0  }
0x34: {  	[sflag:s0] =	ssyncadd.remote.s32 $0x1  }
0x35: {  	_ =	sfence.sel $0xFFFF  }
0x36: {  	[dreg:$0x0] =	wrdreg $0xFFFFFFFF;
	(pc) =	sbr.abs _section_cstart, $3  }
0x37: {  	[dreg:$0x1] =	wrdreg $0xFFFFFFFF  }
0x38: {  	_ =	task.clear_ibuf [dreg:s6], $0x2FFFF;
	_ =	strace $0x9FFFFFFF  }
0x39: {  	(tm) =	ssettm $0x7FFFFFFF  }
tec
execute0_lowered:
.L_overlay_start_1:
0x0: {  	(tag) =	ssettag $0x1  }
0x1: {  	s0 =	srdreg.scid  }
0x2: {  	s1 =	sshll.u32 s0, $0x4  }
0x3: {  	s4 =	rddreg [dreg:$0x0];
	s0 =	stileid.u32;
	s1 =	sand.u32 $0x10, s1  }
0x4: {  	s7 =	simm.s32 $0x1;
	s8 =	simm.s32 $0x2;
	s1 =	sor.u32 s0, s1  }
0x5: {  	s9 =	simm.s32 $0x0;
	s12 =	simm.s32 $0x0;
	s2 =	sshll.u32 s1, $0x2  }
0x6: {  	s11 =	simm.s32 $0x0;
	s3 =	sadd.s32 $0x2C00, s4;
	s6 =	ssub.s32 $0xAA0, s2  }
.Ltmp0:
0x7: {  	s4 =	sadd.s32 $0x2AAC00, s4;
	s5 =	sand.u32 $0x7C, s6;
	(pc) =	sbr.rel .LBB1_1-.Ltmp0, $4  }
0x8: {  	s1 =	rddreg [dreg:$0x1];
	_ =	strace $0x80000047;
	p0 =	sne.s32 s5, $0x0  }
0x9: {  	s6 =	sshrl.u32 s6, $0x7;
	s5 =	simm.s32 $0x1;
	s7 =	simm.s32 @!p0 $0x0  }
0xa: {  	s10 =	smov.u32 s2;
	[sflag:s5] =	ssyncpa.u1 $0x0;
	s6 =	sadd.s32 s7, s6  }
0xb: {  	[sflag:s8] =	ssyncpa.u1 $0x0;
	s8 =	simm.s32 $0x0;
	s7 =	sadd.s32 $0x1, s6  }
.LBB1_9:
0xc: {  	s14 =	sadd.s32 $0x80, s10  }
0xd: {  	p1 =	sgt.s32 s14, $0xA9F  }
0xe: {  	s14 =	smov.u32 @p1 s2;
	p1 =	sne.s32 s11, s7  }
.Ltmp1:
0xf: {  	p0 =	slt.u32 s11, $0x2;
	(pc) =	sbr.rel @!p1 .LBB1_10-.Ltmp1, $4  }
0x10: {  	s13 =	simm.s32 @!p0 $0x2  }
0x11: {  	s15 =	sadd.s32 $0x1, s11;
	_ =	swait.ge @!p0 [sflag:s13], $0x4000  }
0x12: {  	s12 =	smov.u32 s10;
	s9 =	sadd.s32 $0x4000, s9;
	[sflag:s13] =	ssyncset.done @!p0 $0x0  }
0x13: {  	s11 =	smov.u32 s15;
	s10 =	smov.u32 s14;
	[sflag:s13] =	ssyncadd.s32 @!p0 $0xFFFFC000  }
.LBB1_1:
0x14: {  	p0 =	sge.u32 s11, s6  }
0x15: {  	s13 =	sxor.u32 @!p0 $0xFFFFFFFF, s11  }
0x16: {  	s31 =	sadd.s32 $0xFFFFFFFF, s11;
	s14 =	sshll.u32 @!p0 s10, $0x9;
	s13 =	sshll.u32 @!p0 s13, $0xE  }
0x17: {  	s15 =	simm.s32 @!p0 $0x0;
	s14 =	sadd.s32 @!p0 s3, s14;
	s13 =	sand.u32 @!p0 $0x4000, s13  }
0x18: {  	[tilespmem:s13], [sflag:$0x1] =	stream.linear.gather @!p0 [hbm4b:s14+s15], $0x4000, $0x38;
	[tilespmem:$0x10000] =	vst v63  }
0x19: {  	p0 =	sge.u32 s31, s6  }
.Ltmp2:
0x1a: {  	_ = 	snop;
	(pc) =	sbr.rel @p0 .LBB1_9-.Ltmp2, $1  }
0x1b: {  	_ =	sdelay $0x3  }
0x1c: {  	s14 =	sand.u32 $0x4000, s9  }
0x1d: {  	_ =	swait.ge [sflag:s5], $0x4000;
	s15 =	sshll.u32 s11, $0xE;
	s16 =	simm.s32 $0x0  }
0x1e: {  	s13 =	sor.u32 $0x40, s14;
	[sflag:s5] =	ssyncset.done $0x0;
	s15 =	sand.u32 $0x4000, s15  }
0x1f: {  	s14 =	sor.u32 $0x8040, s14;
	[sflag:s5] =	ssyncadd.s32 $0xFFFFC000;
	s15 =	sor.u32 $0x8000, s15  }
.LBB1_3:
0x20: {  	s17 =	smov.u32 s14;
	s18 =	smov.u32 s13;
	s19 =	simm.s32 $0x0  }
.LBB1_4:
0x21: {  	v0 =	vmov s17;
	v2 =	vld [tilespmem:s18+$0x30]  }
0x22: {  	v4 =	vld [tilespmem:s18+$0xFFFFFFD0]  }
0x23: {  	v6 =	vld [tilespmem:s18+$0xFFFFFFE0]  }
0x24: {  	v7 =	vld [tilespmem:s18+$0xFFFFFFF0]  }
0x25: {  	s20 =	simm.s32 $0x0;
	v1 =	vld [tilespmem:s18+$0x0]  }
0x26: {  	v3 =	vld [tilespmem:s18+$0x10];
	[tilespmem:v0+s20+$0x30 ss:$0x1] =	vst.idx.msk $0xffff, v2  }
0x27: {  	v5 =	vld [tilespmem:s18+$0x20];
	[tilespmem:v0+s20+$0xFFFFFFD0 ss:$0x1] =	vst.idx.msk $0xffff, v4  }
0x28: {  	s21 =	sadd.s32 $0x80, s18;
	v2 =	vld [tilespmem:s18+$0xFFFFFFC0];
	[tilespmem:v0+s20+$0xFFFFFFE0 ss:$0x1] =	vst.idx.msk $0xffff, v6  }
0x29: {  	s22 =	simm.s32 $0x800;
	s23 =	simm.s32 $0x1000;
	v4 =	vld [tilespmem:s21+$0x30];
	[tilespmem:v0+s20+$0xFFFFFFF0 ss:$0x1] =	vst.idx.msk $0xffff, v7  }
.LBB1_5:
0x2a: {  	p0 =	sne.s32 s23, $0x3800;
	v6 =	vld [tilespmem:s21+$0xFFFFFFD0];
	[tilespmem:v0+s20+$0x0 ss:$0x1] =	vst.idx.msk $0xffff, v1  }
0x2b: {  	v7 =	vld [tilespmem:s21+$0xFFFFFFE0];
	[tilespmem:v0+s20+$0x10 ss:$0x1] =	vst.idx.msk $0xffff, v3  }
0x2c: {  	v8 =	vld [tilespmem:s21+$0xFFFFFFF0];
	[tilespmem:v0+s20+$0x20 ss:$0x1] =	vst.idx.msk $0xffff, v5  }
.Ltmp3:
0x2d: {  	v1 =	vld [tilespmem:s21+$0x0];
	[tilespmem:v0+s20+$0xFFFFFFC0 ss:$0x1] =	vst.idx.msk $0xffff, v2;
	s20 =	sshra.s32 s22, $0x2;
	s22 =	smov.u32 s23;
	(pc) =	sbr.rel @p0 .LBB1_5-.Ltmp3, $4  }
0x2e: {  	v3 =	vld [tilespmem:s21+$0x10];
	[tilespmem:v0+s20+$0x30 ss:$0x1] =	vst.idx.msk $0xffff, v4  }
0x2f: {  	[tilespmem:v0+s20+$0xFFFFFFD0 ss:$0x1] =	vst.idx.msk $0xffff, v6;
	v5 =	vld [tilespmem:s21+$0x20]  }
0x30: {  	v2 =	vld [tilespmem:s21+$0xFFFFFFC0];
	[tilespmem:v0+s20+$0xFFFFFFE0 ss:$0x1] =	vst.idx.msk $0xffff, v7;
	s21 =	sadd.s32 $0x80, s21  }
0x31: {  	s23 =	sadd.s32 $0x800, s23;
	v4 =	vld [tilespmem:s21+$0x30];
	[tilespmem:v0+s20+$0xFFFFFFF0 ss:$0x1] =	vst.idx.msk $0xffff, v8  }
0x32: {  	_ =	sdelay $0x3  }
0x33: {  	v6 =	vld [tilespmem:s21+$0xFFFFFFD0];
	[tilespmem:v0+s20+$0x0 ss:$0x1] =	vst.idx.msk $0xffff, v1  }
0x34: {  	v58 =	vld [tilespmem:s21+$0xFFFFFFE0];
	[tilespmem:v0+s20+$0x10 ss:$0x1] =	vst.idx.msk $0xffff, v3  }
0x35: {  	v59 =	vld [tilespmem:s21+$0xFFFFFFF0];
	[tilespmem:v0+s20+$0x20 ss:$0x1] =	vst.idx.msk $0xffff, v5  }
0x36: {  	s22 =	sshra.s32 s22, $0x2;
	v60 =	vld [tilespmem:s21+$0x0];
	[tilespmem:v0+s20+$0xFFFFFFC0 ss:$0x1] =	vst.idx.msk $0xffff, v2  }
0x37: {  	v61 =	vld [tilespmem:s21+$0x10];
	[tilespmem:v0+s22+$0x30 ss:$0x1] =	vst.idx.msk $0xffff, v4  }
0x38: {  	v62 =	vld [tilespmem:s21+$0x20];
	s19 =	sadd.s32 $0x1, s19;
	[tilespmem:v0+s22+$0xFFFFFFD0 ss:$0x1] =	vst.idx.msk $0xffff, v6  }
0x39: {  	v63 =	vld [tilespmem:s21+$0xFFFFFFC0];
	p0 =	sne.s32 s19, $0x4;
	[tilespmem:v0+s22+$0xFFFFFFE0 ss:$0x1] =	vst.idx.msk $0xffff, v58  }
.Ltmp4:
0x3a: {  	[tilespmem:v0+s22+$0xFFFFFFF0 ss:$0x1] =	vst.idx.msk $0xffff, v59;
	(pc) =	sbr.rel @p0 .LBB1_4-.Ltmp4, $4  }
0x3b: {  	[tilespmem:v0+s22+$0x0 ss:$0x1] =	vst.idx.msk $0xffff, v60  }
0x3c: {  	[tilespmem:v0+s22+$0x10 ss:$0x1] =	vst.idx.msk $0xffff, v61  }
0x3d: {  	[tilespmem:v0+s22+$0x20 ss:$0x1] =	vst.idx.msk $0xffff, v62  }
0x3e: {  	s18 =	sadd.s32 $0x400, s18;
	s17 =	sadd.s32 $0x80, s17;
	[tilespmem:v0+s22+$0xFFFFFFC0 ss:$0x1] =	vst.idx.msk $0xffff, v63  }
0x3f: {  	s16 =	sadd.s32 $0x1, s16  }
0x40: {  	p0 =	sne.s32 s16, $0x4  }
.Ltmp5:
0x41: {  	_ = 	snop;
	(pc) =	sbr.rel @p0 .LBB1_3-.Ltmp5, $2  }
0x42: {  	_ =	sdelay $0x2  }
0x43: {  	s13 =	sadd.s32 $0x1000, s13;
	s14 =	sadd.s32 $0x1000, s14  }
.Ltmp6:
0x44: {  	(pc) =	sbr.rel .LBB1_9-.Ltmp6, $4  }
0x45: {  	_ = 	snop  }
0x46: {  	s12 =	sshll.u32 s12, $0x9  }
0x47: {  	s12 =	sadd.s32 s4, s12  }
0x48: {  	[hbm4b:s12+s8] =	stream.linear.scatter [tilespmem:s15], [sflag:$0x2], $0x4000, $0x38;
	[tilespmem:$0x10000] =	vst v63  }
.LBB1_10:
0x49: {  	_ =	sfence.sel $0x180000  }
0x4a: {  	s2 =	simm.s32 $0x1;
	[bflag:$0x0] =	sbarrier.arrive $0xFFFF  }
0x4b: {  	s31 =	simm.s32 $0x2;
	[sflag:s2] =	ssyncpa.u1 $0x1  }
0x4c: {  	[sflag:s31] =	ssyncpa.u1 $0x1  }
0x4d: {  	p0 =	sne.s32 s0, $0x0;
	_ =	strace $0x90000047  }
0x4e: {  	s0 =	sadd.s32 @!p0 $0x100000, s1;
	[bflag:$0x2] =	sbarrier.arrive $0xFFFF  }
0x4f: {  	[sflag:s0] =	ssyncadd.tile.s32 @!p0 $0x1;
	_ =	shalt  }
.Lfunc_end1:
_tile_overlayer_lowered:
.L_overlay_start_2:
0x50: {  	(tag) =	ssettag $0x2  }
0x51: {  	s0 =	rddreg [dreg:$0x0];
	s2 =	stileid.u32  }
0x52: {  	s1 =	rddreg [dreg:$0x1];
	p0 =	sne.s32 s2, $0x0  }
0x53: {  	s3 =	rddreg [dreg:$0x2];
	[bflag:$0x3] =	sbarrier.arrive $0xFFFF;
	s2 =	simm.s32 @!p0 $0x1C01  }
0x54: {  	[timem:s3], [sflag:s2] =	dma.local @!p0 [hbm:s0], s1  }
0x55: {  	s0 =	simm.s32 @!p0 $0x1  }
0x56: {  	_ =	swait.ge @!p0 [sflag:s0], s1  }
0x57: {  	s1 =	ssub.s32 @!p0 $0x0, s1;
	[sflag:s0] =	ssyncset.done @!p0 $0x0  }
0x58: {  	[sflag:s0] =	ssyncadd.s32 @!p0 s1  }
0x59: {  	[bflag:$0x3] =	sbarrier.arrive $0xFFFF  }
0x5a: {  	_ =	shalt  }

</sc_bundles>
